<compile_context>
chip_gen: v7x
topology: tpu7x:2x2x1
jax: 0.10.2.dev20260603
libtpu: 0.0.44.dev20260713+nightly
codegen_flags: <defaults>
</compile_context>

<pallas_src>
import jax
import jax.numpy as jnp
from jax.experimental import pallas as pl

N = 13860
NP = 14336
ROWS = 112
H = 512
W = 512
OUT = 517


def _rank_body(zc_ref, zr_ref, mc_ref, aux_ref, out_ref):
    zi = zc_ref[0]
    acc = jnp.zeros((128, 128), jnp.float32)
    for r in range(ROWS):
        rowv = zr_ref[0, r : r + 1, :]
        acc = acc + (rowv < zi).astype(jnp.float32)
    c = jnp.sum(acc, axis=1, keepdims=True)
    a = aux_ref[0]
    denom = a[0:1, 0:1]
    nfg = a[0:1, 1:2]
    scaled = (1.0 - c / denom) * 0.6 + 0.2
    val = jnp.where(nfg > 1.5, scaled, 0.5)
    m = mc_ref[0]
    out_ref[0] = jnp.where(m > 0.5, val, 1.0)


def _erode_body(img_ref, out_ref):
    x = img_ref[0]
    mid = jnp.concatenate(
        [
            jnp.full((512, 8), 1.0, jnp.float32),
            x,
            jnp.full((512, 120), 1.0, jnp.float32),
        ],
        axis=1,
    )
    buf = jnp.concatenate(
        [
            jnp.full((8, 640), 1.0, jnp.float32),
            mid,
            jnp.full((8, 640), 1.0, jnp.float32),
        ],
        axis=0,
    )
    one_r1 = jnp.full((1, 640), 1.0, jnp.float32)
    one_r2 = jnp.full((2, 640), 1.0, jnp.float32)
    one_c1 = jnp.full((528, 1), 1.0, jnp.float32)
    one_c2 = jnp.full((528, 2), 1.0, jnp.float32)
    for _ in range(5):
        dn1 = jnp.concatenate([one_r1, buf[:-1]], axis=0)
        up1 = jnp.concatenate([buf[1:], one_r1], axis=0)
        up2 = jnp.concatenate([buf[2:], one_r2], axis=0)
        buf = jnp.minimum(jnp.minimum(dn1, buf), jnp.minimum(up1, up2))
        le1 = jnp.concatenate([one_c1, buf[:, :-1]], axis=1)
        ri1 = jnp.concatenate([buf[:, 1:], one_c1], axis=1)
        ri2 = jnp.concatenate([buf[:, 2:], one_c2], axis=1)
        buf = jnp.minimum(jnp.minimum(le1, buf), jnp.minimum(ri1, ri2))
    out_ref[0] = jax.lax.slice(buf, (3, 3), (3 + OUT, 3 + OUT))


def kernel(V_matrix, P_matrix, raw_base_points):
    B = V_matrix.shape[0]
    VP = jnp.matmul(P_matrix, V_matrix)
    points = jnp.broadcast_to(
        raw_base_points[None], (B,) + raw_base_points.shape
    )
    tph = jnp.matmul(points, jnp.swapaxes(VP, 1, 2))
    wq = tph[..., 3:4]
    ndc = jnp.where(wq != 0, tph[..., :3] / wq, tph[..., :3])
    sx = (ndc[..., 0] + 1.0) * 0.5 * W
    sy = (1.0 - (ndc[..., 1] + 1.0) * 0.5) * H
    xi = jnp.round(sx).astype(jnp.int32)
    yi = jnp.round(sy).astype(jnp.int32)
    valid = (xi >= 0) & (xi < W) & (yi >= 0) & (yi < H)
    xc = jnp.clip(xi, 0, W - 1)
    yc = jnp.clip(yi, 0, H - 1)
    p_live = yc * W + xc
    z_live = jnp.where(valid, ndc[..., 2], 2.0)

    pad_p = jnp.zeros((B, NP - N), jnp.int32)
    pad_z = jnp.full((B, NP - N), 2.0, jnp.float32)
    p = jnp.concatenate([p_live, pad_p], axis=1)
    z = jnp.concatenate([z_live, pad_z], axis=1)

    bidx = jnp.arange(B)[:, None]
    zb = jnp.full((B, H * W), 2.0, jnp.float32).at[bidx, p].min(z)
    zb_at = jnp.take_along_axis(zb, p, axis=1)
    m = (z < 2.0) & (z == zb_at)
    nfg = jnp.sum(m, axis=1).astype(jnp.float32)
    denom = jnp.maximum(nfg - 1.0, 1.0)
    aux = (
        jnp.zeros((B, 1, 128), jnp.float32)
        .at[:, 0, 0]
        .set(denom)
        .at[:, 0, 1]
        .set(nfg)
    )
    zkey = jnp.where(m, z, 4.0)

    vals = pl.pallas_call(
        _rank_body,
        grid=(B, NP // 128),
        in_specs=[
            pl.BlockSpec((1, 128, 1), lambda b, i: (b, i, 0)),
            pl.BlockSpec((1, ROWS, 128), lambda b, i: (b, 0, 0)),
            pl.BlockSpec((1, 128, 1), lambda b, i: (b, i, 0)),
            pl.BlockSpec((1, 1, 128), lambda b, i: (b, 0, 0)),
        ],
        out_specs=pl.BlockSpec((1, 128, 1), lambda b, i: (b, i, 0)),
        out_shape=jax.ShapeDtypeStruct((B, NP, 1), jnp.float32),
    )(
        zkey.reshape(B, NP, 1),
        zkey.reshape(B, ROWS, 128),
        m.astype(jnp.float32).reshape(B, NP, 1),
        aux,
    )

    img = (
        jnp.full((B, H * W), 1.0, jnp.float32)
        .at[bidx, p]
        .min(vals.reshape(B, NP))
        .reshape(B, H, W)
    )

    out = pl.pallas_call(
        _erode_body,
        grid=(B,),
        in_specs=[pl.BlockSpec((1, H, W), lambda b: (b, 0, 0))],
        out_specs=pl.BlockSpec((1, OUT, OUT), lambda b: (b, 0, 0)),
        out_shape=jax.ShapeDtypeStruct((B, OUT, OUT), jnp.float32),
    )(img)

    return out[:, None]

# --- scband reference (transcript-rebuilt; emitter-appended) ---
"""Pipeline reference for scband-vpmatrix-points-depth-15187004359122 (READ-ONLY COPY).

The authoritative reference and input builder live on the scoring server;
editing this copy changes nothing except your own understanding.
"""

import jax, jax.numpy as jnp
import numpy as np

BATCH = 8
N_POINTS = 13860
IMAGE_W = 512
IMAGE_H = 512
KERNEL = 4
ITERS = 5


def setup_inputs(seed: int = 0):
    key = jax.random.key(seed)
    k1, k2, k3 = jax.random.split(key, 3)
    V = jax.random.normal(k1, (BATCH, 4, 4), dtype=jnp.float32)
    P = jax.random.normal(k2, (BATCH, 4, 4), dtype=jnp.float32)
    pts = jax.random.normal(k3, (N_POINTS, 4), dtype=jnp.float32)
    pts = pts.at[:, 3].set(1.0)  # homogeneous coordinate
    return {"V_matrix": V, "P_matrix": P, "raw_base_points": pts}


def _forward(V_matrix, P_matrix, raw_base_points):
    B = V_matrix.shape[0]
    H, W = IMAGE_H, IMAGE_W
    VP = jnp.matmul(P_matrix, V_matrix)
    points = jnp.broadcast_to(raw_base_points[None], (B,) + raw_base_points.shape)
    tph = jnp.matmul(points, jnp.swapaxes(VP, 1, 2))
    w = tph[..., 3:4]
    ndc = jnp.where(w != 0, tph[..., :3] / w, tph[..., :3])
    sx = (ndc[..., 0] + 1.0) * 0.5 * W
    sy = (1.0 - (ndc[..., 1] + 1.0) * 0.5) * H
    xi = jnp.round(sx).astype(jnp.int32)
    yi = jnp.round(sy).astype(jnp.int32)
    maps = []
    for b in range(B):
        valid = (xi[b] >= 0) & (xi[b] < W) & (yi[b] >= 0) & (yi[b] < H)
        xc = jnp.clip(xi[b], 0, W - 1)
        yc = jnp.clip(yi[b], 0, H - 1)
        # painter's algorithm (sorted-descending overwrite) == scatter-min; invalid
        # points write the sentinel 2.0 which is a no-op under min
        writes = jnp.where(valid, ndc[b, :, 2], jnp.asarray(2.0, ndc.dtype))
        zb = jnp.full((H, W), 2.0, dtype=ndc.dtype).at[yc, xc].min(writes)
        fg = zb < 2.0
        flat = zb.reshape(-1)
        # rank among foreground == rank in the full flattened buffer, because every
        # background pixel holds the sentinel 2.0 which exceeds all foreground depths
        ranks = jnp.argsort(jnp.argsort(flat)).astype(ndc.dtype)
        nfg = jnp.sum(fg)
        denom = jnp.maximum(nfg - 1, 1).astype(ndc.dtype)
        scaled = (1.0 - ranks / denom) * 0.6 + 0.2
        scaled = jnp.where(nfg > 1, scaled, jnp.asarray(0.5, ndc.dtype))
        maps.append(jnp.where(fg, scaled.reshape(H, W), jnp.asarray(1.0, ndc.dtype)))
    final = jnp.stack(maps)[:, None]
    # morphological erosion via negated max-pool: kernel=4, stride=1, pad=2, 5 iters
    # (even kernel + pad=2 grows the map by 1 pixel per iteration, matching torch)
    pad = KERNEL // 2
    sm = final
    for _ in range(ITERS):
        padded = jnp.pad(-sm, ((0, 0), (0, 0), (pad, pad), (pad, pad)), constant_values=-1.0)
        pooled = jax.lax.reduce_window(padded, -jnp.inf, jax.lax.max, (1, 1, KERNEL, KERNEL), (1, 1, 1, 1), 'VALID')
        sm = -pooled
    return sm


def reference(V_matrix, P_matrix, raw_base_points):
    return _forward(V_matrix, P_matrix, raw_base_points)

if __name__ == "__main__":
    import jax
    _d = setup_inputs()
    print(jax.jit(kernel)(*tuple(_d.values())))

</pallas_src>

<mosaic_0001>
module attributes {stable_mosaic.version = 14 : i64} {
  func.func @_rank_body(%arg0: i32, %arg1: i32, %arg2: memref<1x128x1xf32, #tpu.memory_space<vmem>>, %arg3: memref<1x112x128xf32, #tpu.memory_space<vmem>>, %arg4: memref<1x128x1xf32, #tpu.memory_space<vmem>>, %arg5: memref<1x1x128xf32, #tpu.memory_space<vmem>>, %arg6: memref<1x128x1xf32, #tpu.memory_space<vmem>>) attributes {dimension_semantics = [#tpu.dimension_semantics<arbitrary>, #tpu.dimension_semantics<arbitrary>], iteration_bounds = array<i64: 8, 112>, scalar_prefetch = 0 : i64, scratch_operands = 0 : i64, tpu.core_type = #tpu.core_type<tc>, window_params = [{transform_indices = @transform_0, window_bounds = array<i64: 1, 128, 1>}, {transform_indices = @transform_1, window_bounds = array<i64: 1, 112, 128>}, {transform_indices = @transform_2, window_bounds = array<i64: 1, 128, 1>}, {transform_indices = @transform_3, window_bounds = array<i64: 1, 1, 128>}, {transform_indices = @transform_4, window_bounds = array<i64: 1, 128, 1>}]} {
    %get3A = arith.constant 0 : index
    %get3A_0 = arith.constant 0 : index
    %get3A_1 = arith.constant 0 : index
    %get3A_2 = vector.load %arg2[%get3A, %get3A_0, %get3A_1] : memref<1x128x1xf32, #tpu.memory_space<vmem>>, vector<1x128x1xf32>
    %get3A_3 = vector.shape_cast %get3A_2 : vector<1x128x1xf32> to vector<128x1xf32>
    %broadcast_in_dim3A = arith.constant 0.000000e+00 : f32
    %broadcast_in_dim3A_4 = vector.broadcast %broadcast_in_dim3A : f32 to vector<128x128xf32>
    %get3A_5 = arith.constant 0 : index
    %get3A_6 = arith.constant 0 : index
    %get3A_7 = arith.constant 0 : index
    %get3A_8 = vector.load %arg3[%get3A_5, %get3A_6, %get3A_7] : memref<1x112x128xf32, #tpu.memory_space<vmem>>, vector<1x1x128xf32>
    %get3A_9 = vector.shape_cast %get3A_8 : vector<1x1x128xf32> to vector<1x128xf32>
    %lt3A = vector.broadcast %get3A_9 : vector<1x128xf32> to vector<128x128xf32>
    %lt3A_10 = vector.broadcast %get3A_3 : vector<128x1xf32> to vector<128x128xf32>
    %lt3A_11 = arith.cmpf olt, %lt3A, %lt3A_10 : vector<128x128xf32>
    %convert_element_type3A = arith.extui %lt3A_11 : vector<128x128xi1> to vector<128x128xi32>
    %convert_element_type3A_12 = arith.sitofp %convert_element_type3A : vector<128x128xi32> to vector<128x128xf32>
    %add3A = arith.addf %broadcast_in_dim3A_4, %convert_element_type3A_12 : vector<128x128xf32>
    %get3A_13 = arith.constant 0 : index
    %get3A_14 = arith.constant 1 : index
    %get3A_15 = arith.constant 0 : index
    %get3A_16 = vector.load %arg3[%get3A_13, %get3A_14, %get3A_15] : memref<1x112x128xf32, #tpu.memory_space<vmem>>, vector<1x1x128xf32>
    %get3A_17 = vector.shape_cast %get3A_16 : vector<1x1x128xf32> to vector<1x128xf32>
    %lt3A_18 = vector.broadcast %get3A_17 : vector<1x128xf32> to vector<128x128xf32>
    %lt3A_19 = vector.broadcast %get3A_3 : vector<128x1xf32> to vector<128x128xf32>
    %lt3A_20 = arith.cmpf olt, %lt3A_18, %lt3A_19 : vector<128x128xf32>
    %convert_element_type3A_21 = arith.extui %lt3A_20 : vector<128x128xi1> to vector<128x128xi32>
    %convert_element_type3A_22 = arith.sitofp %convert_element_type3A_21 : vector<128x128xi32> to vector<128x128xf32>
    %add3A_23 = arith.addf %add3A, %convert_element_type3A_22 : vector<128x128xf32>
    %get3A_24 = arith.constant 0 : index
    %get3A_25 = arith.constant 2 : index
    %get3A_26 = arith.constant 0 : index
    %get3A_27 = vector.load %arg3[%get3A_24, %get3A_25, %get3A_26] : memref<1x112x128xf32, #tpu.memory_space<vmem>>, vector<1x1x128xf32>
    %get3A_28 = vector.shape_cast %get3A_27 : vector<1x1x128xf32> to vector<1x128xf32>
    %lt3A_29 = vector.broadcast %get3A_28 : vector<1x128xf32> to vector<128x128xf32>
    %lt3A_30 = vector.broadcast %get3A_3 : vector<128x1xf32> to vector<128x128xf32>
    %lt3A_31 = arith.cmpf olt, %lt3A_29, %lt3A_30 : vector<128x128xf32>
    %convert_element_type3A_32 = arith.extui %lt3A_31 : vector<128x128xi1> to vector<128x128xi32>
    %convert_element_type3A_33 = arith.sitofp %convert_element_type3A_32 : vector<128x128xi32> to vector<128x128xf32>
    %add3A_34 = arith.addf %add3A_23, %convert_element_type3A_33 : vector<128x128xf32>
    %get3A_35 = arith.constant 0 : index
    %get3A_36 = arith.constant 3 : index
    %get3A_37 = arith.constant 0 : index
    %get3A_38 = vector.load %arg3[%get3A_35, %get3A_36, %get3A_37] : memref<1x112x128xf32, #tpu.memory_space<vmem>>, vector<1x1x128xf32>
    %get3A_39 = vector.shape_cast %get3A_38 : vector<1x1x128xf32> to vector<1x128xf32>
    %lt3A_40 = vector.broadcast %get3A_39 : vector<1x128xf32> to vector<128x128xf32>
    %lt3A_41 = vector.broadcast %get3A_3 : vector<128x1xf32> to vector<128x128xf32>
    %lt3A_42 = arith.cmpf olt, %lt3A_40, %lt3A_41 : vector<128x128xf32>
    %convert_element_type3A_43 = arith.extui %lt3A_42 : vector<128x128xi1> to vector<128x128xi32>
    %convert_element_type3A_44 = arith.sitofp %convert_element_type3A_43 : vector<128x128xi32> to vector<128x128xf32>
    %add3A_45 = arith.addf %add3A_34, %convert_element_type3A_44 : vector<128x128xf32>
    %get3A_46 = arith.constant 0 : index
    %get3A_47 = arith.constant 4 : index
    %get3A_48 = arith.constant 0 : index
    %get3A_49 = vector.load %arg3[%get3A_46, %get3A_47, %get3A_48] : memref<1x112x128xf32, #tpu.memory_space<vmem>>, vector<1x1x128xf32>
    %get3A_50 = vector.shape_cast %get3A_49 : vector<1x1x128xf32> to vector<1x128xf32>
    %lt3A_51 = vector.broadcast %get3A_50 : vector<1x128xf32> to vector<128x128xf32>
    %lt3A_52 = vector.broadcast %get3A_3 : vector<128x1xf32> to vector<128x128xf32>
    %lt3A_53 = arith.cmpf olt, %lt3A_51, %lt3A_52 : vector<128x128xf32>
    %convert_element_type3A_54 = arith.extui %lt3A_53 : vector<128x128xi1> to vector<128x128xi32>
    %convert_element_type3A_55 = arith.sitofp %convert_element_type3A_54 : vector<128x128xi32> to vector<128x128xf32>
    %add3A_56 = arith.addf %add3A_45, %convert_element_type3A_55 : vector<128x128xf32>
    %get3A_57 = arith.constant 0 : index
    %get3A_58 = arith.constant 5 : index
    %get3A_59 = arith.constant 0 : index
    %get3A_60 = vector.load %arg3[%get3A_57, %get3A_58, %get3A_59] : memref<1x112x128xf32, #tpu.memory_space<vmem>>, vector<1x1x128xf32>
    %get3A_61 = vector.shape_cast %get3A_60 : vector<1x1x128xf32> to vector<1x128xf32>
    %lt3A_62 = vector.broadcast %get3A_61 : vector<1x128xf32> to vector<128x128xf32>
    %lt3A_63 = vector.broadcast %get3A_3 : vector<128x1xf32> to vector<128x128xf32>
    %lt3A_64 = arith.cmpf olt, %lt3A_62, %lt3A_63 : vector<128x128xf32>
    %convert_element_type3A_65 = arith.extui %lt3A_64 : vector<128x128xi1> to vector<128x128xi32>
    %convert_element_type3A_66 = arith.sitofp %convert_element_type3A_65 : vector<128x128xi32> to vector<128x128xf32>
    %add3A_67 = arith.addf %add3A_56, %convert_element_type3A_66 : vector<128x128xf32>
    %get3A_68 = arith.constant 0 : index
    %get3A_69 = arith.constant 6 : index
    %get3A_70 = arith.constant 0 : index
    %get3A_71 = vector.load %arg3[%get3A_68, %get3A_69, %get3A_70] : memref<1x112x128xf32, #tpu.memory_space<vmem>>, vector<1x1x128xf32>
    %get3A_72 = vector.shape_cast %get3A_71 : vector<1x1x128xf32> to vector<1x128xf32>
    %lt3A_73 = vector.broadcast %get3A_72 : vector<1x128xf32> to vector<128x128xf32>
    %lt3A_74 = vector.broadcast %get3A_3 : vector<128x1xf32> to vector<128x128xf32>
    %lt3A_75 = arith.cmpf olt, %lt3A_73, %lt3A_74 : vector<128x128xf32>
    %convert_element_type3A_76 = arith.extui %lt3A_75 : vector<128x128xi1> to vector<128x128xi32>
    %convert_element_type3A_77 = arith.sitofp %convert_element_type3A_76 : vector<128x128xi32> to vector<128x128xf32>
    %add3A_78 = arith.addf %add3A_67, %convert_element_type3A_77 : vector<128x128xf32>
    %get3A_79 = arith.constant 0 : index
    %get3A_80 = arith.constant 7 : index
    %get3A_81 = arith.constant 0 : index
    %get3A_82 = vector.load %arg3[%get3A_79, %get3A_80, %get3A_81] : memref<1x112x128xf32, #tpu.memory_space<vmem>>, vector<1x1x128xf32>
    %get3A_83 = vector.shape_cast %get3A_82 : vector<1x1x128xf32> to vector<1x128xf32>
    %lt3A_84 = vector.broadcast %get3A_83 : vector<1x128xf32> to vector<128x128xf32>
    %lt3A_85 = vector.broadcast %get3A_3 : vector<128x1xf32> to vector<128x128xf32>
    %lt3A_86 = arith.cmpf olt, %lt3A_84, %lt3A_85 : vector<128x128xf32>
    %convert_element_type3A_87 = arith.extui %lt3A_86 : vector<128x128xi1> to vector<128x128xi32>
    %convert_element_type3A_88 = arith.sitofp %convert_element_type3A_87 : vector<128x128xi32> to vector<128x128xf32>
    %add3A_89 = arith.addf %add3A_78, %convert_element_type3A_88 : vector<128x128xf32>
    %get3A_90 = arith.constant 0 : index
    %get3A_91 = arith.constant 8 : index
    %get3A_92 = arith.constant 0 : index
    %get3A_93 = vector.load %arg3[%get3A_90, %get3A_91, %get3A_92] : memref<1x112x128xf32, #tpu.memory_space<vmem>>, vector<1x1x128xf32>
    %get3A_94 = vector.shape_cast %get3A_93 : vector<1x1x128xf32> to vector<1x128xf32>
    %lt3A_95 = vector.broadcast %get3A_94 : vector<1x128xf32> to vector<128x128xf32>
    %lt3A_96 = vector.broadcast %get3A_3 : vector<128x1xf32> to vector<128x128xf32>
    %lt3A_97 = arith.cmpf olt, %lt3A_95, %lt3A_96 : vector<128x128xf32>
    %convert_element_type3A_98 = arith.extui %lt3A_97 : vector<128x128xi1> to vector<128x128xi32>
    %convert_element_type3A_99 = arith.sitofp %convert_element_type3A_98 : vector<128x128xi32> to vector<128x128xf32>
    %add3A_100 = arith.addf %add3A_89, %convert_element_type3A_99 : vector<128x128xf32>
    %get3A_101 = arith.constant 0 : index
    %get3A_102 = arith.constant 9 : index
    %get3A_103 = arith.constant 0 : index
    %get3A_104 = vector.load %arg3[%get3A_101, %get3A_102, %get3A_103] : memref<1x112x128xf32, #tpu.memory_space<vmem>>, vector<1x1x128xf32>
    %get3A_105 = vector.shape_cast %get3A_104 : vector<1x1x128xf32> to vector<1x128xf32>
    %lt3A_106 = vector.broadcast %get3A_105 : vector<1x128xf32> to vector<128x128xf32>
    %lt3A_107 = vector.broadcast %get3A_3 : vector<128x1xf32> to vector<128x128xf32>
    %lt3A_108 = arith.cmpf olt, %lt3A_106, %lt3A_107 : vector<128x128xf32>
    %convert_element_type3A_109 = arith.extui %lt3A_108 : vector<128x128xi1> to vector<128x128xi32>
    %convert_element_type3A_110 = arith.sitofp %convert_element_type3A_109 : vector<128x128xi32> to vector<128x128xf32>
    %add3A_111 = arith.addf %add3A_100, %convert_element_type3A_110 : vector<128x128xf32>
    %get3A_112 = arith.constant 0 : index
    %get3A_113 = arith.constant 10 : index
    %get3A_114 = arith.constant 0 : index
    %get3A_115 = vector.load %arg3[%get3A_112, %get3A_113, %get3A_114] : memref<1x112x128xf32, #tpu.memory_space<vmem>>, vector<1x1x128xf32>
    %get3A_116 = vector.shape_cast %get3A_115 : vector<1x1x128xf32> to vector<1x128xf32>
    %lt3A_117 = vector.broadcast %get3A_116 : vector<1x128xf32> to vector<128x128xf32>
    %lt3A_118 = vector.broadcast %get3A_3 : vector<128x1xf32> to vector<128x128xf32>
    %lt3A_119 = arith.cmpf olt, %lt3A_117, %lt3A_118 : vector<128x128xf32>
    %convert_element_type3A_120 = arith.extui %lt3A_119 : vector<128x128xi1> to vector<128x128xi32>
    %convert_element_type3A_121 = arith.sitofp %convert_element_type3A_120 : vector<128x128xi32> to vector<128x128xf32>
    %add3A_122 = arith.addf %add3A_111, %convert_element_type3A_121 : vector<128x128xf32>
    %get3A_123 = arith.constant 0 : index
    %get3A_124 = arith.constant 11 : index
    %get3A_125 = arith.constant 0 : index
    %get3A_126 = vector.load %arg3[%get3A_123, %get3A_124, %get3A_125] : memref<1x112x128xf32, #tpu.memory_space<vmem>>, vector<1x1x128xf32>
    %get3A_127 = vector.shape_cast %get3A_126 : vector<1x1x128xf32> to vector<1x128xf32>
    %lt3A_128 = vector.broadcast %get3A_127 : vector<1x128xf32> to vector<128x128xf32>
    %lt3A_129 = vector.broadcast %get3A_3 : vector<128x1xf32> to vector<128x128xf32>
    %lt3A_130 = arith.cmpf olt, %lt3A_128, %lt3A_129 : vector<128x128xf32>
    %convert_element_type3A_131 = arith.extui %lt3A_130 : vector<128x128xi1> to vector<128x128xi32>
    %convert_element_type3A_132 = arith.sitofp %convert_element_type3A_131 : vector<128x128xi32> to vector<128x128xf32>
    %add3A_133 = arith.addf %add3A_122, %convert_element_type3A_132 : vector<128x128xf32>
    %get3A_134 = arith.constant 0 : index
    %get3A_135 = arith.constant 12 : index
    %get3A_136 = arith.constant 0 : index
    %get3A_137 = vector.load %arg3[%get3A_134, %get3A_135, %get3A_136] : memref<1x112x128xf32, #tpu.memory_space<vmem>>, vector<1x1x128xf32>
    %get3A_138 = vector.shape_cast %get3A_137 : vector<1x1x128xf32> to vector<1x128xf32>
    %lt3A_139 = vector.broadcast %get3A_138 : vector<1x128xf32> to vector<128x128xf32>
    %lt3A_140 = vector.broadcast %get3A_3 : vector<128x1xf32> to vector<128x128xf32>
    %lt3A_141 = arith.cmpf olt, %lt3A_139, %lt3A_140 : vector<128x128xf32>
    %convert_element_type3A_142 = arith.extui %lt3A_141 : vector<128x128xi1> to vector<128x128xi32>
    %convert_element_type3A_143 = arith.sitofp %convert_element_type3A_142 : vector<128x128xi32> to vector<128x128xf32>
    %add3A_144 = arith.addf %add3A_133, %convert_element_type3A_143 : vector<128x128xf32>
    %get3A_145 = arith.constant 0 : index
    %get3A_146 = arith.constant 13 : index
    %get3A_147 = arith.constant 0 : index
    %get3A_148 = vector.load %arg3[%get3A_145, %get3A_146, %get3A_147] : memref<1x112x128xf32, #tpu.memory_space<vmem>>, vector<1x1x128xf32>
    %get3A_149 = vector.shape_cast %get3A_148 : vector<1x1x128xf32> to vector<1x128xf32>
    %lt3A_150 = vector.broadcast %get3A_149 : vector<1x128xf32> to vector<128x128xf32>
    %lt3A_151 = vector.broadcast %get3A_3 : vector<128x1xf32> to vector<128x128xf32>
    %lt3A_152 = arith.cmpf olt, %lt3A_150, %lt3A_151 : vector<128x128xf32>
    %convert_element_type3A_153 = arith.extui %lt3A_152 : vector<128x128xi1> to vector<128x128xi32>
    %convert_element_type3A_154 = arith.sitofp %convert_element_type3A_153 : vector<128x128xi32> to vector<128x128xf32>
    %add3A_155 = arith.addf %add3A_144, %convert_element_type3A_154 : vector<128x128xf32>
    %get3A_156 = arith.constant 0 : index
    %get3A_157 = arith.constant 14 : index
    %get3A_158 = arith.constant 0 : index
    %get3A_159 = vector.load %arg3[%get3A_156, %get3A_157, %get3A_158] : memref<1x112x128xf32, #tpu.memory_space<vmem>>, vector<1x1x128xf32>
    %get3A_160 = vector.shape_cast %get3A_159 : vector<1x1x128xf32> to vector<1x128xf32>
    %lt3A_161 = vector.broadcast %get3A_160 : vector<1x128xf32> to vector<128x128xf32>
    %lt3A_162 = vector.broadcast %get3A_3 : vector<128x1xf32> to vector<128x128xf32>
    %lt3A_163 = arith.cmpf olt, %lt3A_161, %lt3A_162 : vector<128x128xf32>
    %convert_element_type3A_164 = arith.extui %lt3A_163 : vector<128x128xi1> to vector<128x128xi32>
    %convert_element_type3A_165 = arith.sitofp %convert_element_type3A_164 : vector<128x128xi32> to vector<128x128xf32>
    %add3A_166 = arith.addf %add3A_155, %convert_element_type3A_165 : vector<128x128xf32>
    %get3A_167 = arith.constant 0 : index
    %get3A_168 = arith.constant 15 : index
    %get3A_169 = arith.constant 0 : index
    %get3A_170 = vector.load %arg3[%get3A_167, %get3A_168, %get3A_169] : memref<1x112x128xf32, #tpu.memory_space<vmem>>, vector<1x1x128xf32>
    %get3A_171 = vector.shape_cast %get3A_170 : vector<1x1x128xf32> to vector<1x128xf32>
    %lt3A_172 = vector.broadcast %get3A_171 : vector<1x128xf32> to vector<128x128xf32>
    %lt3A_173 = vector.broadcast %get3A_3 : vector<128x1xf32> to vector<128x128xf32>
    %lt3A_174 = arith.cmpf olt, %lt3A_172, %lt3A_173 : vector<128x128xf32>
    %convert_element_type3A_175 = arith.extui %lt3A_174 : vector<128x128xi1> to vector<128x128xi32>
    %convert_element_type3A_176 = arith.sitofp %convert_element_type3A_175 : vector<128x128xi32> to vector<128x128xf32>
    %add3A_177 = arith.addf %add3A_166, %convert_element_type3A_176 : vector<128x128xf32>
    %get3A_178 = arith.constant 0 : index
    %get3A_179 = arith.constant 16 : index
    %get3A_180 = arith.constant 0 : index
    %get3A_181 = vector.load %arg3[%get3A_178, %get3A_179, %get3A_180] : memref<1x112x128xf32, #tpu.memory_space<vmem>>, vector<1x1x128xf32>
    %get3A_182 = vector.shape_cast %get3A_181 : vector<1x1x128xf32> to vector<1x128xf32>
    %lt3A_183 = vector.broadcast %get3A_182 : vector<1x128xf32> to vector<128x128xf32>
    %lt3A_184 = vector.broadcast %get3A_3 : vector<128x1xf32> to vector<128x128xf32>
    %lt3A_185 = arith.cmpf olt, %lt3A_183, %lt3A_184 : vector<128x128xf32>
    %convert_element_type3A_186 = arith.extui %lt3A_185 : vector<128x128xi1> to vector<128x128xi32>
    %convert_element_type3A_187 = arith.sitofp %convert_element_type3A_186 : vector<128x128xi32> to vector<128x128xf32>
    %add3A_188 = arith.addf %add3A_177, %convert_element_type3A_187 : vector<128x128xf32>
    %get3A_189 = arith.constant 0 : index
    %get3A_190 = arith.constant 17 : index
    %get3A_191 = arith.constant 0 : index
    %get3A_192 = vector.load %arg3[%get3A_189, %get3A_190, %get3A_191] : memref<1x112x128xf32, #tpu.memory_space<vmem>>, vector<1x1x128xf32>
    %get3A_193 = vector.shape_cast %get3A_192 : vector<1x1x128xf32> to vector<1x128xf32>
    %lt3A_194 = vector.broadcast %get3A_193 : vector<1x128xf32> to vector<128x128xf32>
    %lt3A_195 = vector.broadcast %get3A_3 : vector<128x1xf32> to vector<128x128xf32>
    %lt3A_196 = arith.cmpf olt, %lt3A_194, %lt3A_195 : vector<128x128xf32>
    %convert_element_type3A_197 = arith.extui %lt3A_196 : vector<128x128xi1> to vector<128x128xi32>
    %convert_element_type3A_198 = arith.sitofp %convert_element_type3A_197 : vector<128x128xi32> to vector<128x128xf32>
    %add3A_199 = arith.addf %add3A_188, %convert_element_type3A_198 : vector<128x128xf32>
    %get3A_200 = arith.constant 0 : index
    %get3A_201 = arith.constant 18 : index
    %get3A_202 = arith.constant 0 : index
    %get3A_203 = vector.load %arg3[%get3A_200, %get3A_201, %get3A_202] : memref<1x112x128xf32, #tpu.memory_space<vmem>>, vector<1x1x128xf32>
    %get3A_204 = vector.shape_cast %get3A_203 : vector<1x1x128xf32> to vector<1x128xf32>
    %lt3A_205 = vector.broadcast %get3A_204 : vector<1x128xf32> to vector<128x128xf32>
    %lt3A_206 = vector.broadcast %get3A_3 : vector<128x1xf32> to vector<128x128xf32>
    %lt3A_207 = arith.cmpf olt, %lt3A_205, %lt3A_206 : vector<128x128xf32>
    %convert_element_type3A_208 = arith.extui %lt3A_207 : vector<128x128xi1> to vector<128x128xi32>
    %convert_element_type3A_209 = arith.sitofp %convert_element_type3A_208 : vector<128x128xi32> to vector<128x128xf32>
    %add3A_210 = arith.addf %add3A_199, %convert_element_type3A_209 : vector<128x128xf32>
    %get3A_211 = arith.constant 0 : index
    %get3A_212 = arith.constant 19 : index
    %get3A_213 = arith.constant 0 : index
    %get3A_214 = vector.load %arg3[%get3A_211, %get3A_212, %get3A_213] : memref<1x112x128xf32, #tpu.memory_space<vmem>>, vector<1x1x128xf32>
    %get3A_215 = vector.shape_cast %get3A_214 : vector<1x1x128xf32> to vector<1x128xf32>
    %lt3A_216 = vector.broadcast %get3A_215 : vector<1x128xf32> to vector<128x128xf32>
    %lt3A_217 = vector.broadcast %get3A_3 : vector<128x1xf32> to vector<128x128xf32>
    %lt3A_218 = arith.cmpf olt, %lt3A_216, %lt3A_217 : vector<128x128xf32>
    %convert_element_type3A_219 = arith.extui %lt3A_218 : vector<128x128xi1> to vector<128x128xi32>
    %convert_element_type3A_220 = arith.sitofp %convert_element_type3A_219 : vector<128x128xi32> to vector<128x128xf32>
    %add3A_221 = arith.addf %add3A_210, %convert_element_type3A_220 : vector<128x128xf32>
    %get3A_222 = arith.constant 0 : index
    %get3A_223 = arith.constant 20 : index
    %get3A_224 = arith.constant 0 : index
    %get3A_225 = vector.load %arg3[%get3A_222, %get3A_223, %get3A_224] : memref<1x112x128xf32, #tpu.memory_space<vmem>>, vector<1x1x128xf32>
    %get3A_226 = vector.shape_cast %get3A_225 : vector<1x1x128xf32> to vector<1x128xf32>
    %lt3A_227 = vector.broadcast %get3A_226 : vector<1x128xf32> to vector<128x128xf32>
    %lt3A_228 = vector.broadcast %get3A_3 : vector<128x1xf32> to vector<128x128xf32>
    %lt3A_229 = arith.cmpf olt, %lt3A_227, %lt3A_228 : vector<128x128xf32>
    %convert_element_type3A_230 = arith.extui %lt3A_229 : vector<128x128xi1> to vector<128x128xi32>
    %convert_element_type3A_231 = arith.sitofp %convert_element_type3A_230 : vector<128x128xi32> to vector<128x128xf32>
    %add3A_232 = arith.addf %add3A_221, %convert_element_type3A_231 : vector<128x128xf32>
    %get3A_233 = arith.constant 0 : index
    %get3A_234 = arith.constant 21 : index
    %get3A_235 = arith.constant 0 : index
    %get3A_236 = vector.load %arg3[%get3A_233, %get3A_234, %get3A_235] : memref<1x112x128xf32, #tpu.memory_space<vmem>>, vector<1x1x128xf32>
    %get3A_237 = vector.shape_cast %get3A_236 : vector<1x1x128xf32> to vector<1x128xf32>
    %lt3A_238 = vector.broadcast %get3A_237 : vector<1x128xf32> to vector<128x128xf32>
    %lt3A_239 = vector.broadcast %get3A_3 : vector<128x1xf32> to vector<128x128xf32>
    %lt3A_240 = arith.cmpf olt, %lt3A_238, %lt3A_239 : vector<128x128xf32>
    %convert_element_type3A_241 = arith.extui %lt3A_240 : vector<128x128xi1> to vector<128x128xi32>
    %convert_element_type3A_242 = arith.sitofp %convert_element_type3A_241 : vector<128x128xi32> to vector<128x128xf32>
    %add3A_243 = arith.addf %add3A_232, %convert_element_type3A_242 : vector<128x128xf32>
    %get3A_244 = arith.constant 0 : index
    %get3A_245 = arith.constant 22 : index
    %get3A_246 = arith.constant 0 : index
    %get3A_247 = vector.load %arg3[%get3A_244, %get3A_245, %get3A_246] : memref<1x112x128xf32, #tpu.memory_space<vmem>>, vector<1x1x128xf32>
    %get3A_248 = vector.shape_cast %get3A_247 : vector<1x1x128xf32> to vector<1x128xf32>
    %lt3A_249 = vector.broadcast %get3A_248 : vector<1x128xf32> to vector<128x128xf32>
    %lt3A_250 = vector.broadcast %get3A_3 : vector<128x1xf32> to vector<128x128xf32>
    %lt3A_251 = arith.cmpf olt, %lt3A_249, %lt3A_250 : vector<128x128xf32>
    %convert_element_type3A_252 = arith.extui %lt3A_251 : vector<128x128xi1> to vector<128x128xi32>
    %convert_element_type3A_253 = arith.sitofp %convert_element_type3A_252 : vector<128x128xi32> to vector<128x128xf32>
    %add3A_254 = arith.addf %add3A_243, %convert_element_type3A_253 : vector<128x128xf32>
    %get3A_255 = arith.constant 0 : index
    %get3A_256 = arith.constant 23 : index
    %get3A_257 = arith.constant 0 : index
    %get3A_258 = vector.load %arg3[%get3A_255, %get3A_256, %get3A_257] : memref<1x112x128xf32, #tpu.memory_space<vmem>>, vector<1x1x128xf32>
    %get3A_259 = vector.shape_cast %get3A_258 : vector<1x1x128xf32> to vector<1x128xf32>
    %lt3A_260 = vector.broadcast %get3A_259 : vector<1x128xf32> to vector<128x128xf32>
    %lt3A_261 = vector.broadcast %get3A_3 : vector<128x1xf32> to vector<128x128xf32>
    %lt3A_262 = arith.cmpf olt, %lt3A_260, %lt3A_261 : vector<128x128xf32>
    %convert_element_type3A_263 = arith.extui %lt3A_262 : vector<128x128xi1> to vector<128x128xi32>
    %convert_element_type3A_264 = arith.sitofp %convert_element_type3A_263 : vector<128x128xi32> to vector<128x128xf32>
    %add3A_265 = arith.addf %add3A_254, %convert_element_type3A_264 : vector<128x128xf32>
    %get3A_266 = arith.constant 0 : index
    %get3A_267 = arith.constant 24 : index
    %get3A_268 = arith.constant 0 : index
    %get3A_269 = vector.load %arg3[%get3A_266, %get3A_267, %get3A_268] : memref<1x112x128xf32, #tpu.memory_space<vmem>>, vector<1x1x128xf32>
    %get3A_270 = vector.shape_cast %get3A_269 : vector<1x1x128xf32> to vector<1x128xf32>
    %lt3A_271 = vector.broadcast %get3A_270 : vector<1x128xf32> to vector<128x128xf32>
    %lt3A_272 = vector.broadcast %get3A_3 : vector<128x1xf32> to vector<128x128xf32>
    %lt3A_273 = arith.cmpf olt, %lt3A_271, %lt3A_272 : vector<128x128xf32>
    %convert_element_type3A_274 = arith.extui %lt3A_273 : vector<128x128xi1> to vector<128x128xi32>
    %convert_element_type3A_275 = arith.sitofp %convert_element_type3A_274 : vector<128x128xi32> to vector<128x128xf32>
    %add3A_276 = arith.addf %add3A_265, %convert_element_type3A_275 : vector<128x128xf32>
    %get3A_277 = arith.constant 0 : index
    %get3A_278 = arith.constant 25 : index
    %get3A_279 = arith.constant 0 : index
    %get3A_280 = vector.load %arg3[%get3A_277, %get3A_278, %get3A_279] : memref<1x112x128xf32, #tpu.memory_space<vmem>>, vector<1x1x128xf32>
    %get3A_281 = vector.shape_cast %get3A_280 : vector<1x1x128xf32> to vector<1x128xf32>
    %lt3A_282 = vector.broadcast %get3A_281 : vector<1x128xf32> to vector<128x128xf32>
    %lt3A_283 = vector.broadcast %get3A_3 : vector<128x1xf32> to vector<128x128xf32>
    %lt3A_284 = arith.cmpf olt, %lt3A_282, %lt3A_283 : vector<128x128xf32>
    %convert_element_type3A_285 = arith.extui %lt3A_284 : vector<128x128xi1> to vector<128x128xi32>
    %convert_element_type3A_286 = arith.sitofp %convert_element_type3A_285 : vector<128x128xi32> to vector<128x128xf32>
    %add3A_287 = arith.addf %add3A_276, %convert_element_type3A_286 : vector<128x128xf32>
    %get3A_288 = arith.constant 0 : index
    %get3A_289 = arith.constant 26 : index
    %get3A_290 = arith.constant 0 : index
    %get3A_291 = vector.load %arg3[%get3A_288, %get3A_289, %get3A_290] : memref<1x112x128xf32, #tpu.memory_space<vmem>>, vector<1x1x128xf32>
    %get3A_292 = vector.shape_cast %get3A_291 : vector<1x1x128xf32> to vector<1x128xf32>
    %lt3A_293 = vector.broadcast %get3A_292 : vector<1x128xf32> to vector<128x128xf32>
    %lt3A_294 = vector.broadcast %get3A_3 : vector<128x1xf32> to vector<128x128xf32>
    %lt3A_295 = arith.cmpf olt, %lt3A_293, %lt3A_294 : vector<128x128xf32>
    %convert_element_type3A_296 = arith.extui %lt3A_295 : vector<128x128xi1> to vector<128x128xi32>
    %convert_element_type3A_297 = arith.sitofp %convert_element_type3A_296 : vector<128x128xi32> to vector<128x128xf32>
    %add3A_298 = arith.addf %add3A_287, %convert_element_type3A_297 : vector<128x128xf32>
    %get3A_299 = arith.constant 0 : index
    %get3A_300 = arith.constant 27 : index
    %get3A_301 = arith.constant 0 : index
    %get3A_302 = vector.load %arg3[%get3A_299, %get3A_300, %get3A_301] : memref<1x112x128xf32, #tpu.memory_space<vmem>>, vector<1x1x128xf32>
    %get3A_303 = vector.shape_cast %get3A_302 : vector<1x1x128xf32> to vector<1x128xf32>
    %lt3A_304 = vector.broadcast %get3A_303 : vector<1x128xf32> to vector<128x128xf32>
    %lt3A_305 = vector.broadcast %get3A_3 : vector<128x1xf32> to vector<128x128xf32>
    %lt3A_306 = arith.cmpf olt, %lt3A_304, %lt3A_305 : vector<128x128xf32>
    %convert_element_type3A_307 = arith.extui %lt3A_306 : vector<128x128xi1> to vector<128x128xi32>
    %convert_element_type3A_308 = arith.sitofp %convert_element_type3A_307 : vector<128x128xi32> to vector<128x128xf32>
    %add3A_309 = arith.addf %add3A_298, %convert_element_type3A_308 : vector<128x128xf32>
    %get3A_310 = arith.constant 0 : index
    %get3A_311 = arith.constant 28 : index
    %get3A_312 = arith.constant 0 : index
    %get3A_313 = vector.load %arg3[%get3A_310, %get3A_311, %get3A_312] : memref<1x112x128xf32, #tpu.memory_space<vmem>>, vector<1x1x128xf32>
    %get3A_314 = vector.shape_cast %get3A_313 : vector<1x1x128xf32> to vector<1x128xf32>
    %lt3A_315 = vector.broadcast %get3A_314 : vector<1x128xf32> to vector<128x128xf32>
    %lt3A_316 = vector.broadcast %get3A_3 : vector<128x1xf32> to vector<128x128xf32>
    %lt3A_317 = arith.cmpf olt, %lt3A_315, %lt3A_316 : vector<128x128xf32>
    %convert_element_type3A_318 = arith.extui %lt3A_317 : vector<128x128xi1> to vector<128x128xi32>
    %convert_element_type3A_319 = arith.sitofp %convert_element_type3A_318 : vector<128x128xi32> to vector<128x128xf32>
    %add3A_320 = arith.addf %add3A_309, %convert_element_type3A_319 : vector<128x128xf32>
    %get3A_321 = arith.constant 0 : index
    %get3A_322 = arith.constant 29 : index
    %get3A_323 = arith.constant 0 : index
    %get3A_324 = vector.load %arg3[%get3A_321, %get3A_322, %get3A_323] : memref<1x112x128xf32, #tpu.memory_space<vmem>>, vector<1x1x128xf32>
    %get3A_325 = vector.shape_cast %get3A_324 : vector<1x1x128xf32> to vector<1x128xf32>
    %lt3A_326 = vector.broadcast %get3A_325 : vector<1x128xf32> to vector<128x128xf32>
    %lt3A_327 = vector.broadcast %get3A_3 : vector<128x1xf32> to vector<128x128xf32>
    %lt3A_328 = arith.cmpf olt, %lt3A_326, %lt3A_327 : vector<128x128xf32>
    %convert_element_type3A_329 = arith.extui %lt3A_328 : vector<128x128xi1> to vector<128x128xi32>
    %convert_element_type3A_330 = arith.sitofp %convert_element_type3A_329 : vector<128x128xi32> to vector<128x128xf32>
    %add3A_331 = arith.addf %add3A_320, %convert_element_type3A_330 : vector<128x128xf32>
    %get3A_332 = arith.constant 0 : index
    %get3A_333 = arith.constant 30 : index
    %get3A_334 = arith.constant 0 : index
    %get3A_335 = vector.load %arg3[%get3A_332, %get3A_333, %get3A_334] : memref<1x112x128xf32, #tpu.memory_space<vmem>>, vector<1x1x128xf32>
    %get3A_336 = vector.shape_cast %get3A_335 : vector<1x1x128xf32> to vector<1x128xf32>
    %lt3A_337 = vector.broadcast %get3A_336 : vector<1x128xf32> to vector<128x128xf32>
    %lt3A_338 = vector.broadcast %get3A_3 : vector<128x1xf32> to vector<128x128xf32>
    %lt3A_339 = arith.cmpf olt, %lt3A_337, %lt3A_338 : vector<128x128xf32>
    %convert_element_type3A_340 = arith.extui %lt3A_339 : vector<128x128xi1> to vector<128x128xi32>
    %convert_element_type3A_341 = arith.sitofp %convert_element_type3A_340 : vector<128x128xi32> to vector<128x128xf32>
    %add3A_342 = arith.addf %add3A_331, %convert_element_type3A_341 : vector<128x128xf32>
    %get3A_343 = arith.constant 0 : index
    %get3A_344 = arith.constant 31 : index
    %get3A_345 = arith.constant 0 : index
    %get3A_346 = vector.load %arg3[%get3A_343, %get3A_344, %get3A_345] : memref<1x112x128xf32, #tpu.memory_space<vmem>>, vector<1x1x128xf32>
    %get3A_347 = vector.shape_cast %get3A_346 : vector<1x1x128xf32> to vector<1x128xf32>
    %lt3A_348 = vector.broadcast %get3A_347 : vector<1x128xf32> to vector<128x128xf32>
    %lt3A_349 = vector.broadcast %get3A_3 : vector<128x1xf32> to vector<128x128xf32>
    %lt3A_350 = arith.cmpf olt, %lt3A_348, %lt3A_349 : vector<128x128xf32>
    %convert_element_type3A_351 = arith.extui %lt3A_350 : vector<128x128xi1> to vector<128x128xi32>
    %convert_element_type3A_352 = arith.sitofp %convert_element_type3A_351 : vector<128x128xi32> to vector<128x128xf32>
    %add3A_353 = arith.addf %add3A_342, %convert_element_type3A_352 : vector<128x128xf32>
    %get3A_354 = arith.constant 0 : index
    %get3A_355 = arith.constant 32 : index
    %get3A_356 = arith.constant 0 : index
    %get3A_357 = vector.load %arg3[%get3A_354, %get3A_355, %get3A_356] : memref<1x112x128xf32, #tpu.memory_space<vmem>>, vector<1x1x128xf32>
    %get3A_358 = vector.shape_cast %get3A_357 : vector<1x1x128xf32> to vector<1x128xf32>
    %lt3A_359 = vector.broadcast %get3A_358 : vector<1x128xf32> to vector<128x128xf32>
    %lt3A_360 = vector.broadcast %get3A_3 : vector<128x1xf32> to vector<128x128xf32>
    %lt3A_361 = arith.cmpf olt, %lt3A_359, %lt3A_360 : vector<128x128xf32>
    %convert_element_type3A_362 = arith.extui %lt3A_361 : vector<128x128xi1> to vector<128x128xi32>
    %convert_element_type3A_363 = arith.sitofp %convert_element_type3A_362 : vector<128x128xi32> to vector<128x128xf32>
    %add3A_364 = arith.addf %add3A_353, %convert_element_type3A_363 : vector<128x128xf32>
    %get3A_365 = arith.constant 0 : index
    %get3A_366 = arith.constant 33 : index
    %get3A_367 = arith.constant 0 : index
    %get3A_368 = vector.load %arg3[%get3A_365, %get3A_366, %get3A_367] : memref<1x112x128xf32, #tpu.memory_space<vmem>>, vector<1x1x128xf32>
    %get3A_369 = vector.shape_cast %get3A_368 : vector<1x1x128xf32> to vector<1x128xf32>
    %lt3A_370 = vector.broadcast %get3A_369 : vector<1x128xf32> to vector<128x128xf32>
    %lt3A_371 = vector.broadcast %get3A_3 : vector<128x1xf32> to vector<128x128xf32>
    %lt3A_372 = arith.cmpf olt, %lt3A_370, %lt3A_371 : vector<128x128xf32>
    %convert_element_type3A_373 = arith.extui %lt3A_372 : vector<128x128xi1> to vector<128x128xi32>
    %convert_element_type3A_374 = arith.sitofp %convert_element_type3A_373 : vector<128x128xi32> to vector<128x128xf32>
    %add3A_375 = arith.addf %add3A_364, %convert_element_type3A_374 : vector<128x128xf32>
    %get3A_376 = arith.constant 0 : index
    %get3A_377 = arith.constant 34 : index
    %get3A_378 = arith.constant 0 : index
    %get3A_379 = vector.load %arg3[%get3A_376, %get3A_377, %get3A_378] : memref<1x112x128xf32, #tpu.memory_space<vmem>>, vector<1x1x128xf32>
    %get3A_380 = vector.shape_cast %get3A_379 : vector<1x1x128xf32> to vector<1x128xf32>
    %lt3A_381 = vector.broadcast %get3A_380 : vector<1x128xf32> to vector<128x128xf32>
    %lt3A_382 = vector.broadcast %get3A_3 : vector<128x1xf32> to vector<128x128xf32>
    %lt3A_383 = arith.cmpf olt, %lt3A_381, %lt3A_382 : vector<128x128xf32>
    %convert_element_type3A_384 = arith.extui %lt3A_383 : vector<128x128xi1> to vector<128x128xi32>
    %convert_element_type3A_385 = arith.sitofp %convert_element_type3A_384 : vector<128x128xi32> to vector<128x128xf32>
    %add3A_386 = arith.addf %add3A_375, %convert_element_type3A_385 : vector<128x128xf32>
    %get3A_387 = arith.constant 0 : index
    %get3A_388 = arith.constant 35 : index
    %get3A_389 = arith.constant 0 : index
    %get3A_390 = vector.load %arg3[%get3A_387, %get3A_388, %get3A_389] : memref<1x112x128xf32, #tpu.memory_space<vmem>>, vector<1x1x128xf32>
    %get3A_391 = vector.shape_cast %get3A_390 : vector<1x1x128xf32> to vector<1x128xf32>
    %lt3A_392 = vector.broadcast %get3A_391 : vector<1x128xf32> to vector<128x128xf32>
    %lt3A_393 = vector.broadcast %get3A_3 : vector<128x1xf32> to vector<128x128xf32>
    %lt3A_394 = arith.cmpf olt, %lt3A_392, %lt3A_393 : vector<128x128xf32>
    %convert_element_type3A_395 = arith.extui %lt3A_394 : vector<128x128xi1> to vector<128x128xi32>
    %convert_element_type3A_396 = arith.sitofp %convert_element_type3A_395 : vector<128x128xi32> to vector<128x128xf32>
    %add3A_397 = arith.addf %add3A_386, %convert_element_type3A_396 : vector<128x128xf32>
    %get3A_398 = arith.constant 0 : index
    %get3A_399 = arith.constant 36 : index
    %get3A_400 = arith.constant 0 : index
    %get3A_401 = vector.load %arg3[%get3A_398, %get3A_399, %get3A_400] : memref<1x112x128xf32, #tpu.memory_space<vmem>>, vector<1x1x128xf32>
    %get3A_402 = vector.shape_cast %get3A_401 : vector<1x1x128xf32> to vector<1x128xf32>
    %lt3A_403 = vector.broadcast %get3A_402 : vector<1x128xf32> to vector<128x128xf32>
    %lt3A_404 = vector.broadcast %get3A_3 : vector<128x1xf32> to vector<128x128xf32>
    %lt3A_405 = arith.cmpf olt, %lt3A_403, %lt3A_404 : vector<128x128xf32>
    %convert_element_type3A_406 = arith.extui %lt3A_405 : vector<128x128xi1> to vector<128x128xi32>
    %convert_element_type3A_407 = arith.sitofp %convert_element_type3A_406 : vector<128x128xi32> to vector<128x128xf32>
    %add3A_408 = arith.addf %add3A_397, %convert_element_type3A_407 : vector<128x128xf32>
    %get3A_409 = arith.constant 0 : index
    %get3A_410 = arith.constant 37 : index
    %get3A_411 = arith.constant 0 : index
    %get3A_412 = vector.load %arg3[%get3A_409, %get3A_410, %get3A_411] : memref<1x112x128xf32, #tpu.memory_space<vmem>>, vector<1x1x128xf32>
    %get3A_413 = vector.shape_cast %get3A_412 : vector<1x1x128xf32> to vector<1x128xf32>
    %lt3A_414 = vector.broadcast %get3A_413 : vector<1x128xf32> to vector<128x128xf32>
    %lt3A_415 = vector.broadcast %get3A_3 : vector<128x1xf32> to vector<128x128xf32>
    %lt3A_416 = arith.cmpf olt, %lt3A_414, %lt3A_415 : vector<128x128xf32>
    %convert_element_type3A_417 = arith.extui %lt3A_416 : vector<128x128xi1> to vector<128x128xi32>
    %convert_element_type3A_418 = arith.sitofp %convert_element_type3A_417 : vector<128x128xi32> to vector<128x128xf32>
    %add3A_419 = arith.addf %add3A_408, %convert_element_type3A_418 : vector<128x128xf32>
    %get3A_420 = arith.constant 0 : index
    %get3A_421 = arith.constant 38 : index
    %get3A_422 = arith.constant 0 : index
    %get3A_423 = vector.load %arg3[%get3A_420, %get3A_421, %get3A_422] : memref<1x112x128xf32, #tpu.memory_space<vmem>>, vector<1x1x128xf32>
    %get3A_424 = vector.shape_cast %get3A_423 : vector<1x1x128xf32> to vector<1x128xf32>
    %lt3A_425 = vector.broadcast %get3A_424 : vector<1x128xf32> to vector<128x128xf32>
    %lt3A_426 = vector.broadcast %get3A_3 : vector<128x1xf32> to vector<128x128xf32>
    %lt3A_427 = arith.cmpf olt, %lt3A_425, %lt3A_426 : vector<128x128xf32>
    %convert_element_type3A_428 = arith.extui %lt3A_427 : vector<128x128xi1> to vector<128x128xi32>
    %convert_element_type3A_429 = arith.sitofp %convert_element_type3A_428 : vector<128x128xi32> to vector<128x128xf32>
    %add3A_430 = arith.addf %add3A_419, %convert_element_type3A_429 : vector<128x128xf32>
    %get3A_431 = arith.constant 0 : index
    %get3A_432 = arith.constant 39 : index
    %get3A_433 = arith.constant 0 : index
    %get3A_434 = vector.load %arg3[%get3A_431, %get3A_432, %get3A_433] : memref<1x112x128xf32, #tpu.memory_space<vmem>>, vector<1x1x128xf32>
    %get3A_435 = vector.shape_cast %get3A_434 : vector<1x1x128xf32> to vector<1x128xf32>
    %lt3A_436 = vector.broadcast %get3A_435 : vector<1x128xf32> to vector<128x128xf32>
    %lt3A_437 = vector.broadcast %get3A_3 : vector<128x1xf32> to vector<128x128xf32>
    %lt3A_438 = arith.cmpf olt, %lt3A_436, %lt3A_437 : vector<128x128xf32>
    %convert_element_type3A_439 = arith.extui %lt3A_438 : vector<128x128xi1> to vector<128x128xi32>
    %convert_element_type3A_440 = arith.sitofp %convert_element_type3A_439 : vector<128x128xi32> to vector<128x128xf32>
    %add3A_441 = arith.addf %add3A_430, %convert_element_type3A_440 : vector<128x128xf32>
    %get3A_442 = arith.constant 0 : index
    %get3A_443 = arith.constant 40 : index
    %get3A_444 = arith.constant 0 : index
    %get3A_445 = vector.load %arg3[%get3A_442, %get3A_443, %get3A_444] : memref<1x112x128xf32, #tpu.memory_space<vmem>>, vector<1x1x128xf32>
    %get3A_446 = vector.shape_cast %get3A_445 : vector<1x1x128xf32> to vector<1x128xf32>
    %lt3A_447 = vector.broadcast %get3A_446 : vector<1x128xf32> to vector<128x128xf32>
    %lt3A_448 = vector.broadcast %get3A_3 : vector<128x1xf32> to vector<128x128xf32>
    %lt3A_449 = arith.cmpf olt, %lt3A_447, %lt3A_448 : vector<128x128xf32>
    %convert_element_type3A_450 = arith.extui %lt3A_449 : vector<128x128xi1> to vector<128x128xi32>
    %convert_element_type3A_451 = arith.sitofp %convert_element_type3A_450 : vector<128x128xi32> to vector<128x128xf32>
    %add3A_452 = arith.addf %add3A_441, %convert_element_type3A_451 : vector<128x128xf32>
    %get3A_453 = arith.constant 0 : index
    %get3A_454 = arith.constant 41 : index
    %get3A_455 = arith.constant 0 : index
    %get3A_456 = vector.load %arg3[%get3A_453, %get3A_454, %get3A_455] : memref<1x112x128xf32, #tpu.memory_space<vmem>>, vector<1x1x128xf32>
    %get3A_457 = vector.shape_cast %get3A_456 : vector<1x1x128xf32> to vector<1x128xf32>
    %lt3A_458 = vector.broadcast %get3A_457 : vector<1x128xf32> to vector<128x128xf32>
    %lt3A_459 = vector.broadcast %get3A_3 : vector<128x1xf32> to vector<128x128xf32>
    %lt3A_460 = arith.cmpf olt, %lt3A_458, %lt3A_459 : vector<128x128xf32>
    %convert_element_type3A_461 = arith.extui %lt3A_460 : vector<128x128xi1> to vector<128x128xi32>
    %convert_element_type3A_462 = arith.sitofp %convert_element_type3A_461 : vector<128x128xi32> to vector<128x128xf32>
    %add3A_463 = arith.addf %add3A_452, %convert_element_type3A_462 : vector<128x128xf32>
    %get3A_464 = arith.constant 0 : index
    %get3A_465 = arith.constant 42 : index
    %get3A_466 = arith.constant 0 : index
    %get3A_467 = vector.load %arg3[%get3A_464, %get3A_465, %get3A_466] : memref<1x112x128xf32, #tpu.memory_space<vmem>>, vector<1x1x128xf32>
    %get3A_468 = vector.shape_cast %get3A_467 : vector<1x1x128xf32> to vector<1x128xf32>
    %lt3A_469 = vector.broadcast %get3A_468 : vector<1x128xf32> to vector<128x128xf32>
    %lt3A_470 = vector.broadcast %get3A_3 : vector<128x1xf32> to vector<128x128xf32>
    %lt3A_471 = arith.cmpf olt, %lt3A_469, %lt3A_470 : vector<128x128xf32>
    %convert_element_type3A_472 = arith.extui %lt3A_471 : vector<128x128xi1> to vector<128x128xi32>
    %convert_element_type3A_473 = arith.sitofp %convert_element_type3A_472 : vector<128x128xi32> to vector<128x128xf32>
    %add3A_474 = arith.addf %add3A_463, %convert_element_type3A_473 : vector<128x128xf32>
    %get3A_475 = arith.constant 0 : index
    %get3A_476 = arith.constant 43 : index
    %get3A_477 = arith.constant 0 : index
    %get3A_478 = vector.load %arg3[%get3A_475, %get3A_476, %get3A_477] : memref<1x112x128xf32, #tpu.memory_space<vmem>>, vector<1x1x128xf32>
    %get3A_479 = vector.shape_cast %get3A_478 : vector<1x1x128xf32> to vector<1x128xf32>
    %lt3A_480 = vector.broadcast %get3A_479 : vector<1x128xf32> to vector<128x128xf32>
    %lt3A_481 = vector.broadcast %get3A_3 : vector<128x1xf32> to vector<128x128xf32>
    %lt3A_482 = arith.cmpf olt, %lt3A_480, %lt3A_481 : vector<128x128xf32>
    %convert_element_type3A_483 = arith.extui %lt3A_482 : vector<128x128xi1> to vector<128x128xi32>
    %convert_element_type3A_484 = arith.sitofp %convert_element_type3A_483 : vector<128x128xi32> to vector<128x128xf32>
    %add3A_485 = arith.addf %add3A_474, %convert_element_type3A_484 : vector<128x128xf32>
    %get3A_486 = arith.constant 0 : index
    %get3A_487 = arith.constant 44 : index
    %get3A_488 = arith.constant 0 : index
    %get3A_489 = vector.load %arg3[%get3A_486, %get3A_487, %get3A_488] : memref<1x112x128xf32, #tpu.memory_space<vmem>>, vector<1x1x128xf32>
    %get3A_490 = vector.shape_cast %get3A_489 : vector<1x1x128xf32> to vector<1x128xf32>
    %lt3A_491 = vector.broadcast %get3A_490 : vector<1x128xf32> to vector<128x128xf32>
    %lt3A_492 = vector.broadcast %get3A_3 : vector<128x1xf32> to vector<128x128xf32>
    %lt3A_493 = arith.cmpf olt, %lt3A_491, %lt3A_492 : vector<128x128xf32>
    %convert_element_type3A_494 = arith.extui %lt3A_493 : vector<128x128xi1> to vector<128x128xi32>
    %convert_element_type3A_495 = arith.sitofp %convert_element_type3A_494 : vector<128x128xi32> to vector<128x128xf32>
    %add3A_496 = arith.addf %add3A_485, %convert_element_type3A_495 : vector<128x128xf32>
    %get3A_497 = arith.constant 0 : index
    %get3A_498 = arith.constant 45 : index
    %get3A_499 = arith.constant 0 : index
    %get3A_500 = vector.load %arg3[%get3A_497, %get3A_498, %get3A_499] : memref<1x112x128xf32, #tpu.memory_space<vmem>>, vector<1x1x128xf32>
    %get3A_501 = vector.shape_cast %get3A_500 : vector<1x1x128xf32> to vector<1x128xf32>
    %lt3A_502 = vector.broadcast %get3A_501 : vector<1x128xf32> to vector<128x128xf32>
    %lt3A_503 = vector.broadcast %get3A_3 : vector<128x1xf32> to vector<128x128xf32>
    %lt3A_504 = arith.cmpf olt, %lt3A_502, %lt3A_503 : vector<128x128xf32>
    %convert_element_type3A_505 = arith.extui %lt3A_504 : vector<128x128xi1> to vector<128x128xi32>
    %convert_element_type3A_506 = arith.sitofp %convert_element_type3A_505 : vector<128x128xi32> to vector<128x128xf32>
    %add3A_507 = arith.addf %add3A_496, %convert_element_type3A_506 : vector<128x128xf32>
    %get3A_508 = arith.constant 0 : index
    %get3A_509 = arith.constant 46 : index
    %get3A_510 = arith.constant 0 : index
    %get3A_511 = vector.load %arg3[%get3A_508, %get3A_509, %get3A_510] : memref<1x112x128xf32, #tpu.memory_space<vmem>>, vector<1x1x128xf32>
    %get3A_512 = vector.shape_cast %get3A_511 : vector<1x1x128xf32> to vector<1x128xf32>
    %lt3A_513 = vector.broadcast %get3A_512 : vector<1x128xf32> to vector<128x128xf32>
    %lt3A_514 = vector.broadcast %get3A_3 : vector<128x1xf32> to vector<128x128xf32>
    %lt3A_515 = arith.cmpf olt, %lt3A_513, %lt3A_514 : vector<128x128xf32>
    %convert_element_type3A_516 = arith.extui %lt3A_515 : vector<128x128xi1> to vector<128x128xi32>
    %convert_element_type3A_517 = arith.sitofp %convert_element_type3A_516 : vector<128x128xi32> to vector<128x128xf32>
    %add3A_518 = arith.addf %add3A_507, %convert_element_type3A_517 : vector<128x128xf32>
    %get3A_519 = arith.constant 0 : index
    %get3A_520 = arith.constant 47 : index
    %get3A_521 = arith.constant 0 : index
    %get3A_522 = vector.load %arg3[%get3A_519, %get3A_520, %get3A_521] : memref<1x112x128xf32, #tpu.memory_space<vmem>>, vector<1x1x128xf32>
    %get3A_523 = vector.shape_cast %get3A_522 : vector<1x1x128xf32> to vector<1x128xf32>
    %lt3A_524 = vector.broadcast %get3A_523 : vector<1x128xf32> to vector<128x128xf32>
    %lt3A_525 = vector.broadcast %get3A_3 : vector<128x1xf32> to vector<128x128xf32>
    %lt3A_526 = arith.cmpf olt, %lt3A_524, %lt3A_525 : vector<128x128xf32>
    %convert_element_type3A_527 = arith.extui %lt3A_526 : vector<128x128xi1> to vector<128x128xi32>
    %convert_element_type3A_528 = arith.sitofp %convert_element_type3A_527 : vector<128x128xi32> to vector<128x128xf32>
    %add3A_529 = arith.addf %add3A_518, %convert_element_type3A_528 : vector<128x128xf32>
    %get3A_530 = arith.constant 0 : index
    %get3A_531 = arith.constant 48 : index
    %get3A_532 = arith.constant 0 : index
    %get3A_533 = vector.load %arg3[%get3A_530, %get3A_531, %get3A_532] : memref<1x112x128xf32, #tpu.memory_space<vmem>>, vector<1x1x128xf32>
    %get3A_534 = vector.shape_cast %get3A_533 : vector<1x1x128xf32> to vector<1x128xf32>
    %lt3A_535 = vector.broadcast %get3A_534 : vector<1x128xf32> to vector<128x128xf32>
    %lt3A_536 = vector.broadcast %get3A_3 : vector<128x1xf32> to vector<128x128xf32>
    %lt3A_537 = arith.cmpf olt, %lt3A_535, %lt3A_536 : vector<128x128xf32>
    %convert_element_type3A_538 = arith.extui %lt3A_537 : vector<128x128xi1> to vector<128x128xi32>
    %convert_element_type3A_539 = arith.sitofp %convert_element_type3A_538 : vector<128x128xi32> to vector<128x128xf32>
    %add3A_540 = arith.addf %add3A_529, %convert_element_type3A_539 : vector<128x128xf32>
    %get3A_541 = arith.constant 0 : index
    %get3A_542 = arith.constant 49 : index
    %get3A_543 = arith.constant 0 : index
    %get3A_544 = vector.load %arg3[%get3A_541, %get3A_542, %get3A_543] : memref<1x112x128xf32, #tpu.memory_space<vmem>>, vector<1x1x128xf32>
    %get3A_545 = vector.shape_cast %get3A_544 : vector<1x1x128xf32> to vector<1x128xf32>
    %lt3A_546 = vector.broadcast %get3A_545 : vector<1x128xf32> to vector<128x128xf32>
    %lt3A_547 = vector.broadcast %get3A_3 : vector<128x1xf32> to vector<128x128xf32>
    %lt3A_548 = arith.cmpf olt, %lt3A_546, %lt3A_547 : vector<128x128xf32>
    %convert_element_type3A_549 = arith.extui %lt3A_548 : vector<128x128xi1> to vector<128x128xi32>
    %convert_element_type3A_550 = arith.sitofp %convert_element_type3A_549 : vector<128x128xi32> to vector<128x128xf32>
    %add3A_551 = arith.addf %add3A_540, %convert_element_type3A_550 : vector<128x128xf32>
    %get3A_552 = arith.constant 0 : index
    %get3A_553 = arith.constant 50 : index
    %get3A_554 = arith.constant 0 : index
    %get3A_555 = vector.load %arg3[%get3A_552, %get3A_553, %get3A_554] : memref<1x112x128xf32, #tpu.memory_space<vmem>>, vector<1x1x128xf32>
    %get3A_556 = vector.shape_cast %get3A_555 : vector<1x1x128xf32> to vector<1x128xf32>
    %lt3A_557 = vector.broadcast %get3A_556 : vector<1x128xf32> to vector<128x128xf32>
    %lt3A_558 = vector.broadcast %get3A_3 : vector<128x1xf32> to vector<128x128xf32>
    %lt3A_559 = arith.cmpf olt, %lt3A_557, %lt3A_558 : vector<128x128xf32>
    %convert_element_type3A_560 = arith.extui %lt3A_559 : vector<128x128xi1> to vector<128x128xi32>
    %convert_element_type3A_561 = arith.sitofp %convert_element_type3A_560 : vector<128x128xi32> to vector<128x128xf32>
    %add3A_562 = arith.addf %add3A_551, %convert_element_type3A_561 : vector<128x128xf32>
    %get3A_563 = arith.constant 0 : index
    %get3A_564 = arith.constant 51 : index
    %get3A_565 = arith.constant 0 : index
    %get3A_566 = vector.load %arg3[%get3A_563, %get3A_564, %get3A_565] : memref<1x112x128xf32, #tpu.memory_space<vmem>>, vector<1x1x128xf32>
    %get3A_567 = vector.shape_cast %get3A_566 : vector<1x1x128xf32> to vector<1x128xf32>
    %lt3A_568 = vector.broadcast %get3A_567 : vector<1x128xf32> to vector<128x128xf32>
    %lt3A_569 = vector.broadcast %get3A_3 : vector<128x1xf32> to vector<128x128xf32>
    %lt3A_570 = arith.cmpf olt, %lt3A_568, %lt3A_569 : vector<128x128xf32>
    %convert_element_type3A_571 = arith.extui %lt3A_570 : vector<128x128xi1> to vector<128x128xi32>
    %convert_element_type3A_572 = arith.sitofp %convert_element_type3A_571 : vector<128x128xi32> to vector<128x128xf32>
    %add3A_573 = arith.addf %add3A_562, %convert_element_type3A_572 : vector<128x128xf32>
    %get3A_574 = arith.constant 0 : index
    %get3A_575 = arith.constant 52 : index
    %get3A_576 = arith.constant 0 : index
    %get3A_577 = vector.load %arg3[%get3A_574, %get3A_575, %get3A_576] : memref<1x112x128xf32, #tpu.memory_space<vmem>>, vector<1x1x128xf32>
    %get3A_578 = vector.shape_cast %get3A_577 : vector<1x1x128xf32> to vector<1x128xf32>
    %lt3A_579 = vector.broadcast %get3A_578 : vector<1x128xf32> to vector<128x128xf32>
    %lt3A_580 = vector.broadcast %get3A_3 : vector<128x1xf32> to vector<128x128xf32>
    %lt3A_581 = arith.cmpf olt, %lt3A_579, %lt3A_580 : vector<128x128xf32>
    %convert_element_type3A_582 = arith.extui %lt3A_581 : vector<128x128xi1> to vector<128x128xi32>
    %convert_element_type3A_583 = arith.sitofp %convert_element_type3A_582 : vector<128x128xi32> to vector<128x128xf32>
    %add3A_584 = arith.addf %add3A_573, %convert_element_type3A_583 : vector<128x128xf32>
    %get3A_585 = arith.constant 0 : index
    %get3A_586 = arith.constant 53 : index
    %get3A_587 = arith.constant 0 : index
    %get3A_588 = vector.load %arg3[%get3A_585, %get3A_586, %get3A_587] : memref<1x112x128xf32, #tpu.memory_space<vmem>>, vector<1x1x128xf32>
    %get3A_589 = vector.shape_cast %get3A_588 : vector<1x1x128xf32> to vector<1x128xf32>
    %lt3A_590 = vector.broadcast %get3A_589 : vector<1x128xf32> to vector<128x128xf32>
    %lt3A_591 = vector.broadcast %get3A_3 : vector<128x1xf32> to vector<128x128xf32>
    %lt3A_592 = arith.cmpf olt, %lt3A_590, %lt3A_591 : vector<128x128xf32>
    %convert_element_type3A_593 = arith.extui %lt3A_592 : vector<128x128xi1> to vector<128x128xi32>
    %convert_element_type3A_594 = arith.sitofp %convert_element_type3A_593 : vector<128x128xi32> to vector<128x128xf32>
    %add3A_595 = arith.addf %add3A_584, %convert_element_type3A_594 : vector<128x128xf32>
    %get3A_596 = arith.constant 0 : index
    %get3A_597 = arith.constant 54 : index
    %get3A_598 = arith.constant 0 : index
    %get3A_599 = vector.load %arg3[%get3A_596, %get3A_597, %get3A_598] : memref<1x112x128xf32, #tpu.memory_space<vmem>>, vector<1x1x128xf32>
    %get3A_600 = vector.shape_cast %get3A_599 : vector<1x1x128xf32> to vector<1x128xf32>
    %lt3A_601 = vector.broadcast %get3A_600 : vector<1x128xf32> to vector<128x128xf32>
    %lt3A_602 = vector.broadcast %get3A_3 : vector<128x1xf32> to vector<128x128xf32>
    %lt3A_603 = arith.cmpf olt, %lt3A_601, %lt3A_602 : vector<128x128xf32>
    %convert_element_type3A_604 = arith.extui %lt3A_603 : vector<128x128xi1> to vector<128x128xi32>
    %convert_element_type3A_605 = arith.sitofp %convert_element_type3A_604 : vector<128x128xi32> to vector<128x128xf32>
    %add3A_606 = arith.addf %add3A_595, %convert_element_type3A_605 : vector<128x128xf32>
    %get3A_607 = arith.constant 0 : index
    %get3A_608 = arith.constant 55 : index
    %get3A_609 = arith.constant 0 : index
    %get3A_610 = vector.load %arg3[%get3A_607, %get3A_608, %get3A_609] : memref<1x112x128xf32, #tpu.memory_space<vmem>>, vector<1x1x128xf32>
    %get3A_611 = vector.shape_cast %get3A_610 : vector<1x1x128xf32> to vector<1x128xf32>
    %lt3A_612 = vector.broadcast %get3A_611 : vector<1x128xf32> to vector<128x128xf32>
    %lt3A_613 = vector.broadcast %get3A_3 : vector<128x1xf32> to vector<128x128xf32>
    %lt3A_614 = arith.cmpf olt, %lt3A_612, %lt3A_613 : vector<128x128xf32>
    %convert_element_type3A_615 = arith.extui %lt3A_614 : vector<128x128xi1> to vector<128x128xi32>
    %convert_element_type3A_616 = arith.sitofp %convert_element_type3A_615 : vector<128x128xi32> to vector<128x128xf32>
    %add3A_617 = arith.addf %add3A_606, %convert_element_type3A_616 : vector<128x128xf32>
    %get3A_618 = arith.constant 0 : index
    %get3A_619 = arith.constant 56 : index
    %get3A_620 = arith.constant 0 : index
    %get3A_621 = vector.load %arg3[%get3A_618, %get3A_619, %get3A_620] : memref<1x112x128xf32, #tpu.memory_space<vmem>>, vector<1x1x128xf32>
    %get3A_622 = vector.shape_cast %get3A_621 : vector<1x1x128xf32> to vector<1x128xf32>
    %lt3A_623 = vector.broadcast %get3A_622 : vector<1x128xf32> to vector<128x128xf32>
    %lt3A_624 = vector.broadcast %get3A_3 : vector<128x1xf32> to vector<128x128xf32>
    %lt3A_625 = arith.cmpf olt, %lt3A_623, %lt3A_624 : vector<128x128xf32>
    %convert_element_type3A_626 = arith.extui %lt3A_625 : vector<128x128xi1> to vector<128x128xi32>
    %convert_element_type3A_627 = arith.sitofp %convert_element_type3A_626 : vector<128x128xi32> to vector<128x128xf32>
    %add3A_628 = arith.addf %add3A_617, %convert_element_type3A_627 : vector<128x128xf32>
    %get3A_629 = arith.constant 0 : index
    %get3A_630 = arith.constant 57 : index
    %get3A_631 = arith.constant 0 : index
    %get3A_632 = vector.load %arg3[%get3A_629, %get3A_630, %get3A_631] : memref<1x112x128xf32, #tpu.memory_space<vmem>>, vector<1x1x128xf32>
    %get3A_633 = vector.shape_cast %get3A_632 : vector<1x1x128xf32> to vector<1x128xf32>
    %lt3A_634 = vector.broadcast %get3A_633 : vector<1x128xf32> to vector<128x128xf32>
    %lt3A_635 = vector.broadcast %get3A_3 : vector<128x1xf32> to vector<128x128xf32>
    %lt3A_636 = arith.cmpf olt, %lt3A_634, %lt3A_635 : vector<128x128xf32>
    %convert_element_type3A_637 = arith.extui %lt3A_636 : vector<128x128xi1> to vector<128x128xi32>
    %convert_element_type3A_638 = arith.sitofp %convert_element_type3A_637 : vector<128x128xi32> to vector<128x128xf32>
    %add3A_639 = arith.addf %add3A_628, %convert_element_type3A_638 : vector<128x128xf32>
    %get3A_640 = arith.constant 0 : index
    %get3A_641 = arith.constant 58 : index
    %get3A_642 = arith.constant 0 : index
    %get3A_643 = vector.load %arg3[%get3A_640, %get3A_641, %get3A_642] : memref<1x112x128xf32, #tpu.memory_space<vmem>>, vector<1x1x128xf32>
    %get3A_644 = vector.shape_cast %get3A_643 : vector<1x1x128xf32> to vector<1x128xf32>
    %lt3A_645 = vector.broadcast %get3A_644 : vector<1x128xf32> to vector<128x128xf32>
    %lt3A_646 = vector.broadcast %get3A_3 : vector<128x1xf32> to vector<128x128xf32>
    %lt3A_647 = arith.cmpf olt, %lt3A_645, %lt3A_646 : vector<128x128xf32>
    %convert_element_type3A_648 = arith.extui %lt3A_647 : vector<128x128xi1> to vector<128x128xi32>
    %convert_element_type3A_649 = arith.sitofp %convert_element_type3A_648 : vector<128x128xi32> to vector<128x128xf32>
    %add3A_650 = arith.addf %add3A_639, %convert_element_type3A_649 : vector<128x128xf32>
    %get3A_651 = arith.constant 0 : index
    %get3A_652 = arith.constant 59 : index
    %get3A_653 = arith.constant 0 : index
    %get3A_654 = vector.load %arg3[%get3A_651, %get3A_652, %get3A_653] : memref<1x112x128xf32, #tpu.memory_space<vmem>>, vector<1x1x128xf32>
    %get3A_655 = vector.shape_cast %get3A_654 : vector<1x1x128xf32> to vector<1x128xf32>
    %lt3A_656 = vector.broadcast %get3A_655 : vector<1x128xf32> to vector<128x128xf32>
    %lt3A_657 = vector.broadcast %get3A_3 : vector<128x1xf32> to vector<128x128xf32>
    %lt3A_658 = arith.cmpf olt, %lt3A_656, %lt3A_657 : vector<128x128xf32>
    %convert_element_type3A_659 = arith.extui %lt3A_658 : vector<128x128xi1> to vector<128x128xi32>
    %convert_element_type3A_660 = arith.sitofp %convert_element_type3A_659 : vector<128x128xi32> to vector<128x128xf32>
    %add3A_661 = arith.addf %add3A_650, %convert_element_type3A_660 : vector<128x128xf32>
    %get3A_662 = arith.constant 0 : index
    %get3A_663 = arith.constant 60 : index
    %get3A_664 = arith.constant 0 : index
    %get3A_665 = vector.load %arg3[%get3A_662, %get3A_663, %get3A_664] : memref<1x112x128xf32, #tpu.memory_space<vmem>>, vector<1x1x128xf32>
    %get3A_666 = vector.shape_cast %get3A_665 : vector<1x1x128xf32> to vector<1x128xf32>
    %lt3A_667 = vector.broadcast %get3A_666 : vector<1x128xf32> to vector<128x128xf32>
    %lt3A_668 = vector.broadcast %get3A_3 : vector<128x1xf32> to vector<128x128xf32>
    %lt3A_669 = arith.cmpf olt, %lt3A_667, %lt3A_668 : vector<128x128xf32>
    %convert_element_type3A_670 = arith.extui %lt3A_669 : vector<128x128xi1> to vector<128x128xi32>
    %convert_element_type3A_671 = arith.sitofp %convert_element_type3A_670 : vector<128x128xi32> to vector<128x128xf32>
    %add3A_672 = arith.addf %add3A_661, %convert_element_type3A_671 : vector<128x128xf32>
    %get3A_673 = arith.constant 0 : index
    %get3A_674 = arith.constant 61 : index
    %get3A_675 = arith.constant 0 : index
    %get3A_676 = vector.load %arg3[%get3A_673, %get3A_674, %get3A_675] : memref<1x112x128xf32, #tpu.memory_space<vmem>>, vector<1x1x128xf32>
    %get3A_677 = vector.shape_cast %get3A_676 : vector<1x1x128xf32> to vector<1x128xf32>
    %lt3A_678 = vector.broadcast %get3A_677 : vector<1x128xf32> to vector<128x128xf32>
    %lt3A_679 = vector.broadcast %get3A_3 : vector<128x1xf32> to vector<128x128xf32>
    %lt3A_680 = arith.cmpf olt, %lt3A_678, %lt3A_679 : vector<128x128xf32>
    %convert_element_type3A_681 = arith.extui %lt3A_680 : vector<128x128xi1> to vector<128x128xi32>
    %convert_element_type3A_682 = arith.sitofp %convert_element_type3A_681 : vector<128x128xi32> to vector<128x128xf32>
    %add3A_683 = arith.addf %add3A_672, %convert_element_type3A_682 : vector<128x128xf32>
    %get3A_684 = arith.constant 0 : index
    %get3A_685 = arith.constant 62 : index
    %get3A_686 = arith.constant 0 : index
    %get3A_687 = vector.load %arg3[%get3A_684, %get3A_685, %get3A_686] : memref<1x112x128xf32, #tpu.memory_space<vmem>>, vector<1x1x128xf32>
    %get3A_688 = vector.shape_cast %get3A_687 : vector<1x1x128xf32> to vector<1x128xf32>
    %lt3A_689 = vector.broadcast %get3A_688 : vector<1x128xf32> to vector<128x128xf32>
    %lt3A_690 = vector.broadcast %get3A_3 : vector<128x1xf32> to vector<128x128xf32>
    %lt3A_691 = arith.cmpf olt, %lt3A_689, %lt3A_690 : vector<128x128xf32>
    %convert_element_type3A_692 = arith.extui %lt3A_691 : vector<128x128xi1> to vector<128x128xi32>
    %convert_element_type3A_693 = arith.sitofp %convert_element_type3A_692 : vector<128x128xi32> to vector<128x128xf32>
    %add3A_694 = arith.addf %add3A_683, %convert_element_type3A_693 : vector<128x128xf32>
    %get3A_695 = arith.constant 0 : index
    %get3A_696 = arith.constant 63 : index
    %get3A_697 = arith.constant 0 : index
    %get3A_698 = vector.load %arg3[%get3A_695, %get3A_696, %get3A_697] : memref<1x112x128xf32, #tpu.memory_space<vmem>>, vector<1x1x128xf32>
    %get3A_699 = vector.shape_cast %get3A_698 : vector<1x1x128xf32> to vector<1x128xf32>
    %lt3A_700 = vector.broadcast %get3A_699 : vector<1x128xf32> to vector<128x128xf32>
    %lt3A_701 = vector.broadcast %get3A_3 : vector<128x1xf32> to vector<128x128xf32>
    %lt3A_702 = arith.cmpf olt, %lt3A_700, %lt3A_701 : vector<128x128xf32>
    %convert_element_type3A_703 = arith.extui %lt3A_702 : vector<128x128xi1> to vector<128x128xi32>
    %convert_element_type3A_704 = arith.sitofp %convert_element_type3A_703 : vector<128x128xi32> to vector<128x128xf32>
    %add3A_705 = arith.addf %add3A_694, %convert_element_type3A_704 : vector<128x128xf32>
    %get3A_706 = arith.constant 0 : index
    %get3A_707 = arith.constant 64 : index
    %get3A_708 = arith.constant 0 : index
    %get3A_709 = vector.load %arg3[%get3A_706, %get3A_707, %get3A_708] : memref<1x112x128xf32, #tpu.memory_space<vmem>>, vector<1x1x128xf32>
    %get3A_710 = vector.shape_cast %get3A_709 : vector<1x1x128xf32> to vector<1x128xf32>
    %lt3A_711 = vector.broadcast %get3A_710 : vector<1x128xf32> to vector<128x128xf32>
    %lt3A_712 = vector.broadcast %get3A_3 : vector<128x1xf32> to vector<128x128xf32>
    %lt3A_713 = arith.cmpf olt, %lt3A_711, %lt3A_712 : vector<128x128xf32>
    %convert_element_type3A_714 = arith.extui %lt3A_713 : vector<128x128xi1> to vector<128x128xi32>
    %convert_element_type3A_715 = arith.sitofp %convert_element_type3A_714 : vector<128x128xi32> to vector<128x128xf32>
    %add3A_716 = arith.addf %add3A_705, %convert_element_type3A_715 : vector<128x128xf32>
    %get3A_717 = arith.constant 0 : index
    %get3A_718 = arith.constant 65 : index
    %get3A_719 = arith.constant 0 : index
    %get3A_720 = vector.load %arg3[%get3A_717, %get3A_718, %get3A_719] : memref<1x112x128xf32, #tpu.memory_space<vmem>>, vector<1x1x128xf32>
    %get3A_721 = vector.shape_cast %get3A_720 : vector<1x1x128xf32> to vector<1x128xf32>
    %lt3A_722 = vector.broadcast %get3A_721 : vector<1x128xf32> to vector<128x128xf32>
    %lt3A_723 = vector.broadcast %get3A_3 : vector<128x1xf32> to vector<128x128xf32>
    %lt3A_724 = arith.cmpf olt, %lt3A_722, %lt3A_723 : vector<128x128xf32>
    %convert_element_type3A_725 = arith.extui %lt3A_724 : vector<128x128xi1> to vector<128x128xi32>
    %convert_element_type3A_726 = arith.sitofp %convert_element_type3A_725 : vector<128x128xi32> to vector<128x128xf32>
    %add3A_727 = arith.addf %add3A_716, %convert_element_type3A_726 : vector<128x128xf32>
    %get3A_728 = arith.constant 0 : index
    %get3A_729 = arith.constant 66 : index
    %get3A_730 = arith.constant 0 : index
    %get3A_731 = vector.load %arg3[%get3A_728, %get3A_729, %get3A_730] : memref<1x112x128xf32, #tpu.memory_space<vmem>>, vector<1x1x128xf32>
    %get3A_732 = vector.shape_cast %get3A_731 : vector<1x1x128xf32> to vector<1x128xf32>
    %lt3A_733 = vector.broadcast %get3A_732 : vector<1x128xf32> to vector<128x128xf32>
    %lt3A_734 = vector.broadcast %get3A_3 : vector<128x1xf32> to vector<128x128xf32>
    %lt3A_735 = arith.cmpf olt, %lt3A_733, %lt3A_734 : vector<128x128xf32>
    %convert_element_type3A_736 = arith.extui %lt3A_735 : vector<128x128xi1> to vector<128x128xi32>
    %convert_element_type3A_737 = arith.sitofp %convert_element_type3A_736 : vector<128x128xi32> to vector<128x128xf32>
    %add3A_738 = arith.addf %add3A_727, %convert_element_type3A_737 : vector<128x128xf32>
    %get3A_739 = arith.constant 0 : index
    %get3A_740 = arith.constant 67 : index
    %get3A_741 = arith.constant 0 : index
    %get3A_742 = vector.load %arg3[%get3A_739, %get3A_740, %get3A_741] : memref<1x112x128xf32, #tpu.memory_space<vmem>>, vector<1x1x128xf32>
    %get3A_743 = vector.shape_cast %get3A_742 : vector<1x1x128xf32> to vector<1x128xf32>
    %lt3A_744 = vector.broadcast %get3A_743 : vector<1x128xf32> to vector<128x128xf32>
    %lt3A_745 = vector.broadcast %get3A_3 : vector<128x1xf32> to vector<128x128xf32>
    %lt3A_746 = arith.cmpf olt, %lt3A_744, %lt3A_745 : vector<128x128xf32>
    %convert_element_type3A_747 = arith.extui %lt3A_746 : vector<128x128xi1> to vector<128x128xi32>
    %convert_element_type3A_748 = arith.sitofp %convert_element_type3A_747 : vector<128x128xi32> to vector<128x128xf32>
    %add3A_749 = arith.addf %add3A_738, %convert_element_type3A_748 : vector<128x128xf32>
    %get3A_750 = arith.constant 0 : index
    %get3A_751 = arith.constant 68 : index
    %get3A_752 = arith.constant 0 : index
    %get3A_753 = vector.load %arg3[%get3A_750, %get3A_751, %get3A_752] : memref<1x112x128xf32, #tpu.memory_space<vmem>>, vector<1x1x128xf32>
    %get3A_754 = vector.shape_cast %get3A_753 : vector<1x1x128xf32> to vector<1x128xf32>
    %lt3A_755 = vector.broadcast %get3A_754 : vector<1x128xf32> to vector<128x128xf32>
    %lt3A_756 = vector.broadcast %get3A_3 : vector<128x1xf32> to vector<128x128xf32>
    %lt3A_757 = arith.cmpf olt, %lt3A_755, %lt3A_756 : vector<128x128xf32>
    %convert_element_type3A_758 = arith.extui %lt3A_757 : vector<128x128xi1> to vector<128x128xi32>
    %convert_element_type3A_759 = arith.sitofp %convert_element_type3A_758 : vector<128x128xi32> to vector<128x128xf32>
    %add3A_760 = arith.addf %add3A_749, %convert_element_type3A_759 : vector<128x128xf32>
    %get3A_761 = arith.constant 0 : index
    %get3A_762 = arith.constant 69 : index
    %get3A_763 = arith.constant 0 : index
    %get3A_764 = vector.load %arg3[%get3A_761, %get3A_762, %get3A_763] : memref<1x112x128xf32, #tpu.memory_space<vmem>>, vector<1x1x128xf32>
    %get3A_765 = vector.shape_cast %get3A_764 : vector<1x1x128xf32> to vector<1x128xf32>
    %lt3A_766 = vector.broadcast %get3A_765 : vector<1x128xf32> to vector<128x128xf32>
    %lt3A_767 = vector.broadcast %get3A_3 : vector<128x1xf32> to vector<128x128xf32>
    %lt3A_768 = arith.cmpf olt, %lt3A_766, %lt3A_767 : vector<128x128xf32>
    %convert_element_type3A_769 = arith.extui %lt3A_768 : vector<128x128xi1> to vector<128x128xi32>
    %convert_element_type3A_770 = arith.sitofp %convert_element_type3A_769 : vector<128x128xi32> to vector<128x128xf32>
    %add3A_771 = arith.addf %add3A_760, %convert_element_type3A_770 : vector<128x128xf32>
    %get3A_772 = arith.constant 0 : index
    %get3A_773 = arith.constant 70 : index
    %get3A_774 = arith.constant 0 : index
    %get3A_775 = vector.load %arg3[%get3A_772, %get3A_773, %get3A_774] : memref<1x112x128xf32, #tpu.memory_space<vmem>>, vector<1x1x128xf32>
    %get3A_776 = vector.shape_cast %get3A_775 : vector<1x1x128xf32> to vector<1x128xf32>
    %lt3A_777 = vector.broadcast %get3A_776 : vector<1x128xf32> to vector<128x128xf32>
    %lt3A_778 = vector.broadcast %get3A_3 : vector<128x1xf32> to vector<128x128xf32>
    %lt3A_779 = arith.cmpf olt, %lt3A_777, %lt3A_778 : vector<128x128xf32>
    %convert_element_type3A_780 = arith.extui %lt3A_779 : vector<128x128xi1> to vector<128x128xi32>
    %convert_element_type3A_781 = arith.sitofp %convert_element_type3A_780 : vector<128x128xi32> to vector<128x128xf32>
    %add3A_782 = arith.addf %add3A_771, %convert_element_type3A_781 : vector<128x128xf32>
    %get3A_783 = arith.constant 0 : index
    %get3A_784 = arith.constant 71 : index
    %get3A_785 = arith.constant 0 : index
    %get3A_786 = vector.load %arg3[%get3A_783, %get3A_784, %get3A_785] : memref<1x112x128xf32, #tpu.memory_space<vmem>>, vector<1x1x128xf32>
    %get3A_787 = vector.shape_cast %get3A_786 : vector<1x1x128xf32> to vector<1x128xf32>
    %lt3A_788 = vector.broadcast %get3A_787 : vector<1x128xf32> to vector<128x128xf32>
    %lt3A_789 = vector.broadcast %get3A_3 : vector<128x1xf32> to vector<128x128xf32>
    %lt3A_790 = arith.cmpf olt, %lt3A_788, %lt3A_789 : vector<128x128xf32>
    %convert_element_type3A_791 = arith.extui %lt3A_790 : vector<128x128xi1> to vector<128x128xi32>
    %convert_element_type3A_792 = arith.sitofp %convert_element_type3A_791 : vector<128x128xi32> to vector<128x128xf32>
    %add3A_793 = arith.addf %add3A_782, %convert_element_type3A_792 : vector<128x128xf32>
    %get3A_794 = arith.constant 0 : index
    %get3A_795 = arith.constant 72 : index
    %get3A_796 = arith.constant 0 : index
    %get3A_797 = vector.load %arg3[%get3A_794, %get3A_795, %get3A_796] : memref<1x112x128xf32, #tpu.memory_space<vmem>>, vector<1x1x128xf32>
    %get3A_798 = vector.shape_cast %get3A_797 : vector<1x1x128xf32> to vector<1x128xf32>
    %lt3A_799 = vector.broadcast %get3A_798 : vector<1x128xf32> to vector<128x128xf32>
    %lt3A_800 = vector.broadcast %get3A_3 : vector<128x1xf32> to vector<128x128xf32>
    %lt3A_801 = arith.cmpf olt, %lt3A_799, %lt3A_800 : vector<128x128xf32>
    %convert_element_type3A_802 = arith.extui %lt3A_801 : vector<128x128xi1> to vector<128x128xi32>
    %convert_element_type3A_803 = arith.sitofp %convert_element_type3A_802 : vector<128x128xi32> to vector<128x128xf32>
    %add3A_804 = arith.addf %add3A_793, %convert_element_type3A_803 : vector<128x128xf32>
    %get3A_805 = arith.constant 0 : index
    %get3A_806 = arith.constant 73 : index
    %get3A_807 = arith.constant 0 : index
    %get3A_808 = vector.load %arg3[%get3A_805, %get3A_806, %get3A_807] : memref<1x112x128xf32, #tpu.memory_space<vmem>>, vector<1x1x128xf32>
    %get3A_809 = vector.shape_cast %get3A_808 : vector<1x1x128xf32> to vector<1x128xf32>
    %lt3A_810 = vector.broadcast %get3A_809 : vector<1x128xf32> to vector<128x128xf32>
    %lt3A_811 = vector.broadcast %get3A_3 : vector<128x1xf32> to vector<128x128xf32>
    %lt3A_812 = arith.cmpf olt, %lt3A_810, %lt3A_811 : vector<128x128xf32>
    %convert_element_type3A_813 = arith.extui %lt3A_812 : vector<128x128xi1> to vector<128x128xi32>
    %convert_element_type3A_814 = arith.sitofp %convert_element_type3A_813 : vector<128x128xi32> to vector<128x128xf32>
    %add3A_815 = arith.addf %add3A_804, %convert_element_type3A_814 : vector<128x128xf32>
    %get3A_816 = arith.constant 0 : index
    %get3A_817 = arith.constant 74 : index
    %get3A_818 = arith.constant 0 : index
    %get3A_819 = vector.load %arg3[%get3A_816, %get3A_817, %get3A_818] : memref<1x112x128xf32, #tpu.memory_space<vmem>>, vector<1x1x128xf32>
    %get3A_820 = vector.shape_cast %get3A_819 : vector<1x1x128xf32> to vector<1x128xf32>
    %lt3A_821 = vector.broadcast %get3A_820 : vector<1x128xf32> to vector<128x128xf32>
    %lt3A_822 = vector.broadcast %get3A_3 : vector<128x1xf32> to vector<128x128xf32>
    %lt3A_823 = arith.cmpf olt, %lt3A_821, %lt3A_822 : vector<128x128xf32>
    %convert_element_type3A_824 = arith.extui %lt3A_823 : vector<128x128xi1> to vector<128x128xi32>
    %convert_element_type3A_825 = arith.sitofp %convert_element_type3A_824 : vector<128x128xi32> to vector<128x128xf32>
    %add3A_826 = arith.addf %add3A_815, %convert_element_type3A_825 : vector<128x128xf32>
    %get3A_827 = arith.constant 0 : index
    %get3A_828 = arith.constant 75 : index
    %get3A_829 = arith.constant 0 : index
    %get3A_830 = vector.load %arg3[%get3A_827, %get3A_828, %get3A_829] : memref<1x112x128xf32, #tpu.memory_space<vmem>>, vector<1x1x128xf32>
    %get3A_831 = vector.shape_cast %get3A_830 : vector<1x1x128xf32> to vector<1x128xf32>
    %lt3A_832 = vector.broadcast %get3A_831 : vector<1x128xf32> to vector<128x128xf32>
    %lt3A_833 = vector.broadcast %get3A_3 : vector<128x1xf32> to vector<128x128xf32>
    %lt3A_834 = arith.cmpf olt, %lt3A_832, %lt3A_833 : vector<128x128xf32>
    %convert_element_type3A_835 = arith.extui %lt3A_834 : vector<128x128xi1> to vector<128x128xi32>
    %convert_element_type3A_836 = arith.sitofp %convert_element_type3A_835 : vector<128x128xi32> to vector<128x128xf32>
    %add3A_837 = arith.addf %add3A_826, %convert_element_type3A_836 : vector<128x128xf32>
    %get3A_838 = arith.constant 0 : index
    %get3A_839 = arith.constant 76 : index
    %get3A_840 = arith.constant 0 : index
    %get3A_841 = vector.load %arg3[%get3A_838, %get3A_839, %get3A_840] : memref<1x112x128xf32, #tpu.memory_space<vmem>>, vector<1x1x128xf32>
    %get3A_842 = vector.shape_cast %get3A_841 : vector<1x1x128xf32> to vector<1x128xf32>
    %lt3A_843 = vector.broadcast %get3A_842 : vector<1x128xf32> to vector<128x128xf32>
    %lt3A_844 = vector.broadcast %get3A_3 : vector<128x1xf32> to vector<128x128xf32>
    %lt3A_845 = arith.cmpf olt, %lt3A_843, %lt3A_844 : vector<128x128xf32>
    %convert_element_type3A_846 = arith.extui %lt3A_845 : vector<128x128xi1> to vector<128x128xi32>
    %convert_element_type3A_847 = arith.sitofp %convert_element_type3A_846 : vector<128x128xi32> to vector<128x128xf32>
    %add3A_848 = arith.addf %add3A_837, %convert_element_type3A_847 : vector<128x128xf32>
    %get3A_849 = arith.constant 0 : index
    %get3A_850 = arith.constant 77 : index
    %get3A_851 = arith.constant 0 : index
    %get3A_852 = vector.load %arg3[%get3A_849, %get3A_850, %get3A_851] : memref<1x112x128xf32, #tpu.memory_space<vmem>>, vector<1x1x128xf32>
    %get3A_853 = vector.shape_cast %get3A_852 : vector<1x1x128xf32> to vector<1x128xf32>
    %lt3A_854 = vector.broadcast %get3A_853 : vector<1x128xf32> to vector<128x128xf32>
    %lt3A_855 = vector.broadcast %get3A_3 : vector<128x1xf32> to vector<128x128xf32>
    %lt3A_856 = arith.cmpf olt, %lt3A_854, %lt3A_855 : vector<128x128xf32>
    %convert_element_type3A_857 = arith.extui %lt3A_856 : vector<128x128xi1> to vector<128x128xi32>
    %convert_element_type3A_858 = arith.sitofp %convert_element_type3A_857 : vector<128x128xi32> to vector<128x128xf32>
    %add3A_859 = arith.addf %add3A_848, %convert_element_type3A_858 : vector<128x128xf32>
    %get3A_860 = arith.constant 0 : index
    %get3A_861 = arith.constant 78 : index
    %get3A_862 = arith.constant 0 : index
    %get3A_863 = vector.load %arg3[%get3A_860, %get3A_861, %get3A_862] : memref<1x112x128xf32, #tpu.memory_space<vmem>>, vector<1x1x128xf32>
    %get3A_864 = vector.shape_cast %get3A_863 : vector<1x1x128xf32> to vector<1x128xf32>
    %lt3A_865 = vector.broadcast %get3A_864 : vector<1x128xf32> to vector<128x128xf32>
    %lt3A_866 = vector.broadcast %get3A_3 : vector<128x1xf32> to vector<128x128xf32>
    %lt3A_867 = arith.cmpf olt, %lt3A_865, %lt3A_866 : vector<128x128xf32>
    %convert_element_type3A_868 = arith.extui %lt3A_867 : vector<128x128xi1> to vector<128x128xi32>
    %convert_element_type3A_869 = arith.sitofp %convert_element_type3A_868 : vector<128x128xi32> to vector<128x128xf32>
    %add3A_870 = arith.addf %add3A_859, %convert_element_type3A_869 : vector<128x128xf32>
    %get3A_871 = arith.constant 0 : index
    %get3A_872 = arith.constant 79 : index
    %get3A_873 = arith.constant 0 : index
    %get3A_874 = vector.load %arg3[%get3A_871, %get3A_872, %get3A_873] : memref<1x112x128xf32, #tpu.memory_space<vmem>>, vector<1x1x128xf32>
    %get3A_875 = vector.shape_cast %get3A_874 : vector<1x1x128xf32> to vector<1x128xf32>
    %lt3A_876 = vector.broadcast %get3A_875 : vector<1x128xf32> to vector<128x128xf32>
    %lt3A_877 = vector.broadcast %get3A_3 : vector<128x1xf32> to vector<128x128xf32>
    %lt3A_878 = arith.cmpf olt, %lt3A_876, %lt3A_877 : vector<128x128xf32>
    %convert_element_type3A_879 = arith.extui %lt3A_878 : vector<128x128xi1> to vector<128x128xi32>
    %convert_element_type3A_880 = arith.sitofp %convert_element_type3A_879 : vector<128x128xi32> to vector<128x128xf32>
    %add3A_881 = arith.addf %add3A_870, %convert_element_type3A_880 : vector<128x128xf32>
    %get3A_882 = arith.constant 0 : index
    %get3A_883 = arith.constant 80 : index
    %get3A_884 = arith.constant 0 : index
    %get3A_885 = vector.load %arg3[%get3A_882, %get3A_883, %get3A_884] : memref<1x112x128xf32, #tpu.memory_space<vmem>>, vector<1x1x128xf32>
    %get3A_886 = vector.shape_cast %get3A_885 : vector<1x1x128xf32> to vector<1x128xf32>
    %lt3A_887 = vector.broadcast %get3A_886 : vector<1x128xf32> to vector<128x128xf32>
    %lt3A_888 = vector.broadcast %get3A_3 : vector<128x1xf32> to vector<128x128xf32>
    %lt3A_889 = arith.cmpf olt, %lt3A_887, %lt3A_888 : vector<128x128xf32>
    %convert_element_type3A_890 = arith.extui %lt3A_889 : vector<128x128xi1> to vector<128x128xi32>
    %convert_element_type3A_891 = arith.sitofp %convert_element_type3A_890 : vector<128x128xi32> to vector<128x128xf32>
    %add3A_892 = arith.addf %add3A_881, %convert_element_type3A_891 : vector<128x128xf32>
    %get3A_893 = arith.constant 0 : index
    %get3A_894 = arith.constant 81 : index
    %get3A_895 = arith.constant 0 : index
    %get3A_896 = vector.load %arg3[%get3A_893, %get3A_894, %get3A_895] : memref<1x112x128xf32, #tpu.memory_space<vmem>>, vector<1x1x128xf32>
    %get3A_897 = vector.shape_cast %get3A_896 : vector<1x1x128xf32> to vector<1x128xf32>
    %lt3A_898 = vector.broadcast %get3A_897 : vector<1x128xf32> to vector<128x128xf32>
    %lt3A_899 = vector.broadcast %get3A_3 : vector<128x1xf32> to vector<128x128xf32>
    %lt3A_900 = arith.cmpf olt, %lt3A_898, %lt3A_899 : vector<128x128xf32>
    %convert_element_type3A_901 = arith.extui %lt3A_900 : vector<128x128xi1> to vector<128x128xi32>
    %convert_element_type3A_902 = arith.sitofp %convert_element_type3A_901 : vector<128x128xi32> to vector<128x128xf32>
    %add3A_903 = arith.addf %add3A_892, %convert_element_type3A_902 : vector<128x128xf32>
    %get3A_904 = arith.constant 0 : index
    %get3A_905 = arith.constant 82 : index
    %get3A_906 = arith.constant 0 : index
    %get3A_907 = vector.load %arg3[%get3A_904, %get3A_905, %get3A_906] : memref<1x112x128xf32, #tpu.memory_space<vmem>>, vector<1x1x128xf32>
    %get3A_908 = vector.shape_cast %get3A_907 : vector<1x1x128xf32> to vector<1x128xf32>
    %lt3A_909 = vector.broadcast %get3A_908 : vector<1x128xf32> to vector<128x128xf32>
    %lt3A_910 = vector.broadcast %get3A_3 : vector<128x1xf32> to vector<128x128xf32>
    %lt3A_911 = arith.cmpf olt, %lt3A_909, %lt3A_910 : vector<128x128xf32>
    %convert_element_type3A_912 = arith.extui %lt3A_911 : vector<128x128xi1> to vector<128x128xi32>
    %convert_element_type3A_913 = arith.sitofp %convert_element_type3A_912 : vector<128x128xi32> to vector<128x128xf32>
    %add3A_914 = arith.addf %add3A_903, %convert_element_type3A_913 : vector<128x128xf32>
    %get3A_915 = arith.constant 0 : index
    %get3A_916 = arith.constant 83 : index
    %get3A_917 = arith.constant 0 : index
    %get3A_918 = vector.load %arg3[%get3A_915, %get3A_916, %get3A_917] : memref<1x112x128xf32, #tpu.memory_space<vmem>>, vector<1x1x128xf32>
    %get3A_919 = vector.shape_cast %get3A_918 : vector<1x1x128xf32> to vector<1x128xf32>
    %lt3A_920 = vector.broadcast %get3A_919 : vector<1x128xf32> to vector<128x128xf32>
    %lt3A_921 = vector.broadcast %get3A_3 : vector<128x1xf32> to vector<128x128xf32>
    %lt3A_922 = arith.cmpf olt, %lt3A_920, %lt3A_921 : vector<128x128xf32>
    %convert_element_type3A_923 = arith.extui %lt3A_922 : vector<128x128xi1> to vector<128x128xi32>
    %convert_element_type3A_924 = arith.sitofp %convert_element_type3A_923 : vector<128x128xi32> to vector<128x128xf32>
    %add3A_925 = arith.addf %add3A_914, %convert_element_type3A_924 : vector<128x128xf32>
    %get3A_926 = arith.constant 0 : index
    %get3A_927 = arith.constant 84 : index
    %get3A_928 = arith.constant 0 : index
    %get3A_929 = vector.load %arg3[%get3A_926, %get3A_927, %get3A_928] : memref<1x112x128xf32, #tpu.memory_space<vmem>>, vector<1x1x128xf32>
    %get3A_930 = vector.shape_cast %get3A_929 : vector<1x1x128xf32> to vector<1x128xf32>
    %lt3A_931 = vector.broadcast %get3A_930 : vector<1x128xf32> to vector<128x128xf32>
    %lt3A_932 = vector.broadcast %get3A_3 : vector<128x1xf32> to vector<128x128xf32>
    %lt3A_933 = arith.cmpf olt, %lt3A_931, %lt3A_932 : vector<128x128xf32>
    %convert_element_type3A_934 = arith.extui %lt3A_933 : vector<128x128xi1> to vector<128x128xi32>
    %convert_element_type3A_935 = arith.sitofp %convert_element_type3A_934 : vector<128x128xi32> to vector<128x128xf32>
    %add3A_936 = arith.addf %add3A_925, %convert_element_type3A_935 : vector<128x128xf32>
    %get3A_937 = arith.constant 0 : index
    %get3A_938 = arith.constant 85 : index
    %get3A_939 = arith.constant 0 : index
    %get3A_940 = vector.load %arg3[%get3A_937, %get3A_938, %get3A_939] : memref<1x112x128xf32, #tpu.memory_space<vmem>>, vector<1x1x128xf32>
    %get3A_941 = vector.shape_cast %get3A_940 : vector<1x1x128xf32> to vector<1x128xf32>
    %lt3A_942 = vector.broadcast %get3A_941 : vector<1x128xf32> to vector<128x128xf32>
    %lt3A_943 = vector.broadcast %get3A_3 : vector<128x1xf32> to vector<128x128xf32>
    %lt3A_944 = arith.cmpf olt, %lt3A_942, %lt3A_943 : vector<128x128xf32>
    %convert_element_type3A_945 = arith.extui %lt3A_944 : vector<128x128xi1> to vector<128x128xi32>
    %convert_element_type3A_946 = arith.sitofp %convert_element_type3A_945 : vector<128x128xi32> to vector<128x128xf32>
    %add3A_947 = arith.addf %add3A_936, %convert_element_type3A_946 : vector<128x128xf32>
    %get3A_948 = arith.constant 0 : index
    %get3A_949 = arith.constant 86 : index
    %get3A_950 = arith.constant 0 : index
    %get3A_951 = vector.load %arg3[%get3A_948, %get3A_949, %get3A_950] : memref<1x112x128xf32, #tpu.memory_space<vmem>>, vector<1x1x128xf32>
    %get3A_952 = vector.shape_cast %get3A_951 : vector<1x1x128xf32> to vector<1x128xf32>
    %lt3A_953 = vector.broadcast %get3A_952 : vector<1x128xf32> to vector<128x128xf32>
    %lt3A_954 = vector.broadcast %get3A_3 : vector<128x1xf32> to vector<128x128xf32>
    %lt3A_955 = arith.cmpf olt, %lt3A_953, %lt3A_954 : vector<128x128xf32>
    %convert_element_type3A_956 = arith.extui %lt3A_955 : vector<128x128xi1> to vector<128x128xi32>
    %convert_element_type3A_957 = arith.sitofp %convert_element_type3A_956 : vector<128x128xi32> to vector<128x128xf32>
    %add3A_958 = arith.addf %add3A_947, %convert_element_type3A_957 : vector<128x128xf32>
    %get3A_959 = arith.constant 0 : index
    %get3A_960 = arith.constant 87 : index
    %get3A_961 = arith.constant 0 : index
    %get3A_962 = vector.load %arg3[%get3A_959, %get3A_960, %get3A_961] : memref<1x112x128xf32, #tpu.memory_space<vmem>>, vector<1x1x128xf32>
    %get3A_963 = vector.shape_cast %get3A_962 : vector<1x1x128xf32> to vector<1x128xf32>
    %lt3A_964 = vector.broadcast %get3A_963 : vector<1x128xf32> to vector<128x128xf32>
    %lt3A_965 = vector.broadcast %get3A_3 : vector<128x1xf32> to vector<128x128xf32>
    %lt3A_966 = arith.cmpf olt, %lt3A_964, %lt3A_965 : vector<128x128xf32>
    %convert_element_type3A_967 = arith.extui %lt3A_966 : vector<128x128xi1> to vector<128x128xi32>
    %convert_element_type3A_968 = arith.sitofp %convert_element_type3A_967 : vector<128x128xi32> to vector<128x128xf32>
    %add3A_969 = arith.addf %add3A_958, %convert_element_type3A_968 : vector<128x128xf32>
    %get3A_970 = arith.constant 0 : index
    %get3A_971 = arith.constant 88 : index
    %get3A_972 = arith.constant 0 : index
    %get3A_973 = vector.load %arg3[%get3A_970, %get3A_971, %get3A_972] : memref<1x112x128xf32, #tpu.memory_space<vmem>>, vector<1x1x128xf32>
    %get3A_974 = vector.shape_cast %get3A_973 : vector<1x1x128xf32> to vector<1x128xf32>
    %lt3A_975 = vector.broadcast %get3A_974 : vector<1x128xf32> to vector<128x128xf32>
    %lt3A_976 = vector.broadcast %get3A_3 : vector<128x1xf32> to vector<128x128xf32>
    %lt3A_977 = arith.cmpf olt, %lt3A_975, %lt3A_976 : vector<128x128xf32>
    %convert_element_type3A_978 = arith.extui %lt3A_977 : vector<128x128xi1> to vector<128x128xi32>
    %convert_element_type3A_979 = arith.sitofp %convert_element_type3A_978 : vector<128x128xi32> to vector<128x128xf32>
    %add3A_980 = arith.addf %add3A_969, %convert_element_type3A_979 : vector<128x128xf32>
    %get3A_981 = arith.constant 0 : index
    %get3A_982 = arith.constant 89 : index
    %get3A_983 = arith.constant 0 : index
    %get3A_984 = vector.load %arg3[%get3A_981, %get3A_982, %get3A_983] : memref<1x112x128xf32, #tpu.memory_space<vmem>>, vector<1x1x128xf32>
    %get3A_985 = vector.shape_cast %get3A_984 : vector<1x1x128xf32> to vector<1x128xf32>
    %lt3A_986 = vector.broadcast %get3A_985 : vector<1x128xf32> to vector<128x128xf32>
    %lt3A_987 = vector.broadcast %get3A_3 : vector<128x1xf32> to vector<128x128xf32>
    %lt3A_988 = arith.cmpf olt, %lt3A_986, %lt3A_987 : vector<128x128xf32>
    %convert_element_type3A_989 = arith.extui %lt3A_988 : vector<128x128xi1> to vector<128x128xi32>
    %convert_element_type3A_990 = arith.sitofp %convert_element_type3A_989 : vector<128x128xi32> to vector<128x128xf32>
    %add3A_991 = arith.addf %add3A_980, %convert_element_type3A_990 : vector<128x128xf32>
    %get3A_992 = arith.constant 0 : index
    %get3A_993 = arith.constant 90 : index
    %get3A_994 = arith.constant 0 : index
    %get3A_995 = vector.load %arg3[%get3A_992, %get3A_993, %get3A_994] : memref<1x112x128xf32, #tpu.memory_space<vmem>>, vector<1x1x128xf32>
    %get3A_996 = vector.shape_cast %get3A_995 : vector<1x1x128xf32> to vector<1x128xf32>
    %lt3A_997 = vector.broadcast %get3A_996 : vector<1x128xf32> to vector<128x128xf32>
    %lt3A_998 = vector.broadcast %get3A_3 : vector<128x1xf32> to vector<128x128xf32>
    %lt3A_999 = arith.cmpf olt, %lt3A_997, %lt3A_998 : vector<128x128xf32>
    %convert_element_type3A_1000 = arith.extui %lt3A_999 : vector<128x128xi1> to vector<128x128xi32>
    %convert_element_type3A_1001 = arith.sitofp %convert_element_type3A_1000 : vector<128x128xi32> to vector<128x128xf32>
    %add3A_1002 = arith.addf %add3A_991, %convert_element_type3A_1001 : vector<128x128xf32>
    %get3A_1003 = arith.constant 0 : index
    %get3A_1004 = arith.constant 91 : index
    %get3A_1005 = arith.constant 0 : index
    %get3A_1006 = vector.load %arg3[%get3A_1003, %get3A_1004, %get3A_1005] : memref<1x112x128xf32, #tpu.memory_space<vmem>>, vector<1x1x128xf32>
    %get3A_1007 = vector.shape_cast %get3A_1006 : vector<1x1x128xf32> to vector<1x128xf32>
    %lt3A_1008 = vector.broadcast %get3A_1007 : vector<1x128xf32> to vector<128x128xf32>
    %lt3A_1009 = vector.broadcast %get3A_3 : vector<128x1xf32> to vector<128x128xf32>
    %lt3A_1010 = arith.cmpf olt, %lt3A_1008, %lt3A_1009 : vector<128x128xf32>
    %convert_element_type3A_1011 = arith.extui %lt3A_1010 : vector<128x128xi1> to vector<128x128xi32>
    %convert_element_type3A_1012 = arith.sitofp %convert_element_type3A_1011 : vector<128x128xi32> to vector<128x128xf32>
    %add3A_1013 = arith.addf %add3A_1002, %convert_element_type3A_1012 : vector<128x128xf32>
    %get3A_1014 = arith.constant 0 : index
    %get3A_1015 = arith.constant 92 : index
    %get3A_1016 = arith.constant 0 : index
    %get3A_1017 = vector.load %arg3[%get3A_1014, %get3A_1015, %get3A_1016] : memref<1x112x128xf32, #tpu.memory_space<vmem>>, vector<1x1x128xf32>
    %get3A_1018 = vector.shape_cast %get3A_1017 : vector<1x1x128xf32> to vector<1x128xf32>
    %lt3A_1019 = vector.broadcast %get3A_1018 : vector<1x128xf32> to vector<128x128xf32>
    %lt3A_1020 = vector.broadcast %get3A_3 : vector<128x1xf32> to vector<128x128xf32>
    %lt3A_1021 = arith.cmpf olt, %lt3A_1019, %lt3A_1020 : vector<128x128xf32>
    %convert_element_type3A_1022 = arith.extui %lt3A_1021 : vector<128x128xi1> to vector<128x128xi32>
    %convert_element_type3A_1023 = arith.sitofp %convert_element_type3A_1022 : vector<128x128xi32> to vector<128x128xf32>
    %add3A_1024 = arith.addf %add3A_1013, %convert_element_type3A_1023 : vector<128x128xf32>
    %get3A_1025 = arith.constant 0 : index
    %get3A_1026 = arith.constant 93 : index
    %get3A_1027 = arith.constant 0 : index
    %get3A_1028 = vector.load %arg3[%get3A_1025, %get3A_1026, %get3A_1027] : memref<1x112x128xf32, #tpu.memory_space<vmem>>, vector<1x1x128xf32>
    %get3A_1029 = vector.shape_cast %get3A_1028 : vector<1x1x128xf32> to vector<1x128xf32>
    %lt3A_1030 = vector.broadcast %get3A_1029 : vector<1x128xf32> to vector<128x128xf32>
    %lt3A_1031 = vector.broadcast %get3A_3 : vector<128x1xf32> to vector<128x128xf32>
    %lt3A_1032 = arith.cmpf olt, %lt3A_1030, %lt3A_1031 : vector<128x128xf32>
    %convert_element_type3A_1033 = arith.extui %lt3A_1032 : vector<128x128xi1> to vector<128x128xi32>
    %convert_element_type3A_1034 = arith.sitofp %convert_element_type3A_1033 : vector<128x128xi32> to vector<128x128xf32>
    %add3A_1035 = arith.addf %add3A_1024, %convert_element_type3A_1034 : vector<128x128xf32>
    %get3A_1036 = arith.constant 0 : index
    %get3A_1037 = arith.constant 94 : index
    %get3A_1038 = arith.constant 0 : index
    %get3A_1039 = vector.load %arg3[%get3A_1036, %get3A_1037, %get3A_1038] : memref<1x112x128xf32, #tpu.memory_space<vmem>>, vector<1x1x128xf32>
    %get3A_1040 = vector.shape_cast %get3A_1039 : vector<1x1x128xf32> to vector<1x128xf32>
    %lt3A_1041 = vector.broadcast %get3A_1040 : vector<1x128xf32> to vector<128x128xf32>
    %lt3A_1042 = vector.broadcast %get3A_3 : vector<128x1xf32> to vector<128x128xf32>
    %lt3A_1043 = arith.cmpf olt, %lt3A_1041, %lt3A_1042 : vector<128x128xf32>
    %convert_element_type3A_1044 = arith.extui %lt3A_1043 : vector<128x128xi1> to vector<128x128xi32>
    %convert_element_type3A_1045 = arith.sitofp %convert_element_type3A_1044 : vector<128x128xi32> to vector<128x128xf32>
    %add3A_1046 = arith.addf %add3A_1035, %convert_element_type3A_1045 : vector<128x128xf32>
    %get3A_1047 = arith.constant 0 : index
    %get3A_1048 = arith.constant 95 : index
    %get3A_1049 = arith.constant 0 : index
    %get3A_1050 = vector.load %arg3[%get3A_1047, %get3A_1048, %get3A_1049] : memref<1x112x128xf32, #tpu.memory_space<vmem>>, vector<1x1x128xf32>
    %get3A_1051 = vector.shape_cast %get3A_1050 : vector<1x1x128xf32> to vector<1x128xf32>
    %lt3A_1052 = vector.broadcast %get3A_1051 : vector<1x128xf32> to vector<128x128xf32>
    %lt3A_1053 = vector.broadcast %get3A_3 : vector<128x1xf32> to vector<128x128xf32>
    %lt3A_1054 = arith.cmpf olt, %lt3A_1052, %lt3A_1053 : vector<128x128xf32>
    %convert_element_type3A_1055 = arith.extui %lt3A_1054 : vector<128x128xi1> to vector<128x128xi32>
    %convert_element_type3A_1056 = arith.sitofp %convert_element_type3A_1055 : vector<128x128xi32> to vector<128x128xf32>
    %add3A_1057 = arith.addf %add3A_1046, %convert_element_type3A_1056 : vector<128x128xf32>
    %get3A_1058 = arith.constant 0 : index
    %get3A_1059 = arith.constant 96 : index
    %get3A_1060 = arith.constant 0 : index
    %get3A_1061 = vector.load %arg3[%get3A_1058, %get3A_1059, %get3A_1060] : memref<1x112x128xf32, #tpu.memory_space<vmem>>, vector<1x1x128xf32>
    %get3A_1062 = vector.shape_cast %get3A_1061 : vector<1x1x128xf32> to vector<1x128xf32>
    %lt3A_1063 = vector.broadcast %get3A_1062 : vector<1x128xf32> to vector<128x128xf32>
    %lt3A_1064 = vector.broadcast %get3A_3 : vector<128x1xf32> to vector<128x128xf32>
    %lt3A_1065 = arith.cmpf olt, %lt3A_1063, %lt3A_1064 : vector<128x128xf32>
    %convert_element_type3A_1066 = arith.extui %lt3A_1065 : vector<128x128xi1> to vector<128x128xi32>
    %convert_element_type3A_1067 = arith.sitofp %convert_element_type3A_1066 : vector<128x128xi32> to vector<128x128xf32>
    %add3A_1068 = arith.addf %add3A_1057, %convert_element_type3A_1067 : vector<128x128xf32>
    %get3A_1069 = arith.constant 0 : index
    %get3A_1070 = arith.constant 97 : index
    %get3A_1071 = arith.constant 0 : index
    %get3A_1072 = vector.load %arg3[%get3A_1069, %get3A_1070, %get3A_1071] : memref<1x112x128xf32, #tpu.memory_space<vmem>>, vector<1x1x128xf32>
    %get3A_1073 = vector.shape_cast %get3A_1072 : vector<1x1x128xf32> to vector<1x128xf32>
    %lt3A_1074 = vector.broadcast %get3A_1073 : vector<1x128xf32> to vector<128x128xf32>
    %lt3A_1075 = vector.broadcast %get3A_3 : vector<128x1xf32> to vector<128x128xf32>
    %lt3A_1076 = arith.cmpf olt, %lt3A_1074, %lt3A_1075 : vector<128x128xf32>
    %convert_element_type3A_1077 = arith.extui %lt3A_1076 : vector<128x128xi1> to vector<128x128xi32>
    %convert_element_type3A_1078 = arith.sitofp %convert_element_type3A_1077 : vector<128x128xi32> to vector<128x128xf32>
    %add3A_1079 = arith.addf %add3A_1068, %convert_element_type3A_1078 : vector<128x128xf32>
    %get3A_1080 = arith.constant 0 : index
    %get3A_1081 = arith.constant 98 : index
    %get3A_1082 = arith.constant 0 : index
    %get3A_1083 = vector.load %arg3[%get3A_1080, %get3A_1081, %get3A_1082] : memref<1x112x128xf32, #tpu.memory_space<vmem>>, vector<1x1x128xf32>
    %get3A_1084 = vector.shape_cast %get3A_1083 : vector<1x1x128xf32> to vector<1x128xf32>
    %lt3A_1085 = vector.broadcast %get3A_1084 : vector<1x128xf32> to vector<128x128xf32>
    %lt3A_1086 = vector.broadcast %get3A_3 : vector<128x1xf32> to vector<128x128xf32>
    %lt3A_1087 = arith.cmpf olt, %lt3A_1085, %lt3A_1086 : vector<128x128xf32>
    %convert_element_type3A_1088 = arith.extui %lt3A_1087 : vector<128x128xi1> to vector<128x128xi32>
    %convert_element_type3A_1089 = arith.sitofp %convert_element_type3A_1088 : vector<128x128xi32> to vector<128x128xf32>
    %add3A_1090 = arith.addf %add3A_1079, %convert_element_type3A_1089 : vector<128x128xf32>
    %get3A_1091 = arith.constant 0 : index
    %get3A_1092 = arith.constant 99 : index
    %get3A_1093 = arith.constant 0 : index
    %get3A_1094 = vector.load %arg3[%get3A_1091, %get3A_1092, %get3A_1093] : memref<1x112x128xf32, #tpu.memory_space<vmem>>, vector<1x1x128xf32>
    %get3A_1095 = vector.shape_cast %get3A_1094 : vector<1x1x128xf32> to vector<1x128xf32>
    %lt3A_1096 = vector.broadcast %get3A_1095 : vector<1x128xf32> to vector<128x128xf32>
    %lt3A_1097 = vector.broadcast %get3A_3 : vector<128x1xf32> to vector<128x128xf32>
    %lt3A_1098 = arith.cmpf olt, %lt3A_1096, %lt3A_1097 : vector<128x128xf32>
    %convert_element_type3A_1099 = arith.extui %lt3A_1098 : vector<128x128xi1> to vector<128x128xi32>
    %convert_element_type3A_1100 = arith.sitofp %convert_element_type3A_1099 : vector<128x128xi32> to vector<128x128xf32>
    %add3A_1101 = arith.addf %add3A_1090, %convert_element_type3A_1100 : vector<128x128xf32>
    %get3A_1102 = arith.constant 0 : index
    %get3A_1103 = arith.constant 100 : index
    %get3A_1104 = arith.constant 0 : index
    %get3A_1105 = vector.load %arg3[%get3A_1102, %get3A_1103, %get3A_1104] : memref<1x112x128xf32, #tpu.memory_space<vmem>>, vector<1x1x128xf32>
    %get3A_1106 = vector.shape_cast %get3A_1105 : vector<1x1x128xf32> to vector<1x128xf32>
    %lt3A_1107 = vector.broadcast %get3A_1106 : vector<1x128xf32> to vector<128x128xf32>
    %lt3A_1108 = vector.broadcast %get3A_3 : vector<128x1xf32> to vector<128x128xf32>
    %lt3A_1109 = arith.cmpf olt, %lt3A_1107, %lt3A_1108 : vector<128x128xf32>
    %convert_element_type3A_1110 = arith.extui %lt3A_1109 : vector<128x128xi1> to vector<128x128xi32>
    %convert_element_type3A_1111 = arith.sitofp %convert_element_type3A_1110 : vector<128x128xi32> to vector<128x128xf32>
    %add3A_1112 = arith.addf %add3A_1101, %convert_element_type3A_1111 : vector<128x128xf32>
    %get3A_1113 = arith.constant 0 : index
    %get3A_1114 = arith.constant 101 : index
    %get3A_1115 = arith.constant 0 : index
    %get3A_1116 = vector.load %arg3[%get3A_1113, %get3A_1114, %get3A_1115] : memref<1x112x128xf32, #tpu.memory_space<vmem>>, vector<1x1x128xf32>
    %get3A_1117 = vector.shape_cast %get3A_1116 : vector<1x1x128xf32> to vector<1x128xf32>
    %lt3A_1118 = vector.broadcast %get3A_1117 : vector<1x128xf32> to vector<128x128xf32>
    %lt3A_1119 = vector.broadcast %get3A_3 : vector<128x1xf32> to vector<128x128xf32>
    %lt3A_1120 = arith.cmpf olt, %lt3A_1118, %lt3A_1119 : vector<128x128xf32>
    %convert_element_type3A_1121 = arith.extui %lt3A_1120 : vector<128x128xi1> to vector<128x128xi32>
    %convert_element_type3A_1122 = arith.sitofp %convert_element_type3A_1121 : vector<128x128xi32> to vector<128x128xf32>
    %add3A_1123 = arith.addf %add3A_1112, %convert_element_type3A_1122 : vector<128x128xf32>
    %get3A_1124 = arith.constant 0 : index
    %get3A_1125 = arith.constant 102 : index
    %get3A_1126 = arith.constant 0 : index
    %get3A_1127 = vector.load %arg3[%get3A_1124, %get3A_1125, %get3A_1126] : memref<1x112x128xf32, #tpu.memory_space<vmem>>, vector<1x1x128xf32>
    %get3A_1128 = vector.shape_cast %get3A_1127 : vector<1x1x128xf32> to vector<1x128xf32>
    %lt3A_1129 = vector.broadcast %get3A_1128 : vector<1x128xf32> to vector<128x128xf32>
    %lt3A_1130 = vector.broadcast %get3A_3 : vector<128x1xf32> to vector<128x128xf32>
    %lt3A_1131 = arith.cmpf olt, %lt3A_1129, %lt3A_1130 : vector<128x128xf32>
    %convert_element_type3A_1132 = arith.extui %lt3A_1131 : vector<128x128xi1> to vector<128x128xi32>
    %convert_element_type3A_1133 = arith.sitofp %convert_element_type3A_1132 : vector<128x128xi32> to vector<128x128xf32>
    %add3A_1134 = arith.addf %add3A_1123, %convert_element_type3A_1133 : vector<128x128xf32>
    %get3A_1135 = arith.constant 0 : index
    %get3A_1136 = arith.constant 103 : index
    %get3A_1137 = arith.constant 0 : index
    %get3A_1138 = vector.load %arg3[%get3A_1135, %get3A_1136, %get3A_1137] : memref<1x112x128xf32, #tpu.memory_space<vmem>>, vector<1x1x128xf32>
    %get3A_1139 = vector.shape_cast %get3A_1138 : vector<1x1x128xf32> to vector<1x128xf32>
    %lt3A_1140 = vector.broadcast %get3A_1139 : vector<1x128xf32> to vector<128x128xf32>
    %lt3A_1141 = vector.broadcast %get3A_3 : vector<128x1xf32> to vector<128x128xf32>
    %lt3A_1142 = arith.cmpf olt, %lt3A_1140, %lt3A_1141 : vector<128x128xf32>
    %convert_element_type3A_1143 = arith.extui %lt3A_1142 : vector<128x128xi1> to vector<128x128xi32>
    %convert_element_type3A_1144 = arith.sitofp %convert_element_type3A_1143 : vector<128x128xi32> to vector<128x128xf32>
    %add3A_1145 = arith.addf %add3A_1134, %convert_element_type3A_1144 : vector<128x128xf32>
    %get3A_1146 = arith.constant 0 : index
    %get3A_1147 = arith.constant 104 : index
    %get3A_1148 = arith.constant 0 : index
    %get3A_1149 = vector.load %arg3[%get3A_1146, %get3A_1147, %get3A_1148] : memref<1x112x128xf32, #tpu.memory_space<vmem>>, vector<1x1x128xf32>
    %get3A_1150 = vector.shape_cast %get3A_1149 : vector<1x1x128xf32> to vector<1x128xf32>
    %lt3A_1151 = vector.broadcast %get3A_1150 : vector<1x128xf32> to vector<128x128xf32>
    %lt3A_1152 = vector.broadcast %get3A_3 : vector<128x1xf32> to vector<128x128xf32>
    %lt3A_1153 = arith.cmpf olt, %lt3A_1151, %lt3A_1152 : vector<128x128xf32>
    %convert_element_type3A_1154 = arith.extui %lt3A_1153 : vector<128x128xi1> to vector<128x128xi32>
    %convert_element_type3A_1155 = arith.sitofp %convert_element_type3A_1154 : vector<128x128xi32> to vector<128x128xf32>
    %add3A_1156 = arith.addf %add3A_1145, %convert_element_type3A_1155 : vector<128x128xf32>
    %get3A_1157 = arith.constant 0 : index
    %get3A_1158 = arith.constant 105 : index
    %get3A_1159 = arith.constant 0 : index
    %get3A_1160 = vector.load %arg3[%get3A_1157, %get3A_1158, %get3A_1159] : memref<1x112x128xf32, #tpu.memory_space<vmem>>, vector<1x1x128xf32>
    %get3A_1161 = vector.shape_cast %get3A_1160 : vector<1x1x128xf32> to vector<1x128xf32>
    %lt3A_1162 = vector.broadcast %get3A_1161 : vector<1x128xf32> to vector<128x128xf32>
    %lt3A_1163 = vector.broadcast %get3A_3 : vector<128x1xf32> to vector<128x128xf32>
    %lt3A_1164 = arith.cmpf olt, %lt3A_1162, %lt3A_1163 : vector<128x128xf32>
    %convert_element_type3A_1165 = arith.extui %lt3A_1164 : vector<128x128xi1> to vector<128x128xi32>
    %convert_element_type3A_1166 = arith.sitofp %convert_element_type3A_1165 : vector<128x128xi32> to vector<128x128xf32>
    %add3A_1167 = arith.addf %add3A_1156, %convert_element_type3A_1166 : vector<128x128xf32>
    %get3A_1168 = arith.constant 0 : index
    %get3A_1169 = arith.constant 106 : index
    %get3A_1170 = arith.constant 0 : index
    %get3A_1171 = vector.load %arg3[%get3A_1168, %get3A_1169, %get3A_1170] : memref<1x112x128xf32, #tpu.memory_space<vmem>>, vector<1x1x128xf32>
    %get3A_1172 = vector.shape_cast %get3A_1171 : vector<1x1x128xf32> to vector<1x128xf32>
    %lt3A_1173 = vector.broadcast %get3A_1172 : vector<1x128xf32> to vector<128x128xf32>
    %lt3A_1174 = vector.broadcast %get3A_3 : vector<128x1xf32> to vector<128x128xf32>
    %lt3A_1175 = arith.cmpf olt, %lt3A_1173, %lt3A_1174 : vector<128x128xf32>
    %convert_element_type3A_1176 = arith.extui %lt3A_1175 : vector<128x128xi1> to vector<128x128xi32>
    %convert_element_type3A_1177 = arith.sitofp %convert_element_type3A_1176 : vector<128x128xi32> to vector<128x128xf32>
    %add3A_1178 = arith.addf %add3A_1167, %convert_element_type3A_1177 : vector<128x128xf32>
    %get3A_1179 = arith.constant 0 : index
    %get3A_1180 = arith.constant 107 : index
    %get3A_1181 = arith.constant 0 : index
    %get3A_1182 = vector.load %arg3[%get3A_1179, %get3A_1180, %get3A_1181] : memref<1x112x128xf32, #tpu.memory_space<vmem>>, vector<1x1x128xf32>
    %get3A_1183 = vector.shape_cast %get3A_1182 : vector<1x1x128xf32> to vector<1x128xf32>
    %lt3A_1184 = vector.broadcast %get3A_1183 : vector<1x128xf32> to vector<128x128xf32>
    %lt3A_1185 = vector.broadcast %get3A_3 : vector<128x1xf32> to vector<128x128xf32>
    %lt3A_1186 = arith.cmpf olt, %lt3A_1184, %lt3A_1185 : vector<128x128xf32>
    %convert_element_type3A_1187 = arith.extui %lt3A_1186 : vector<128x128xi1> to vector<128x128xi32>
    %convert_element_type3A_1188 = arith.sitofp %convert_element_type3A_1187 : vector<128x128xi32> to vector<128x128xf32>
    %add3A_1189 = arith.addf %add3A_1178, %convert_element_type3A_1188 : vector<128x128xf32>
    %get3A_1190 = arith.constant 0 : index
    %get3A_1191 = arith.constant 108 : index
    %get3A_1192 = arith.constant 0 : index
    %get3A_1193 = vector.load %arg3[%get3A_1190, %get3A_1191, %get3A_1192] : memref<1x112x128xf32, #tpu.memory_space<vmem>>, vector<1x1x128xf32>
    %get3A_1194 = vector.shape_cast %get3A_1193 : vector<1x1x128xf32> to vector<1x128xf32>
    %lt3A_1195 = vector.broadcast %get3A_1194 : vector<1x128xf32> to vector<128x128xf32>
    %lt3A_1196 = vector.broadcast %get3A_3 : vector<128x1xf32> to vector<128x128xf32>
    %lt3A_1197 = arith.cmpf olt, %lt3A_1195, %lt3A_1196 : vector<128x128xf32>
    %convert_element_type3A_1198 = arith.extui %lt3A_1197 : vector<128x128xi1> to vector<128x128xi32>
    %convert_element_type3A_1199 = arith.sitofp %convert_element_type3A_1198 : vector<128x128xi32> to vector<128x128xf32>
    %add3A_1200 = arith.addf %add3A_1189, %convert_element_type3A_1199 : vector<128x128xf32>
    %get3A_1201 = arith.constant 0 : index
    %get3A_1202 = arith.constant 109 : index
    %get3A_1203 = arith.constant 0 : index
    %get3A_1204 = vector.load %arg3[%get3A_1201, %get3A_1202, %get3A_1203] : memref<1x112x128xf32, #tpu.memory_space<vmem>>, vector<1x1x128xf32>
    %get3A_1205 = vector.shape_cast %get3A_1204 : vector<1x1x128xf32> to vector<1x128xf32>
    %lt3A_1206 = vector.broadcast %get3A_1205 : vector<1x128xf32> to vector<128x128xf32>
    %lt3A_1207 = vector.broadcast %get3A_3 : vector<128x1xf32> to vector<128x128xf32>
    %lt3A_1208 = arith.cmpf olt, %lt3A_1206, %lt3A_1207 : vector<128x128xf32>
    %convert_element_type3A_1209 = arith.extui %lt3A_1208 : vector<128x128xi1> to vector<128x128xi32>
    %convert_element_type3A_1210 = arith.sitofp %convert_element_type3A_1209 : vector<128x128xi32> to vector<128x128xf32>
    %add3A_1211 = arith.addf %add3A_1200, %convert_element_type3A_1210 : vector<128x128xf32>
    %get3A_1212 = arith.constant 0 : index
    %get3A_1213 = arith.constant 110 : index
    %get3A_1214 = arith.constant 0 : index
    %get3A_1215 = vector.load %arg3[%get3A_1212, %get3A_1213, %get3A_1214] : memref<1x112x128xf32, #tpu.memory_space<vmem>>, vector<1x1x128xf32>
    %get3A_1216 = vector.shape_cast %get3A_1215 : vector<1x1x128xf32> to vector<1x128xf32>
    %lt3A_1217 = vector.broadcast %get3A_1216 : vector<1x128xf32> to vector<128x128xf32>
    %lt3A_1218 = vector.broadcast %get3A_3 : vector<128x1xf32> to vector<128x128xf32>
    %lt3A_1219 = arith.cmpf olt, %lt3A_1217, %lt3A_1218 : vector<128x128xf32>
    %convert_element_type3A_1220 = arith.extui %lt3A_1219 : vector<128x128xi1> to vector<128x128xi32>
    %convert_element_type3A_1221 = arith.sitofp %convert_element_type3A_1220 : vector<128x128xi32> to vector<128x128xf32>
    %add3A_1222 = arith.addf %add3A_1211, %convert_element_type3A_1221 : vector<128x128xf32>
    %get3A_1223 = arith.constant 0 : index
    %get3A_1224 = arith.constant 111 : index
    %get3A_1225 = arith.constant 0 : index
    %get3A_1226 = vector.load %arg3[%get3A_1223, %get3A_1224, %get3A_1225] : memref<1x112x128xf32, #tpu.memory_space<vmem>>, vector<1x1x128xf32>
    %get3A_1227 = vector.shape_cast %get3A_1226 : vector<1x1x128xf32> to vector<1x128xf32>
    %lt3A_1228 = vector.broadcast %get3A_1227 : vector<1x128xf32> to vector<128x128xf32>
    %lt3A_1229 = vector.broadcast %get3A_3 : vector<128x1xf32> to vector<128x128xf32>
    %lt3A_1230 = arith.cmpf olt, %lt3A_1228, %lt3A_1229 : vector<128x128xf32>
    %convert_element_type3A_1231 = arith.extui %lt3A_1230 : vector<128x128xi1> to vector<128x128xi32>
    %convert_element_type3A_1232 = arith.sitofp %convert_element_type3A_1231 : vector<128x128xi32> to vector<128x128xf32>
    %add3A_1233 = arith.addf %add3A_1222, %convert_element_type3A_1232 : vector<128x128xf32>
    %reduce_sum3A = arith.constant dense<0.000000e+00> : vector<128xf32>
    %reduce_sum3A_1234 = vector.multi_reduction <add>, %add3A_1233, %reduce_sum3A [1] : vector<128x128xf32> to vector<128xf32>
    %broadcast_in_dim3A_1235 = vector.shape_cast %reduce_sum3A_1234 : vector<128xf32> to vector<128x1xf32>
    %get3A_1236 = arith.constant 0 : index
    %get3A_1237 = arith.constant 0 : index
    %get3A_1238 = arith.constant 0 : index
    %get3A_1239 = vector.load %arg5[%get3A_1236, %get3A_1237, %get3A_1238] : memref<1x1x128xf32, #tpu.memory_space<vmem>>, vector<1x1x128xf32>
    %get3A_1240 = vector.shape_cast %get3A_1239 : vector<1x1x128xf32> to vector<1x128xf32>
    %slice3A = vector.extract_strided_slice %get3A_1240 {offsets = [0, 0], sizes = [1, 1], strides = [1, 1]} : vector<1x128xf32> to vector<1x1xf32>
    %slice3A_1241 = vector.extract_strided_slice %get3A_1240 {offsets = [0, 1], sizes = [1, 1], strides = [1, 1]} : vector<1x128xf32> to vector<1x1xf32>
    %div3A = vector.broadcast %slice3A : vector<1x1xf32> to vector<128x1xf32>
    %div3A_1242 = arith.divf %broadcast_in_dim3A_1235, %div3A : vector<128x1xf32>
    %sub3A = arith.constant 1.000000e+00 : f32
    %sub3A_1243 = vector.broadcast %sub3A : f32 to vector<128x1xf32>
    %sub3A_1244 = arith.subf %sub3A_1243, %div3A_1242 : vector<128x1xf32>
    %mul3A = arith.constant 6.000000e-01 : f32
    %mul3A_1245 = vector.broadcast %mul3A : f32 to vector<128x1xf32>
    %mul3A_1246 = arith.mulf %sub3A_1244, %mul3A_1245 : vector<128x1xf32>
    %add3A_1247 = arith.constant 2.000000e-01 : f32
    %add3A_1248 = vector.broadcast %add3A_1247 : f32 to vector<128x1xf32>
    %add3A_1249 = arith.addf %mul3A_1246, %add3A_1248 : vector<128x1xf32>
    %gt3A = arith.constant 1.500000e+00 : f32
    %gt3A_1250 = vector.broadcast %gt3A : f32 to vector<1x1xf32>
    %gt3A_1251 = arith.cmpf ogt, %slice3A_1241, %gt3A_1250 : vector<1x1xf32>
    %jit3A = arith.constant 5.000000e-01 : f32
    %broadcast_in_dim3A_1252 = vector.shape_cast %gt3A_1251 : vector<1x1xi1> to vector<1x1xi1>
    %broadcast_in_dim3A_1253 = vector.broadcast %broadcast_in_dim3A_1252 : vector<1x1xi1> to vector<128x1xi1>
    %broadcast_in_dim3A_1254 = vector.broadcast %jit3A : f32 to vector<128x1xf32>
    %select_n3A = arith.select %broadcast_in_dim3A_1253, %add3A_1249, %broadcast_in_dim3A_1254 : vector<128x1xi1>, vector<128x1xf32>
    %get3A_1255 = arith.constant 0 : index
    %get3A_1256 = arith.constant 0 : index
    %get3A_1257 = arith.constant 0 : index
    %get3A_1258 = vector.load %arg4[%get3A_1255, %get3A_1256, %get3A_1257] : memref<1x128x1xf32, #tpu.memory_space<vmem>>, vector<1x128x1xf32>
    %get3A_1259 = vector.shape_cast %get3A_1258 : vector<1x128x1xf32> to vector<128x1xf32>
    %gt3A_1260 = arith.constant 5.000000e-01 : f32
    %gt3A_1261 = vector.broadcast %gt3A_1260 : f32 to vector<128x1xf32>
    %gt3A_1262 = arith.cmpf ogt, %get3A_1259, %gt3A_1261 : vector<128x1xf32>
    %jit3A_1263 = arith.constant 1.000000e+00 : f32
    %broadcast_in_dim3A_1264 = vector.broadcast %jit3A_1263 : f32 to vector<128x1xf32>
    %select_n3A_1265 = arith.select %gt3A_1262, %select_n3A, %broadcast_in_dim3A_1264 : vector<128x1xi1>, vector<128x1xf32>
    %swap3A = arith.constant 0 : index
    %swap3A_1266 = arith.constant 0 : index
    %swap3A_1267 = arith.constant 0 : index
    %swap3A_1268 = vector.load %arg6[%swap3A, %swap3A_1266, %swap3A_1267] : memref<1x128x1xf32, #tpu.memory_space<vmem>>, vector<1x128x1xf32>
    %swap3A_1269 = vector.shape_cast %swap3A_1268 : vector<1x128x1xf32> to vector<128x1xf32>
    %swap3A_1270 = vector.shape_cast %select_n3A_1265 : vector<128x1xf32> to vector<1x128x1xf32>
    tpu.vector_store %arg6[%swap3A, %swap3A_1266, %swap3A_1267], %swap3A_1270 {strides = array<i32>} : memref<1x128x1xf32, #tpu.memory_space<vmem>>, vector<1x128x1xf32>,
    return
  }
  func.func @transform_0(%arg0: i32, %arg1: i32) -> (i32, i32, i32) {
    %c0_i32 = arith.constant 0 : i32
    %c0_i32_0 = arith.constant 0 : i32
    return %arg0, %arg1, %c0_i32 : i32, i32, i32
  }
  func.func @transform_1(%arg0: i32, %arg1: i32) -> (i32, i32, i32) {
    %c0_i32 = arith.constant 0 : i32
    %c0_i32_0 = arith.constant 0 : i32
    %c0_i32_1 = arith.constant 0 : i32
    return %arg0, %c0_i32, %c0_i32_0 : i32, i32, i32
  }
  func.func @transform_2(%arg0: i32, %arg1: i32) -> (i32, i32, i32) {
    %c0_i32 = arith.constant 0 : i32
    %c0_i32_0 = arith.constant 0 : i32
    return %arg0, %arg1, %c0_i32 : i32, i32, i32
  }
  func.func @transform_3(%arg0: i32, %arg1: i32) -> (i32, i32, i32) {
    %c0_i32 = arith.constant 0 : i32
    %c0_i32_0 = arith.constant 0 : i32
    %c0_i32_1 = arith.constant 0 : i32
    return %arg0, %c0_i32, %c0_i32_0 : i32, i32, i32
  }
  func.func @transform_4(%arg0: i32, %arg1: i32) -> (i32, i32, i32) {
    %c0_i32 = arith.constant 0 : i32
    %c0_i32_0 = arith.constant 0 : i32
    return %arg0, %arg1, %c0_i32 : i32, i32, i32
  }
}

module attributes {stable_mosaic.version = 14 : i64} {
  func.func @_erode_body(%arg0: i32, %arg1: memref<1x512x512xf32, #tpu.memory_space<vmem>>, %arg2: memref<1x517x517xf32, #tpu.memory_space<vmem>>) attributes {dimension_semantics = [#tpu.dimension_semantics<arbitrary>], iteration_bounds = array<i64: 8>, scalar_prefetch = 0 : i64, scratch_operands = 0 : i64, tpu.core_type = #tpu.core_type<tc>, window_params = [{transform_indices = @transform_0, window_bounds = array<i64: 1, 512, 512>}, {transform_indices = @transform_1, window_bounds = array<i64: 1, 517, 517>}]} {
    %get3A = arith.constant 0 : index
    %get3A_0 = arith.constant 0 : index
    %get3A_1 = arith.constant 0 : index
    %get3A_2 = vector.load %arg1[%get3A, %get3A_0, %get3A_1] : memref<1x512x512xf32, #tpu.memory_space<vmem>>, vector<1x512x512xf32>
    %get3A_3 = vector.shape_cast %get3A_2 : vector<1x512x512xf32> to vector<512x512xf32>
    %broadcast_in_dim3A = arith.constant 1.000000e+00 : f32
    %broadcast_in_dim3A_4 = vector.broadcast %broadcast_in_dim3A : f32 to vector<512x8xf32>
    %broadcast_in_dim3A_5 = arith.constant 1.000000e+00 : f32
    %broadcast_in_dim3A_6 = vector.broadcast %broadcast_in_dim3A_5 : f32 to vector<512x120xf32>
    %concatenate3A = tpu.concatenate %broadcast_in_dim3A_4, %get3A_3, %broadcast_in_dim3A_6 in 1 : vector<512x8xf32>, vector<512x512xf32>, vector<512x120xf32> -> vector<512x640xf32>
    %broadcast_in_dim3A_7 = arith.constant 1.000000e+00 : f32
    %broadcast_in_dim3A_8 = vector.broadcast %broadcast_in_dim3A_7 : f32 to vector<8x640xf32>
    %broadcast_in_dim3A_9 = arith.constant 1.000000e+00 : f32
    %broadcast_in_dim3A_10 = vector.broadcast %broadcast_in_dim3A_9 : f32 to vector<8x640xf32>
    %concatenate3A_11 = tpu.concatenate %broadcast_in_dim3A_8, %concatenate3A, %broadcast_in_dim3A_10 in 0 : vector<8x640xf32>, vector<512x640xf32>, vector<8x640xf32> -> vector<528x640xf32>
    %broadcast_in_dim3A_12 = arith.constant 1.000000e+00 : f32
    %broadcast_in_dim3A_13 = vector.broadcast %broadcast_in_dim3A_12 : f32 to vector<1x640xf32>
    %broadcast_in_dim3A_14 = arith.constant 1.000000e+00 : f32
    %broadcast_in_dim3A_15 = vector.broadcast %broadcast_in_dim3A_14 : f32 to vector<2x640xf32>
    %broadcast_in_dim3A_16 = arith.constant 1.000000e+00 : f32
    %broadcast_in_dim3A_17 = vector.broadcast %broadcast_in_dim3A_16 : f32 to vector<528x1xf32>
    %broadcast_in_dim3A_18 = arith.constant 1.000000e+00 : f32
    %broadcast_in_dim3A_19 = vector.broadcast %broadcast_in_dim3A_18 : f32 to vector<528x2xf32>
    %slice3A = vector.extract_strided_slice %concatenate3A_11 {offsets = [0, 0], sizes = [527, 640], strides = [1, 1]} : vector<528x640xf32> to vector<527x640xf32>
    %concatenate3A_20 = tpu.concatenate %broadcast_in_dim3A_13, %slice3A in 0 : vector<1x640xf32>, vector<527x640xf32> -> vector<528x640xf32>
    %slice3A_21 = vector.extract_strided_slice %concatenate3A_11 {offsets = [1, 0], sizes = [527, 640], strides = [1, 1]} : vector<528x640xf32> to vector<527x640xf32>
    %concatenate3A_22 = tpu.concatenate %slice3A_21, %broadcast_in_dim3A_13 in 0 : vector<527x640xf32>, vector<1x640xf32> -> vector<528x640xf32>
    %slice3A_23 = vector.extract_strided_slice %concatenate3A_11 {offsets = [2, 0], sizes = [526, 640], strides = [1, 1]} : vector<528x640xf32> to vector<526x640xf32>
    %concatenate3A_24 = tpu.concatenate %slice3A_23, %broadcast_in_dim3A_15 in 0 : vector<526x640xf32>, vector<2x640xf32> -> vector<528x640xf32>
    %min3A = arith.minimumf %concatenate3A_20, %concatenate3A_11 : vector<528x640xf32>
    %min3A_25 = arith.minimumf %concatenate3A_22, %concatenate3A_24 : vector<528x640xf32>
    %min3A_26 = arith.minimumf %min3A, %min3A_25 : vector<528x640xf32>
    %slice3A_27 = vector.extract_strided_slice %min3A_26 {offsets = [0, 0], sizes = [528, 639], strides = [1, 1]} : vector<528x640xf32> to vector<528x639xf32>
    %concatenate3A_28 = tpu.concatenate %broadcast_in_dim3A_17, %slice3A_27 in 1 : vector<528x1xf32>, vector<528x639xf32> -> vector<528x640xf32>
    %slice3A_29 = vector.extract_strided_slice %min3A_26 {offsets = [0, 1], sizes = [528, 639], strides = [1, 1]} : vector<528x640xf32> to vector<528x639xf32>
    %concatenate3A_30 = tpu.concatenate %slice3A_29, %broadcast_in_dim3A_17 in 1 : vector<528x639xf32>, vector<528x1xf32> -> vector<528x640xf32>
    %slice3A_31 = vector.extract_strided_slice %min3A_26 {offsets = [0, 2], sizes = [528, 638], strides = [1, 1]} : vector<528x640xf32> to vector<528x638xf32>
    %concatenate3A_32 = tpu.concatenate %slice3A_31, %broadcast_in_dim3A_19 in 1 : vector<528x638xf32>, vector<528x2xf32> -> vector<528x640xf32>
    %min3A_33 = arith.minimumf %concatenate3A_28, %min3A_26 : vector<528x640xf32>
    %min3A_34 = arith.minimumf %concatenate3A_30, %concatenate3A_32 : vector<528x640xf32>
    %min3A_35 = arith.minimumf %min3A_33, %min3A_34 : vector<528x640xf32>
    %slice3A_36 = vector.extract_strided_slice %min3A_35 {offsets = [0, 0], sizes = [527, 640], strides = [1, 1]} : vector<528x640xf32> to vector<527x640xf32>
    %concatenate3A_37 = tpu.concatenate %broadcast_in_dim3A_13, %slice3A_36 in 0 : vector<1x640xf32>, vector<527x640xf32> -> vector<528x640xf32>
    %slice3A_38 = vector.extract_strided_slice %min3A_35 {offsets = [1, 0], sizes = [527, 640], strides = [1, 1]} : vector<528x640xf32> to vector<527x640xf32>
    %concatenate3A_39 = tpu.concatenate %slice3A_38, %broadcast_in_dim3A_13 in 0 : vector<527x640xf32>, vector<1x640xf32> -> vector<528x640xf32>
    %slice3A_40 = vector.extract_strided_slice %min3A_35 {offsets = [2, 0], sizes = [526, 640], strides = [1, 1]} : vector<528x640xf32> to vector<526x640xf32>
    %concatenate3A_41 = tpu.concatenate %slice3A_40, %broadcast_in_dim3A_15 in 0 : vector<526x640xf32>, vector<2x640xf32> -> vector<528x640xf32>
    %min3A_42 = arith.minimumf %concatenate3A_37, %min3A_35 : vector<528x640xf32>
    %min3A_43 = arith.minimumf %concatenate3A_39, %concatenate3A_41 : vector<528x640xf32>
    %min3A_44 = arith.minimumf %min3A_42, %min3A_43 : vector<528x640xf32>
    %slice3A_45 = vector.extract_strided_slice %min3A_44 {offsets = [0, 0], sizes = [528, 639], strides = [1, 1]} : vector<528x640xf32> to vector<528x639xf32>
    %concatenate3A_46 = tpu.concatenate %broadcast_in_dim3A_17, %slice3A_45 in 1 : vector<528x1xf32>, vector<528x639xf32> -> vector<528x640xf32>
    %slice3A_47 = vector.extract_strided_slice %min3A_44 {offsets = [0, 1], sizes = [528, 639], strides = [1, 1]} : vector<528x640xf32> to vector<528x639xf32>
    %concatenate3A_48 = tpu.concatenate %slice3A_47, %broadcast_in_dim3A_17 in 1 : vector<528x639xf32>, vector<528x1xf32> -> vector<528x640xf32>
    %slice3A_49 = vector.extract_strided_slice %min3A_44 {offsets = [0, 2], sizes = [528, 638], strides = [1, 1]} : vector<528x640xf32> to vector<528x638xf32>
    %concatenate3A_50 = tpu.concatenate %slice3A_49, %broadcast_in_dim3A_19 in 1 : vector<528x638xf32>, vector<528x2xf32> -> vector<528x640xf32>
    %min3A_51 = arith.minimumf %concatenate3A_46, %min3A_44 : vector<528x640xf32>
    %min3A_52 = arith.minimumf %concatenate3A_48, %concatenate3A_50 : vector<528x640xf32>
    %min3A_53 = arith.minimumf %min3A_51, %min3A_52 : vector<528x640xf32>
    %slice3A_54 = vector.extract_strided_slice %min3A_53 {offsets = [0, 0], sizes = [527, 640], strides = [1, 1]} : vector<528x640xf32> to vector<527x640xf32>
    %concatenate3A_55 = tpu.concatenate %broadcast_in_dim3A_13, %slice3A_54 in 0 : vector<1x640xf32>, vector<527x640xf32> -> vector<528x640xf32>
    %slice3A_56 = vector.extract_strided_slice %min3A_53 {offsets = [1, 0], sizes = [527, 640], strides = [1, 1]} : vector<528x640xf32> to vector<527x640xf32>
    %concatenate3A_57 = tpu.concatenate %slice3A_56, %broadcast_in_dim3A_13 in 0 : vector<527x640xf32>, vector<1x640xf32> -> vector<528x640xf32>
    %slice3A_58 = vector.extract_strided_slice %min3A_53 {offsets = [2, 0], sizes = [526, 640], strides = [1, 1]} : vector<528x640xf32> to vector<526x640xf32>
    %concatenate3A_59 = tpu.concatenate %slice3A_58, %broadcast_in_dim3A_15 in 0 : vector<526x640xf32>, vector<2x640xf32> -> vector<528x640xf32>
    %min3A_60 = arith.minimumf %concatenate3A_55, %min3A_53 : vector<528x640xf32>
    %min3A_61 = arith.minimumf %concatenate3A_57, %concatenate3A_59 : vector<528x640xf32>
    %min3A_62 = arith.minimumf %min3A_60, %min3A_61 : vector<528x640xf32>
    %slice3A_63 = vector.extract_strided_slice %min3A_62 {offsets = [0, 0], sizes = [528, 639], strides = [1, 1]} : vector<528x640xf32> to vector<528x639xf32>
    %concatenate3A_64 = tpu.concatenate %broadcast_in_dim3A_17, %slice3A_63 in 1 : vector<528x1xf32>, vector<528x639xf32> -> vector<528x640xf32>
    %slice3A_65 = vector.extract_strided_slice %min3A_62 {offsets = [0, 1], sizes = [528, 639], strides = [1, 1]} : vector<528x640xf32> to vector<528x639xf32>
    %concatenate3A_66 = tpu.concatenate %slice3A_65, %broadcast_in_dim3A_17 in 1 : vector<528x639xf32>, vector<528x1xf32> -> vector<528x640xf32>
    %slice3A_67 = vector.extract_strided_slice %min3A_62 {offsets = [0, 2], sizes = [528, 638], strides = [1, 1]} : vector<528x640xf32> to vector<528x638xf32>
    %concatenate3A_68 = tpu.concatenate %slice3A_67, %broadcast_in_dim3A_19 in 1 : vector<528x638xf32>, vector<528x2xf32> -> vector<528x640xf32>
    %min3A_69 = arith.minimumf %concatenate3A_64, %min3A_62 : vector<528x640xf32>
    %min3A_70 = arith.minimumf %concatenate3A_66, %concatenate3A_68 : vector<528x640xf32>
    %min3A_71 = arith.minimumf %min3A_69, %min3A_70 : vector<528x640xf32>
    %slice3A_72 = vector.extract_strided_slice %min3A_71 {offsets = [0, 0], sizes = [527, 640], strides = [1, 1]} : vector<528x640xf32> to vector<527x640xf32>
    %concatenate3A_73 = tpu.concatenate %broadcast_in_dim3A_13, %slice3A_72 in 0 : vector<1x640xf32>, vector<527x640xf32> -> vector<528x640xf32>
    %slice3A_74 = vector.extract_strided_slice %min3A_71 {offsets = [1, 0], sizes = [527, 640], strides = [1, 1]} : vector<528x640xf32> to vector<527x640xf32>
    %concatenate3A_75 = tpu.concatenate %slice3A_74, %broadcast_in_dim3A_13 in 0 : vector<527x640xf32>, vector<1x640xf32> -> vector<528x640xf32>
    %slice3A_76 = vector.extract_strided_slice %min3A_71 {offsets = [2, 0], sizes = [526, 640], strides = [1, 1]} : vector<528x640xf32> to vector<526x640xf32>
    %concatenate3A_77 = tpu.concatenate %slice3A_76, %broadcast_in_dim3A_15 in 0 : vector<526x640xf32>, vector<2x640xf32> -> vector<528x640xf32>
    %min3A_78 = arith.minimumf %concatenate3A_73, %min3A_71 : vector<528x640xf32>
    %min3A_79 = arith.minimumf %concatenate3A_75, %concatenate3A_77 : vector<528x640xf32>
    %min3A_80 = arith.minimumf %min3A_78, %min3A_79 : vector<528x640xf32>
    %slice3A_81 = vector.extract_strided_slice %min3A_80 {offsets = [0, 0], sizes = [528, 639], strides = [1, 1]} : vector<528x640xf32> to vector<528x639xf32>
    %concatenate3A_82 = tpu.concatenate %broadcast_in_dim3A_17, %slice3A_81 in 1 : vector<528x1xf32>, vector<528x639xf32> -> vector<528x640xf32>
    %slice3A_83 = vector.extract_strided_slice %min3A_80 {offsets = [0, 1], sizes = [528, 639], strides = [1, 1]} : vector<528x640xf32> to vector<528x639xf32>
    %concatenate3A_84 = tpu.concatenate %slice3A_83, %broadcast_in_dim3A_17 in 1 : vector<528x639xf32>, vector<528x1xf32> -> vector<528x640xf32>
    %slice3A_85 = vector.extract_strided_slice %min3A_80 {offsets = [0, 2], sizes = [528, 638], strides = [1, 1]} : vector<528x640xf32> to vector<528x638xf32>
    %concatenate3A_86 = tpu.concatenate %slice3A_85, %broadcast_in_dim3A_19 in 1 : vector<528x638xf32>, vector<528x2xf32> -> vector<528x640xf32>
    %min3A_87 = arith.minimumf %concatenate3A_82, %min3A_80 : vector<528x640xf32>
    %min3A_88 = arith.minimumf %concatenate3A_84, %concatenate3A_86 : vector<528x640xf32>
    %min3A_89 = arith.minimumf %min3A_87, %min3A_88 : vector<528x640xf32>
    %slice3A_90 = vector.extract_strided_slice %min3A_89 {offsets = [0, 0], sizes = [527, 640], strides = [1, 1]} : vector<528x640xf32> to vector<527x640xf32>
    %concatenate3A_91 = tpu.concatenate %broadcast_in_dim3A_13, %slice3A_90 in 0 : vector<1x640xf32>, vector<527x640xf32> -> vector<528x640xf32>
    %slice3A_92 = vector.extract_strided_slice %min3A_89 {offsets = [1, 0], sizes = [527, 640], strides = [1, 1]} : vector<528x640xf32> to vector<527x640xf32>
    %concatenate3A_93 = tpu.concatenate %slice3A_92, %broadcast_in_dim3A_13 in 0 : vector<527x640xf32>, vector<1x640xf32> -> vector<528x640xf32>
    %slice3A_94 = vector.extract_strided_slice %min3A_89 {offsets = [2, 0], sizes = [526, 640], strides = [1, 1]} : vector<528x640xf32> to vector<526x640xf32>
    %concatenate3A_95 = tpu.concatenate %slice3A_94, %broadcast_in_dim3A_15 in 0 : vector<526x640xf32>, vector<2x640xf32> -> vector<528x640xf32>
    %min3A_96 = arith.minimumf %concatenate3A_91, %min3A_89 : vector<528x640xf32>
    %min3A_97 = arith.minimumf %concatenate3A_93, %concatenate3A_95 : vector<528x640xf32>
    %min3A_98 = arith.minimumf %min3A_96, %min3A_97 : vector<528x640xf32>
    %slice3A_99 = vector.extract_strided_slice %min3A_98 {offsets = [0, 0], sizes = [528, 639], strides = [1, 1]} : vector<528x640xf32> to vector<528x639xf32>
    %concatenate3A_100 = tpu.concatenate %broadcast_in_dim3A_17, %slice3A_99 in 1 : vector<528x1xf32>, vector<528x639xf32> -> vector<528x640xf32>
    %slice3A_101 = vector.extract_strided_slice %min3A_98 {offsets = [0, 1], sizes = [528, 639], strides = [1, 1]} : vector<528x640xf32> to vector<528x639xf32>
    %concatenate3A_102 = tpu.concatenate %slice3A_101, %broadcast_in_dim3A_17 in 1 : vector<528x639xf32>, vector<528x1xf32> -> vector<528x640xf32>
    %slice3A_103 = vector.extract_strided_slice %min3A_98 {offsets = [0, 2], sizes = [528, 638], strides = [1, 1]} : vector<528x640xf32> to vector<528x638xf32>
    %concatenate3A_104 = tpu.concatenate %slice3A_103, %broadcast_in_dim3A_19 in 1 : vector<528x638xf32>, vector<528x2xf32> -> vector<528x640xf32>
    %min3A_105 = arith.minimumf %concatenate3A_100, %min3A_98 : vector<528x640xf32>
    %min3A_106 = arith.minimumf %concatenate3A_102, %concatenate3A_104 : vector<528x640xf32>
    %min3A_107 = arith.minimumf %min3A_105, %min3A_106 : vector<528x640xf32>
    %slice3A_108 = vector.extract_strided_slice %min3A_107 {offsets = [3, 3], sizes = [517, 517], strides = [1, 1]} : vector<528x640xf32> to vector<517x517xf32>
    %swap3A = arith.constant 0 : index
    %swap3A_109 = arith.constant 0 : index
    %swap3A_110 = arith.constant 0 : index
    %swap3A_111 = vector.load %arg2[%swap3A, %swap3A_109, %swap3A_110] : memref<1x517x517xf32, #tpu.memory_space<vmem>>, vector<1x517x517xf32>
    %swap3A_112 = vector.shape_cast %swap3A_111 : vector<1x517x517xf32> to vector<517x517xf32>
    %swap3A_113 = vector.shape_cast %slice3A_108 : vector<517x517xf32> to vector<1x517x517xf32>
    tpu.vector_store %arg2[%swap3A, %swap3A_109, %swap3A_110], %swap3A_113 {strides = array<i32>} : memref<1x517x517xf32, #tpu.memory_space<vmem>>, vector<1x517x517xf32>,
    return
  }
  func.func @transform_0(%arg0: i32) -> (i32, i32, i32) {
    %c0_i32 = arith.constant 0 : i32
    %c0_i32_0 = arith.constant 0 : i32
    %c0_i32_1 = arith.constant 0 : i32
    return %arg0, %c0_i32, %c0_i32_0 : i32, i32, i32
  }
  func.func @transform_1(%arg0: i32) -> (i32, i32, i32) {
    %c0_i32 = arith.constant 0 : i32
    %c0_i32_0 = arith.constant 0 : i32
    %c0_i32_1 = arith.constant 0 : i32
    return %arg0, %c0_i32, %c0_i32_0 : i32, i32, i32
  }
}

</mosaic_0001>

<sc_bundles>
// kernel: gather_offload_async_start
scs
__scs_entry_jumppad:
0x0: {  	(pc) =	sbr.rel $0x88, $3  }
0x1: {  	(tag) =	ssettag $0x0;
	lr =	simm.s32 $0x1  }
0x2: {  	[smem:$0x3F9E] =	sst lr;
	_ =	strace $0xD0000000  }
0x3: {  	_ = 	snop  }
0x4: {  	_ = 	snop  }
0x5: {  	_ = 	snop  }
0x6: {  	_ = 	snop  }
0x7: {  	_ = 	snop  }
__scs_overlays_trampoline_lowered:
0x8: {  	[smem:$0x3FAD] =	sst s0  }
0x9: {  	[smem:$0x3FAE] =	sst s1  }
0xa: {  	[smem:$0x3FAF] =	sst s2  }
0xb: {  	[smem:$0x3FB0] =	sst s3  }
0xc: {  	[smem:$0x3FB1] =	sst s4  }
0xd: {  	[smem:$0x3FB2] =	sst s5  }
0xe: {  	[smem:$0x3FB3] =	sst s6  }
0xf: {  	[smem:$0x3FB4] =	sst s7  }
0x10: {  	[smem:$0x3FB5] =	sst s8  }
0x11: {  	[smem:$0x3FB6] =	sst s9;
	s0 =	simm.s32 @!p0 $0x0  }
0x12: {  	s1 =	sld [smem:$0x3F9C];
	s0 =	simm.s32 @p0 $0x1  }
0x13: {  	[smem:$0x3FB7] =	sst s0;
	s0 =	simm.s32 @!p1 $0x0  }
0x14: {  	s2 =	sld [smem:$0x3F9B];
	s0 =	simm.s32 @p1 $0x1  }
0x15: {  	[smem:$0x3FB8] =	sst s0;
	s0 =	simm.s32 @!p2 $0x0  }
0x16: {  	s3 =	sld [smem:$0x3FDB];
	s0 =	simm.s32 @p2 $0x1  }
0x17: {  	s4 =	simm.s32 $0x1BF5;
	[smem:$0x3FBA] =	sst s0  }
0x18: {  	s0 =	sld [smem:$0x3F9D];
	_ =	swait.ge [sflag:s4], $0x0  }
0x19: {  	s7 =	sld [smem:$0x3F9E]  }
0x1a: {  	s8 =	sadd.s32 $0xFFFFE003, lr  }
0x1b: {  	s9 =	sadd.s32 $0xFFFFFEF7, lr;
	s5 =	simm.s32 $0xFFFFFFFF;
	p2 =	slt.u32 s8, $0xFFFFF086  }
0x1c: {  	p1 =	slt.u32 s9, $0xF7A;
	s5 =	simm.s32 @!p2 $0x0  }
0x1d: {  	s5 =	simm.s32 @p1 $0x1;
	p0 =	seq.s32 s7, s2  }
0x1e: {  	s7 =	smul.u32 @!p0 $0xF7A, s2;
	p2 =	seq.s32 @!p0 s5, $0x0  }
0x1f: {  	s9 =	smul.u32 $0xF7A, s1;
	s8 =	simm.s32 @!p0 $0x1BF5;
	p2 =	por !p2, p0  }
0x20: {  	[sflag:s8] =	ssyncset.s32 @!p0 $0xFFFFF086;
	s6 =	sadd.s32 @!p0 s3, s7;
	s7 =	simm.s32 @!p0 $0x108  }
0x21: {  	s3 =	sadd.s32 s3, s9;
	s6 =	sadd.s32 @!p0 $0x88, s6;
	s7 =	simm.s32 @p2 $0x1082  }
0x22: {  	[simem:s7], [sflag:s8] =	dma.local @!p0 [hbm:s6], $0xF7A  }
0x23: {  	s9 =	sor.u32 $0xD0000000, s2;
	s6 =	simm.s32 $0x108;
	_ =	swait.ge @!p0 [sflag:s8], $0x0  }
0x24: {  	s3 =	sadd.s32 $0x88, s3;
	s6 =	simm.s32 @!p1 $0x1082;
	[sflag:s4] =	ssyncset.s32 $0xFFFFF086  }
0x25: {  	[simem:s6], [sflag:s4] =	dma.local [hbm:s3], $0xF7A  }
0x26: {  	[smem:$0x3F9E] =	sst s1;
	(tag) =	ssettag s2;
	_ =	strace s9  }
0x27: {  	s1 =	sld [smem:$0x3FAE]  }
0x28: {  	s2 =	sld [smem:$0x3FAF]  }
0x29: {  	s4 =	sld [smem:$0x3FB1]  }
0x2a: {  	p0 =	seq.s32 s5, $0x0;
	s5 =	sld [smem:$0x3FB2]  }
0x2b: {  	s6 =	sld [smem:$0x3FB3]  }
0x2c: {  	s7 =	sld [smem:$0x3FB4]  }
0x2d: {  	s3 =	simm.s32 $0x108;
	s8 =	sld [smem:$0x3FB5]  }
0x2e: {  	s3 =	simm.s32 @!p0 $0x1082;
	s9 =	sld [smem:$0x3FB6]  }
0x2f: {  	lr =	sadd.s32 s0, s3;
	s0 =	sld [smem:$0x3FAD]  }
0x30: {  	s3 =	sld [smem:$0x3FB0]  }
0x31: {  	[smem:$0x3FB9] =	sst s10  }
0x32: {  	s10 =	sld [smem:$0x3FB7];
	_ =	sdelay $0x3  }
0x33: {  	p0 =	seq.s32 s10, $0x1;
	s10 =	sld [smem:$0x3FB9];
	_ =	sdelay $0x3  }
0x34: {  	[smem:$0x3FB9] =	sst s10  }
0x35: {  	s10 =	sld [smem:$0x3FB8];
	_ =	sdelay $0x3  }
0x36: {  	p1 =	seq.s32 s10, $0x1;
	s10 =	sld [smem:$0x3FB9];
	_ =	sdelay $0x3  }
0x37: {  	[smem:$0x3FB9] =	sst s10  }
0x38: {  	s10 =	sld [smem:$0x3FBA]  }
0x39: {  	_ = 	snop;
	(pc) =	sbr.ind lr, $3  }
0x3a: {  	_ = 	snop  }
0x3b: {  	_ = 	snop  }
0x3c: {  	p2 =	seq.s32 s10, $0x1;
	s10 =	sld [smem:$0x3FB9]  }
0x3d: {  	_ =	shalt  }
0x3e: {  	_ =	shalt  }
0x3f: {  	_ =	shalt  }
0x40: {  	_ =	shalt  }
0x41: {  	_ =	shalt  }
0x42: {  	_ =	shalt  }
0x43: {  	_ =	shalt  }
0x44: {  	_ =	shalt  }
0x45: {  	_ =	shalt  }
0x46: {  	_ =	shalt  }
0x47: {  	_ =	shalt  }
0x48: {  	_ =	shalt  }
0x49: {  	_ =	shalt  }
0x4a: {  	_ =	shalt  }
0x4b: {  	_ =	shalt  }
0x4c: {  	_ =	shalt  }
0x4d: {  	_ =	shalt  }
0x4e: {  	_ =	shalt  }
0x4f: {  	_ =	shalt  }
0x50: {  	_ =	shalt  }
0x51: {  	_ =	shalt  }
0x52: {  	_ =	shalt  }
0x53: {  	_ =	shalt  }
0x54: {  	_ =	shalt  }
0x55: {  	_ =	shalt  }
0x56: {  	_ =	shalt  }
0x57: {  	_ =	shalt  }
0x58: {  	_ =	shalt  }
0x59: {  	_ =	shalt  }
0x5a: {  	_ =	shalt  }
0x5b: {  	_ =	shalt  }
0x5c: {  	_ =	shalt  }
0x5d: {  	_ =	shalt  }
0x5e: {  	_ =	shalt  }
0x5f: {  	_ =	shalt  }
0x60: {  	_ =	shalt  }
0x61: {  	_ =	shalt  }
0x62: {  	_ =	shalt  }
0x63: {  	_ =	shalt  }
0x64: {  	_ =	shalt  }
0x65: {  	_ =	shalt  }
0x66: {  	_ =	shalt  }
0x67: {  	_ =	shalt  }
0x68: {  	_ =	shalt  }
0x69: {  	_ =	shalt  }
0x6a: {  	_ =	shalt  }
0x6b: {  	_ =	shalt  }
0x6c: {  	_ =	shalt  }
0x6d: {  	_ =	shalt  }
0x6e: {  	_ =	shalt  }
0x6f: {  	_ =	shalt  }
0x70: {  	_ =	shalt  }
0x71: {  	_ =	shalt  }
0x72: {  	_ =	shalt  }
0x73: {  	_ =	shalt  }
0x74: {  	_ =	shalt  }
0x75: {  	_ =	shalt  }
0x76: {  	_ =	shalt  }
0x77: {  	_ =	shalt  }
0x78: {  	_ =	shalt  }
0x79: {  	_ =	shalt  }
0x7a: {  	_ =	shalt  }
0x7b: {  	_ =	shalt  }
0x7c: {  	_ =	shalt  }
0x7d: {  	_ =	shalt  }
0x7e: {  	_ =	shalt  }
0x7f: {  	_ =	shalt  }
0x80: {  	_ =	shalt  }
0x81: {  	_ =	shalt  }
0x82: {  	_ =	shalt  }
0x83: {  	_ =	shalt  }
0x84: {  	_ =	shalt  }
0x85: {  	_ =	shalt  }
0x86: {  	_ =	shalt  }
0x87: {  	_ =	shalt  }
.Lfunc_end0:
.L_simem_size_0:
called_computation.2_lowered:
.L_overlay_start_0:
0x88: {  	s2 =	sld [smem:$0x3FD9]  }
0x89: {  	s3 =	sld [smem:$0x3FFE];
	_ =	sdelay $0x1  }
0x8a: {  	s1 =	srdreg.scid  }
0x8b: {  	s0 =	sand.u32 $0x1, s1  }
0x8c: {  	s17 =	sshll.u32 s0, $0xA;
	s2 =	sadd.s32 s3, s2  }
0x8d: {  	s2 =	sadd.s32 s2, s17  }
0x8e: {  	[smem:$0x3FC5] =	sst s2  }
0x8f: {  	_ = 	snop  }
0x90: {  	s2 =	sld [smem:$0x3FD0];
	(tm) =	ssettm $0x1  }
0x91: {  	s18 =	sld [smem:$0x3FFB];
	_ =	sdelay $0x3  }
0x92: {  	_ =	strace s18  }
0x93: {  	s3 =	sld [smem:$0x3FFC];
	_ =	sdelay $0x3  }
0x94: {  	_ =	strace s3  }
0x95: {  	s3 =	sld [smem:$0x3FFD];
	_ =	sdelay $0x3  }
0x96: {  	_ =	strace s3  }
0x97: {  	_ =	strace $0x8FFFFFFF  }
0x98: {  	s19 =	sld [smem:$0x3FDB];
	_ =	sdelay $0x1  }
0x99: {  	s4 =	simm.s32 $_scs_section_size  }
0x9a: {  	s5 =	simm.s32 $_size__tile_overlayer_lowered;
	s6 =	simm.s32 $_tile_overlayer_lowered  }
0x9b: {  	s22 =	simm.s32 $0x1BFF;
	s21 =	sshll.u32 s6, $0x1;
	s3 =	sadd.s32 s4, s19  }
0x9c: {  	s7 =	simm.s32 $0x0;
	s20 =	sshll.u32 s5, $0x1;
	s5 =	sadd.s32 s21, s3  }
0x9d: {  	[timem:s7], [sflag:s22] =	dma.local [hbm:s5], s20  }
0x9e: {  	_ =	swait.ge [sflag:s22], s20  }
0x9f: {  	s4 =	ssub.s32 $0x0, s20;
	[sflag:s22] =	ssyncset.done $0x0  }
0xa0: {  	[sflag:s22] =	ssyncadd.s32 s4;
	_ =	sdelay $0x1  }
0xa1: {  	s23 =	simm.s32 $0x1B8B  }
0xa2: {  	_ =	swait.ge [sflag:s23], $0x1  }
0xa3: {  	[sflag:s23] =	ssyncset.done $0x0  }
0xa4: {  	s25 =	simm.s32 $0x1B8E;
	s24 =	sld [smem:$0x3FFE];
	[sflag:s23] =	ssyncadd.s32 $0xFFFFFFFF  }
0xa5: {  	s26 =	simm.s32 $execute0_lowered;
	[smem:$0x3FD2] =	sst s25  }
0xa6: {  	s5 =	sshll.u32 s26, $0x1;
	_ =	strace $0x80000049;
	[dreg:$0x1] =	wrdreg $0xFFFFFFFF  }
0xa7: {  	s28 =	simm.s32 $_size_execute0_lowered;
	s3 =	sadd.s32 s3, s5;
	[dreg:$0x0] =	wrdreg $0x0  }
0xa8: {  	s5 =	sshll.u32 s28, $0x1;
	[dreg:$0x2] =	wrdreg s3  }
0xa9: {  	[dreg:$0x3] =	wrdreg s5  }
0xaa: {  	[dreg:$0x4] =	wrdreg $0xC0  }
0xab: {  	_ =	task [dreg:s7], $0x5FFFF  }
0xac: {  	[dreg:$0x1] =	wrdreg $0xFFFFFFFF  }
0xad: {  	[dreg:$0x0] =	wrdreg $0x60  }
0xae: {  	[dreg:$0x2] =	wrdreg s24  }
0xaf: {  	[dreg:$0x3] =	wrdreg s2  }
0xb0: {  	[dreg:$0x4] =	wrdreg $0x9  }
0xb1: {  	_ =	task.clear_ibuf [dreg:s7], $0x5FFFF;
	_ =	strace $0x90000049  }
0xb2: {  	s29 =	simm.s32 $0x9;
	_ =	strace $0x8000004B  }
0xb3: {  	_ =	swait.ge [sflag:s29], $0x1  }
0xb4: {  	[sflag:s29] =	ssyncadd.s32 $0xFFFFFFFF  }
0xb5: {  	_ =	strace $0x9000004B  }
0xb6: {  	_ =	sfence  }
0xb7: {  	s30 =	sld [smem:$0x0];
	_ =	sdelay $0x2  }
0xb8: {  	s31 =	sshll.u32 s1, $0xD;
	s1 =	sshrl.u32 s1, $0x2  }
0xb9: {  	s3 =	sand.u32 $0x4000, s31;
	s1 =	sadd.s32 s1, s30  }
0xba: {  	s0 =	sor.u32 s3, s0;
	s1 =	sshll.u32 s1, $0x11  }
0xbb: {  	s0 =	sor.u32 s1, s0  }
0xbc: {  	s0 =	sadd.s32 $0x8F2B, s0  }
0xbd: {  	[sflag:s0] =	ssyncadd.remote.s32 $0x1  }
0xbe: {  	_ =	sfence.sel $0xFFFF  }
0xbf: {  	[dreg:$0x0] =	wrdreg $0xFFFFFFFF;
	(pc) =	sbr.abs _section_cstart, $3  }
0xc0: {  	[dreg:$0x1] =	wrdreg $0xFFFFFFFF  }
0xc1: {  	_ =	task.clear_ibuf [dreg:s7], $0x2FFFF;
	_ =	strace $0x9FFFFFFF  }
0xc2: {  	(tm) =	ssettm $0x7FFFFFFF  }
0xc3: {  	_ =	shalt  }
tec
execute0_lowered:
.L_overlay_start_1:
0x0: {  	(tag) =	ssettag $0x1  }
0x1: {  	s1 =	srdreg.scid;
	s5 =	rddreg [dreg:$0x0]  }
0x2: {  	s0 =	stileid.u32;
	s2 =	rddreg [dreg:$0x1];
	s6 =	simm.s32 $0x1  }
0x3: {  	s9 =	simm.s32 $0x1;
	s10 =	simm.s32 $0x3;
	s1 =	sshll.u32 s1, $0xB  }
0x4: {  	s13 =	simm.s32 $0x0;
	s3 =	sshll.u32 s0, $0xC;
	s4 =	sand.u32 $0x800, s1  }
0x5: {  	s12 =	simm.s32 $0x0;
	s1 =	rddreg [dreg:$0x2];
	s3 =	sor.u32 s3, s4  }
0x6: {  	_ =	strace $0x8000004A;
	s4 =	sadd.s32 $0x15200, s5;
	s8 =	ssub.s32 $0x1C000, s3  }
.Ltmp0:
0x7: {  	s5 =	sadd.s32 $0xA800, s5;
	s7 =	sand.u32 $0xF800, s8;
	(pc) =	sbr.rel .LBB2_1-.Ltmp0, $4  }
0x8: {  	[sflag:s6] =	ssyncpa.u1 $0x0;
	s11 =	smov.u32 s3;
	p0 =	sne.s32 s7, $0x0  }
0x9: {  	s8 =	sshrl.u32 s8, $0x10;
	s7 =	simm.s32 $0x2;
	s9 =	simm.s32 @!p0 $0x0  }
0xa: {  	[sflag:s7] =	ssyncpa.u1 $0x0;
	p0 =	por $0x0, $0x0;
	s8 =	sadd.s32 s9, s8  }
0xb: {  	vm0 =	vmmov $0xffff;
	[sflag:s10] =	ssyncpa.u1 $0x0;
	s10 =	simm.s32 $0x0;
	s9 =	sadd.s32 $0x1, s8  }
.LBB2_4:
0xc: {  	v5 =	vld.msk [tilespmem:s18+$0x0 ss:$0x1], $0xffff  }
0xd: {  	v6 =	vand.u32 $0x7, v1;
	v7 =	vshrl.u32 v1, $0x3  }
0xe: {  	v3 =	vor.u32 v4, v3;
	vm1 =	veq.s32 v1, $0x80000000;
	v53 =	vand.u32 $0x3FFFF, v7  }
0xf: {  	v2 =	vor.u32 v2, v3;
	v54 =	vsel vm1, $0xFFFFFFFF, v6;
	v1 =	vsel vm1, $0xFFFFFFFF, v53  }
0x10: {  	v6 =	vshll.u32 v54, $0x7;
	v3 =	vand.u32 $0xFFE00000, v54;
	v55 =	vand.u32 $0x7F, v1  }
0x11: {  	v1 =	vshll.u32 v1, $0x3;
	v6 =	vand.u32 $0x380, v6;
	v56 =	vshrl.u32 v5, $0x3  }
0x12: {  	v1 =	vand.u32 $0xFFFFFC00, v1;
	vm1 =	veq.s32 v5, $0x80000000;
	v57 =	vand.u32 $0x3FFFF, v56  }
0x13: {  	v1 =	vadd.s32 v3, v1;
	v5 =	vand.u32 $0x7, v5;
	v3 =	vsel vm1, $0xFFFFFFFF, v57  }
0x14: {  	v1 =	vor.u32 v6, v1;
	v5 =	vsel vm1, $0xFFFFFFFF, v5;
	v58 =	vshll.u32 v3, $0x3  }
0x15: {  	v59 =	vshll.u32 v5, $0x7;
	v5 =	vand.u32 $0xFFE00000, v5;
	v6 =	vand.u32 $0xFFFFFC00, v58  }
0x16: {  	v1 =	vor.u32 v55, v1;
	v61 =	vand.u32 $0x380, v59;
	v60 =	vadd.s32 v5, v6  }
0x17: {  	[tilespmem:s16], [sflag:$0x1] =	stream.indirect_vreg.gather [hbm4b:s4+s10], $0x1, v0, vm0, $0x4038;
	v62 =	vand.u32 $0x7F, v3;
	v63 =	vor.u32 v61, v60;
	[tilespmem:$0x2000] =	vst v63  }
0x18: {  	(ifvalue) =	ssetifvalue $0x7FFFFFFF;
	v0 =	vor.u32 v62, v63  }
0x19: {  	[tilespmem:s15], [sflag:$0x1] =	stream.indirect_vreg.gather [hbm4b:s4+s10], $0x1, v2, vm0, $0x4038;
	[tilespmem:$0x2000] =	vst v63  }
0x1a: {  	s29 =	sadd.s32 $0x10, s15;
	(ifvalue) =	ssetifvalue $0x7FFFFFFF  }
0x1b: {  	[tilespmem:s29], [sflag:$0x1] =	stream.indirect_vreg.gather [hbm4b:s4+s10], $0x1, v1, vm0, $0x4038;
	[tilespmem:$0x2000] =	vst v63  }
0x1c: {  	s15 =	sadd.s32 $0x10, s29;
	(ifvalue) =	ssetifvalue $0x7FFFFFFF  }
0x1d: {  	[tilespmem:s15], [sflag:$0x1] =	stream.indirect_vreg.gather [hbm4b:s4+s10], $0x1, v0, vm0, $0x4038;
	[tilespmem:$0x2000] =	vst v63  }
0x1e: {  	_ =	swait.ge [sflag:s6], $0x800  }
0x1f: {  	s30 =	sshrl.u32 s13, $0x3;
	[sflag:s6] =	ssyncset.done $0x0  }
0x20: {  	s31 =	sand.u32 $0x7, s13;
	s15 =	sadd.s32 s2, s30;
	[sflag:s6] =	ssyncadd.s32 $0xFFFFF800  }
0x21: {  	[hbm4b:s15+s31] =	stream.linear.scatter [tilespmem:s14], [sflag:$0x3], $0x800, $0x38;
	[tilespmem:$0x2000] =	vst v63  }
.LBB2_5:
0x22: {  	s15 =	sadd.s32 $0x10000, s11  }
0x23: {  	p2 =	sgt.s32 s15, $0x1BFFF  }
0x24: {  	s15 =	smov.u32 @p2 s3;
	p2 =	sne.s32 s12, s9  }
.Ltmp1:
0x25: {  	p1 =	slt.u32 s12, $0x2;
	(pc) =	sbr.rel @!p2 .LBB2_6-.Ltmp1, $4  }
0x26: {  	s14 =	simm.s32 @!p1 $0x3  }
0x27: {  	s16 =	sadd.s32 $0x1, s12;
	_ =	swait.ge @!p1 [sflag:s14], $0x800  }
0x28: {  	s13 =	smov.u32 s11;
	p0 =	por !p0, !p0;
	[sflag:s14] =	ssyncset.done @!p1 $0x0  }
0x29: {  	s12 =	smov.u32 s16;
	s11 =	smov.u32 s15;
	[sflag:s14] =	ssyncadd.s32 @!p1 $0xFFFFF800  }
.LBB2_1:
0x2a: {  	p1 =	sge.u32 s12, s8  }
0x2b: {  	s14 =	sxor.u32 @!p1 $0xFFFFFFFF, s12  }
0x2c: {  	s31 =	sadd.s32 $0xFFFFFFFF, s12;
	s15 =	sshrl.u32 @!p1 s11, $0x3;
	s14 =	sshll.u32 @!p1 s14, $0xB  }
0x2d: {  	s16 =	sand.u32 @!p1 $0x7, s11;
	s15 =	sadd.s32 @!p1 s5, s15;
	s14 =	sand.u32 @!p1 $0x800, s14  }
0x2e: {  	[tilespmem:s14], [sflag:$0x2] =	stream.linear.gather @!p1 [hbm4b:s15+s16], $0x800, $0x38;
	[tilespmem:$0x2000] =	vst v63  }
0x2f: {  	p1 =	sge.u32 s31, s8  }
.Ltmp2:
0x30: {  	_ = 	snop;
	(pc) =	sbr.rel @p1 .LBB2_5-.Ltmp2, $1  }
0x31: {  	_ =	sdelay $0x3  }
0x32: {  	s14 =	simm.s32 $0x1  }
0x33: {  	_ =	swait.ge [sflag:s7], $0x800;
	s14 =	simm.s32 @!p0 $0x0  }
0x34: {  	[sflag:s7] =	ssyncset.done $0x0;
	s14 =	sshll.u32 s14, $0xB  }
0x35: {  	[sflag:s7] =	ssyncadd.s32 $0xFFFFF800;
	(ifvalue) =	ssetifvalue $0x7FFFFFFF;
	v0 =	vld.msk [tilespmem:s14+$0x0 ss:$0x1], $0xffff;
	_ =	sdelay $0x4  }
0x36: {  	s15 =	sadd.s32 $0x10, s14;
	v2 =	vshrl.u32 v0, $0x3  }
0x37: {  	v1 =	vld.msk [tilespmem:s15+$0x0 ss:$0x1], $0xffff;
	vm1 =	veq.s32 v0, $0x80000000;
	v2 =	vand.u32 $0x3FFFF, v2  }
0x38: {  	v0 =	vand.u32 $0x7, v0;
	v2 =	vsel vm1, $0xFFFFFFFF, v2  }
0x39: {  	v0 =	vsel vm1, $0xFFFFFFFF, v0;
	v3 =	vshll.u32 v2, $0x3  }
0x3a: {  	v4 =	vand.u32 $0xFFE00000, v0;
	v0 =	vshll.u32 v0, $0x7;
	v3 =	vand.u32 $0xFFFFFC00, v3  }
0x3b: {  	v0 =	vand.u32 $0x380, v0;
	v3 =	vadd.s32 v4, v3  }
0x3c: {  	v2 =	vand.u32 $0x7F, v2;
	v4 =	vshrl.u32 v1, $0x3;
	v0 =	vor.u32 v0, v3  }
0x3d: {  	vm1 =	veq.s32 v1, $0x80000000;
	v4 =	vand.u32 $0x3FFFF, v4;
	v0 =	vor.u32 v2, v0  }
0x3e: {  	s16 =	sshll.u32 s12, $0xB;
	s15 =	sadd.s32 $0x10, s15;
	v1 =	vand.u32 $0x7, v1;
	v3 =	vsel vm1, $0xFFFFFFFF, v4  }
0x3f: {  	s17 =	sand.u32 $0x800, s16;
	v2 =	vsel vm1, $0xFFFFFFFF, v1;
	v1 =	vld.msk [tilespmem:s15+$0x0 ss:$0x1], $0xffff;
	v4 =	vshll.u32 v3, $0x3  }
0x40: {  	s16 =	sor.u32 $0x1000, s14;
	s14 =	sor.u32 $0x1000, s17;
	s17 =	simm.s32 $0x30;
	v5 =	vshll.u32 v2, $0x7;
	v6 =	vand.u32 $0xFFE00000, v2;
	v4 =	vand.u32 $0xFFFFFC00, v4  }
0x41: {  	s18 =	sadd.s32 $0x10, s15;
	(ifvalue) =	ssetifvalue $0x7FFFFFFF;
	s15 =	sadd.s32 $0x10, s16;
	v2 =	vand.u32 $0x7F, v3;
	v3 =	vadd.s32 v6, v4;
	v4 =	vand.u32 $0x380, v5  }
.LBB2_3:
0x42: {  	[tilespmem:s16], [sflag:$0x1] =	stream.indirect_vreg.gather [hbm4b:s4+s10], $0x1, v0, vm0, $0x4038;
	[tilespmem:$0x2000] =	vst v63  }
0x43: {  	s17 =	sadd.s32 $0x10, s17  }
0x44: {  	v5 =	vand.u32 $0x7, v1;
	v6 =	vshrl.u32 v1, $0x3;
	v3 =	vor.u32 v4, v3;
	v0 =	vmovc v1;
	v1 =	vld.msk [tilespmem:s18+$0x0 ss:$0x1], $0xffff;
	p1 =	slt.u32 s17, $0x7F0  }
.Ltmp3:
0x45: {  	s16 =	smov.u32 s15;
	vm1 =	veq.s32 v0, $0x80000000;
	v4 =	vand.u32 $0x3FFFF, v6;
	v0 =	vor.u32 v2, v3;
	(pc) =	sbr.rel @p1 .LBB2_3-.Ltmp3, $4  }
0x46: {  	v3 =	vsel vm1, $0xFFFFFFFF, v5;
	v4 =	vsel vm1, $0xFFFFFFFF, v4  }
0x47: {  	v2 =	vand.u32 $0x7F, v4;
	v4 =	vshll.u32 v4, $0x3;
	v5 =	vshll.u32 v3, $0x7  }
0x48: {  	v3 =	vand.u32 $0xFFE00000, v3;
	v4 =	vand.u32 $0xFFFFFC00, v4  }
0x49: {  	s18 =	sadd.s32 $0x10, s18;
	s15 =	sadd.s32 $0x10, s15;
	v3 =	vadd.s32 v3, v4;
	v4 =	vand.u32 $0x380, v5;
	(ifvalue) =	ssetifvalue $0x7FFFFFFF  }
.Ltmp4:
0x4a: {  	_ = 	snop;
	(pc) =	sbr.rel .LBB2_4-.Ltmp4, $1  }
0x4b: {  	_ =	sdelay $0x3  }
.LBB2_6:
0x4c: {  	_ =	sfence.sel $0x180000  }
0x4d: {  	s2 =	simm.s32 $0x2;
	[bflag:$0x0] =	sbarrier.arrive $0xFFFF  }
0x4e: {  	s30 =	simm.s32 $0x3;
	[sflag:s2] =	ssyncpa.u1 $0x1  }
0x4f: {  	s31 =	simm.s32 $0x1;
	[sflag:s30] =	ssyncpa.u1 $0x1  }
0x50: {  	[sflag:s31] =	ssyncpa.u1 $0x1  }
0x51: {  	p0 =	sne.s32 s0, $0x0;
	_ =	strace $0x9000004A  }
0x52: {  	s0 =	sadd.s32 @!p0 $0x100000, s1;
	[bflag:$0x2] =	sbarrier.arrive $0xFFFF  }
0x53: {  	[sflag:s0] =	ssyncadd.tile.s32 @!p0 $0x1;
	_ =	shalt  }
.Lfunc_end2:
_tile_overlayer_lowered:
.L_overlay_start_2:
0x54: {  	(tag) =	ssettag $0x2  }
0x55: {  	s0 =	rddreg [dreg:$0x0];
	s2 =	stileid.u32  }
0x56: {  	s1 =	rddreg [dreg:$0x1];
	p0 =	sne.s32 s2, $0x0  }
0x57: {  	s3 =	rddreg [dreg:$0x2];
	[bflag:$0x3] =	sbarrier.arrive $0xFFFF;
	s2 =	simm.s32 @!p0 $0x1C01  }
0x58: {  	[timem:s3], [sflag:s2] =	dma.local @!p0 [hbm:s0], s1  }
0x59: {  	s0 =	simm.s32 @!p0 $0x1  }
0x5a: {  	_ =	swait.ge @!p0 [sflag:s0], s1  }
0x5b: {  	s1 =	ssub.s32 @!p0 $0x0, s1;
	[sflag:s0] =	ssyncset.done @!p0 $0x0  }
0x5c: {  	[sflag:s0] =	ssyncadd.s32 @!p0 s1  }
0x5d: {  	[bflag:$0x3] =	sbarrier.arrive $0xFFFF  }
0x5e: {  	_ =	shalt  }

// kernel: scatter_offload_async_start.1
scs
__scs_entry_jumppad:
0x0: {  	(pc) =	sbr.rel $0x88, $3  }
0x1: {  	(tag) =	ssettag $0x0;
	lr =	simm.s32 $0x1  }
0x2: {  	[smem:$0x3F9E] =	sst lr;
	_ =	strace $0xD0000000  }
0x3: {  	_ = 	snop  }
0x4: {  	_ = 	snop  }
0x5: {  	_ = 	snop  }
0x6: {  	_ = 	snop  }
0x7: {  	_ = 	snop  }
__scs_overlays_trampoline_lowered:
0x8: {  	[smem:$0x3FAD] =	sst s0  }
0x9: {  	[smem:$0x3FAE] =	sst s1  }
0xa: {  	[smem:$0x3FAF] =	sst s2  }
0xb: {  	[smem:$0x3FB0] =	sst s3  }
0xc: {  	[smem:$0x3FB1] =	sst s4  }
0xd: {  	[smem:$0x3FB2] =	sst s5  }
0xe: {  	[smem:$0x3FB3] =	sst s6  }
0xf: {  	[smem:$0x3FB4] =	sst s7  }
0x10: {  	[smem:$0x3FB5] =	sst s8  }
0x11: {  	[smem:$0x3FB6] =	sst s9;
	s0 =	simm.s32 @!p0 $0x0  }
0x12: {  	s1 =	sld [smem:$0x3F9C];
	s0 =	simm.s32 @p0 $0x1  }
0x13: {  	[smem:$0x3FB7] =	sst s0;
	s0 =	simm.s32 @!p1 $0x0  }
0x14: {  	s2 =	sld [smem:$0x3F9B];
	s0 =	simm.s32 @p1 $0x1  }
0x15: {  	[smem:$0x3FB8] =	sst s0;
	s0 =	simm.s32 @!p2 $0x0  }
0x16: {  	s3 =	sld [smem:$0x3FDB];
	s0 =	simm.s32 @p2 $0x1  }
0x17: {  	s4 =	simm.s32 $0x1BF5;
	[smem:$0x3FBA] =	sst s0  }
0x18: {  	s0 =	sld [smem:$0x3F9D];
	_ =	swait.ge [sflag:s4], $0x0  }
0x19: {  	s7 =	sld [smem:$0x3F9E]  }
0x1a: {  	s8 =	sadd.s32 $0xFFFFE003, lr  }
0x1b: {  	s9 =	sadd.s32 $0xFFFFFEF7, lr;
	s5 =	simm.s32 $0xFFFFFFFF;
	p2 =	slt.u32 s8, $0xFFFFF086  }
0x1c: {  	p1 =	slt.u32 s9, $0xF7A;
	s5 =	simm.s32 @!p2 $0x0  }
0x1d: {  	s5 =	simm.s32 @p1 $0x1;
	p0 =	seq.s32 s7, s2  }
0x1e: {  	s7 =	smul.u32 @!p0 $0xF7A, s2;
	p2 =	seq.s32 @!p0 s5, $0x0  }
0x1f: {  	s9 =	smul.u32 $0xF7A, s1;
	s8 =	simm.s32 @!p0 $0x1BF5;
	p2 =	por !p2, p0  }
0x20: {  	[sflag:s8] =	ssyncset.s32 @!p0 $0xFFFFF086;
	s6 =	sadd.s32 @!p0 s3, s7;
	s7 =	simm.s32 @!p0 $0x108  }
0x21: {  	s3 =	sadd.s32 s3, s9;
	s6 =	sadd.s32 @!p0 $0x88, s6;
	s7 =	simm.s32 @p2 $0x1082  }
0x22: {  	[simem:s7], [sflag:s8] =	dma.local @!p0 [hbm:s6], $0xF7A  }
0x23: {  	s9 =	sor.u32 $0xD0000000, s2;
	s6 =	simm.s32 $0x108;
	_ =	swait.ge @!p0 [sflag:s8], $0x0  }
0x24: {  	s3 =	sadd.s32 $0x88, s3;
	s6 =	simm.s32 @!p1 $0x1082;
	[sflag:s4] =	ssyncset.s32 $0xFFFFF086  }
0x25: {  	[simem:s6], [sflag:s4] =	dma.local [hbm:s3], $0xF7A  }
0x26: {  	[smem:$0x3F9E] =	sst s1;
	(tag) =	ssettag s2;
	_ =	strace s9  }
0x27: {  	s1 =	sld [smem:$0x3FAE]  }
0x28: {  	s2 =	sld [smem:$0x3FAF]  }
0x29: {  	s4 =	sld [smem:$0x3FB1]  }
0x2a: {  	p0 =	seq.s32 s5, $0x0;
	s5 =	sld [smem:$0x3FB2]  }
0x2b: {  	s6 =	sld [smem:$0x3FB3]  }
0x2c: {  	s7 =	sld [smem:$0x3FB4]  }
0x2d: {  	s3 =	simm.s32 $0x108;
	s8 =	sld [smem:$0x3FB5]  }
0x2e: {  	s3 =	simm.s32 @!p0 $0x1082;
	s9 =	sld [smem:$0x3FB6]  }
0x2f: {  	lr =	sadd.s32 s0, s3;
	s0 =	sld [smem:$0x3FAD]  }
0x30: {  	s3 =	sld [smem:$0x3FB0]  }
0x31: {  	[smem:$0x3FB9] =	sst s10  }
0x32: {  	s10 =	sld [smem:$0x3FB7];
	_ =	sdelay $0x3  }
0x33: {  	p0 =	seq.s32 s10, $0x1;
	s10 =	sld [smem:$0x3FB9];
	_ =	sdelay $0x3  }
0x34: {  	[smem:$0x3FB9] =	sst s10  }
0x35: {  	s10 =	sld [smem:$0x3FB8];
	_ =	sdelay $0x3  }
0x36: {  	p1 =	seq.s32 s10, $0x1;
	s10 =	sld [smem:$0x3FB9];
	_ =	sdelay $0x3  }
0x37: {  	[smem:$0x3FB9] =	sst s10  }
0x38: {  	s10 =	sld [smem:$0x3FBA]  }
0x39: {  	_ = 	snop;
	(pc) =	sbr.ind lr, $3  }
0x3a: {  	_ = 	snop  }
0x3b: {  	_ = 	snop  }
0x3c: {  	p2 =	seq.s32 s10, $0x1;
	s10 =	sld [smem:$0x3FB9]  }
0x3d: {  	_ =	shalt  }
0x3e: {  	_ =	shalt  }
0x3f: {  	_ =	shalt  }
0x40: {  	_ =	shalt  }
0x41: {  	_ =	shalt  }
0x42: {  	_ =	shalt  }
0x43: {  	_ =	shalt  }
0x44: {  	_ =	shalt  }
0x45: {  	_ =	shalt  }
0x46: {  	_ =	shalt  }
0x47: {  	_ =	shalt  }
0x48: {  	_ =	shalt  }
0x49: {  	_ =	shalt  }
0x4a: {  	_ =	shalt  }
0x4b: {  	_ =	shalt  }
0x4c: {  	_ =	shalt  }
0x4d: {  	_ =	shalt  }
0x4e: {  	_ =	shalt  }
0x4f: {  	_ =	shalt  }
0x50: {  	_ =	shalt  }
0x51: {  	_ =	shalt  }
0x52: {  	_ =	shalt  }
0x53: {  	_ =	shalt  }
0x54: {  	_ =	shalt  }
0x55: {  	_ =	shalt  }
0x56: {  	_ =	shalt  }
0x57: {  	_ =	shalt  }
0x58: {  	_ =	shalt  }
0x59: {  	_ =	shalt  }
0x5a: {  	_ =	shalt  }
0x5b: {  	_ =	shalt  }
0x5c: {  	_ =	shalt  }
0x5d: {  	_ =	shalt  }
0x5e: {  	_ =	shalt  }
0x5f: {  	_ =	shalt  }
0x60: {  	_ =	shalt  }
0x61: {  	_ =	shalt  }
0x62: {  	_ =	shalt  }
0x63: {  	_ =	shalt  }
0x64: {  	_ =	shalt  }
0x65: {  	_ =	shalt  }
0x66: {  	_ =	shalt  }
0x67: {  	_ =	shalt  }
0x68: {  	_ =	shalt  }
0x69: {  	_ =	shalt  }
0x6a: {  	_ =	shalt  }
0x6b: {  	_ =	shalt  }
0x6c: {  	_ =	shalt  }
0x6d: {  	_ =	shalt  }
0x6e: {  	_ =	shalt  }
0x6f: {  	_ =	shalt  }
0x70: {  	_ =	shalt  }
0x71: {  	_ =	shalt  }
0x72: {  	_ =	shalt  }
0x73: {  	_ =	shalt  }
0x74: {  	_ =	shalt  }
0x75: {  	_ =	shalt  }
0x76: {  	_ =	shalt  }
0x77: {  	_ =	shalt  }
0x78: {  	_ =	shalt  }
0x79: {  	_ =	shalt  }
0x7a: {  	_ =	shalt  }
0x7b: {  	_ =	shalt  }
0x7c: {  	_ =	shalt  }
0x7d: {  	_ =	shalt  }
0x7e: {  	_ =	shalt  }
0x7f: {  	_ =	shalt  }
0x80: {  	_ =	shalt  }
0x81: {  	_ =	shalt  }
0x82: {  	_ =	shalt  }
0x83: {  	_ =	shalt  }
0x84: {  	_ =	shalt  }
0x85: {  	_ =	shalt  }
0x86: {  	_ =	shalt  }
0x87: {  	_ =	shalt  }
.Lfunc_end0:
.L_simem_size_0:
called_computation.1_lowered:
.L_overlay_start_0:
0x88: {  	s0 =	sld [smem:$0x3FD9]  }
0x89: {  	s1 =	sld [smem:$0x3FFE];
	_ =	sdelay $0x3  }
0x8a: {  	s0 =	sadd.s32 s1, s0  }
0x8b: {  	[smem:$0x3FC5] =	sst s0  }
0x8c: {  	_ = 	snop  }
0x8d: {  	s0 =	sld [smem:$0x3FD0];
	(tm) =	ssettm $0x1  }
0x8e: {  	s16 =	sld [smem:$0x3FFB];
	_ =	sdelay $0x3  }
0x8f: {  	_ =	strace s16  }
0x90: {  	s1 =	sld [smem:$0x3FFC];
	_ =	sdelay $0x3  }
0x91: {  	_ =	strace s1  }
0x92: {  	s1 =	sld [smem:$0x3FFD];
	_ =	sdelay $0x3  }
0x93: {  	_ =	strace s1  }
0x94: {  	_ =	strace $0x8FFFFFFF  }
0x95: {  	s17 =	sld [smem:$0x3FDB];
	_ =	sdelay $0x1  }
0x96: {  	s2 =	simm.s32 $_scs_section_size  }
0x97: {  	s3 =	simm.s32 $_size__tile_overlayer_lowered;
	s4 =	simm.s32 $_tile_overlayer_lowered  }
0x98: {  	s20 =	simm.s32 $0x1BFF;
	s19 =	sshll.u32 s4, $0x1;
	s1 =	sadd.s32 s2, s17  }
0x99: {  	s5 =	simm.s32 $0x0;
	s18 =	sshll.u32 s3, $0x1;
	s3 =	sadd.s32 s19, s1  }
0x9a: {  	[timem:s5], [sflag:s20] =	dma.local [hbm:s3], s18  }
0x9b: {  	_ =	swait.ge [sflag:s20], s18  }
0x9c: {  	s2 =	ssub.s32 $0x0, s18;
	[sflag:s20] =	ssyncset.done $0x0  }
0x9d: {  	[sflag:s20] =	ssyncadd.s32 s2;
	_ =	sdelay $0x1  }
0x9e: {  	s21 =	simm.s32 $0x1B8B  }
0x9f: {  	_ =	swait.ge [sflag:s21], $0x1  }
0xa0: {  	[sflag:s21] =	ssyncset.done $0x0  }
0xa1: {  	s23 =	simm.s32 $0x1B8E;
	s22 =	sld [smem:$0x3FFE];
	[sflag:s21] =	ssyncadd.s32 $0xFFFFFFFF  }
0xa2: {  	s24 =	simm.s32 $execute0_lowered;
	[smem:$0x3FD2] =	sst s23  }
0xa3: {  	s3 =	sshll.u32 s24, $0x1;
	_ =	strace $0x8000004C;
	[dreg:$0x1] =	wrdreg $0xFFFFFFFF  }
0xa4: {  	s25 =	simm.s32 $_size_execute0_lowered;
	s1 =	sadd.s32 s1, s3;
	[dreg:$0x0] =	wrdreg $0x0  }
0xa5: {  	s3 =	sshll.u32 s25, $0x1;
	[dreg:$0x2] =	wrdreg s1  }
0xa6: {  	[dreg:$0x3] =	wrdreg s3  }
0xa7: {  	[dreg:$0x4] =	wrdreg $0xC0  }
0xa8: {  	_ =	task [dreg:s5], $0x5FFFF  }
0xa9: {  	[dreg:$0x1] =	wrdreg $0xFFFFFFFF  }
0xaa: {  	[dreg:$0x0] =	wrdreg $0x60  }
0xab: {  	[dreg:$0x2] =	wrdreg s0  }
0xac: {  	[dreg:$0x3] =	wrdreg s22  }
0xad: {  	[dreg:$0x4] =	wrdreg $0x9  }
0xae: {  	_ =	task.clear_ibuf [dreg:s5], $0x5FFFF;
	_ =	strace $0x9000004C  }
0xaf: {  	s26 =	simm.s32 $0x9;
	_ =	strace $0x8000004E  }
0xb0: {  	_ =	swait.ge [sflag:s26], $0x1  }
0xb1: {  	[sflag:s26] =	ssyncadd.s32 $0xFFFFFFFF  }
0xb2: {  	_ =	strace $0x9000004E  }
0xb3: {  	_ =	sfence  }
0xb4: {  	s28 =	sld [smem:$0x0];
	_ =	sdelay $0x1  }
0xb5: {  	s29 =	srdreg.scid  }
0xb6: {  	s30 =	sshll.u32 s29, $0xD;
	s31 =	sshrl.u32 s29, $0x2  }
0xb7: {  	s2 =	sand.u32 $0x4000, s30;
	s1 =	sand.u32 $0x1, s29;
	s0 =	sadd.s32 s31, s28  }
0xb8: {  	s1 =	sor.u32 s2, s1;
	s0 =	sshll.u32 s0, $0x11  }
0xb9: {  	s0 =	sor.u32 s0, s1  }
0xba: {  	s0 =	sadd.s32 $0x8F2B, s0  }
0xbb: {  	[sflag:s0] =	ssyncadd.remote.s32 $0x1  }
0xbc: {  	_ =	sfence.sel $0xFFFF  }
0xbd: {  	[dreg:$0x0] =	wrdreg $0xFFFFFFFF;
	(pc) =	sbr.abs _section_cstart, $3  }
0xbe: {  	[dreg:$0x1] =	wrdreg $0xFFFFFFFF  }
0xbf: {  	_ =	task.clear_ibuf [dreg:s5], $0x2FFFF;
	_ =	strace $0x9FFFFFFF  }
0xc0: {  	(tm) =	ssettm $0x7FFFFFFF  }
0xc1: {  	_ =	shalt  }
tec
execute0_lowered:
.L_overlay_start_1:
0x0: {  	(tag) =	ssettag $0x1  }
0x1: {  	s1 =	rddreg [dreg:$0x0]  }
0x2: {  	s3 =	rddreg [dreg:$0x1];
	_ =	strace $0x8000004D;
	s4 =	simm.s32 $0x1  }
0x3: {  	v1 =	vimm.s32 $0xFFFFFFFF;
	[sflag:s4] =	ssyncpa.u1 $0x0  }
0x4: {  	[tilespmem:$0x10] =	vst v1  }
0x5: {  	v0 =	vimm.f32 $+Inf;
	[tilespmem:$0x20] =	vst v1  }
0x6: {  	[tilespmem:$0x30] =	vst v0  }
0x7: {  	s0 =	simm.s32 $0x2;
	[tilespmem:$0x40] =	vst v0  }
0x8: {  	s2 =	stileid.u32;
	s5 =	simm.s32 $0x7;
	s7 =	simm.s32 $0x8;
	[tilespmem:$0x50] =	vst v0  }
0x9: {  	s31 =	simm.s32 $0x9;
	s14 =	simm.s32 $0x0;
	s15 =	simm.s32 $0x100;
	[tilespmem:$0x60] =	vst v1  }
0xa: {  	s18 =	simm.s32 $0x10;
	s19 =	simm.s32 $0xFD00;
	s20 =	simm.s32 $0xF;
	[tilespmem:$0x70] =	vst v1  }
0xb: {  	s21 =	simm.s32 $0x50;
	s22 =	simm.s32 $0x70FF;
	s23 =	simm.s32 $0x20;
	[tilespmem:$0x80] =	vst v1  }
0xc: {  	s24 =	simm.s32 $0x30;
	s25 =	simm.s32 $0xE0FF;
	s26 =	simm.s32 $0x80;
	v1 =	vimm.s32 $0x0;
	[tilespmem:$0xB0] =	vst v0  }
.Ltmp0:
0xd: {  	s30 =	simm.s32 $0x0;
	s29 =	simm.s32 $0x0;
	[tilespmem:$0x90] =	vst v1;
	(pc) =	sbr.rel .LBB2_1-.Ltmp0, $4  }
0xe: {  	s6 =	smul.u32 $0x1C00, s2;
	s8 =	sadd.s32 $0x3800, s3;
	[tilespmem:$0xA0] =	vst v1;
	[sflag:s0] =	ssyncpa.u1 $0x0  }
0xf: {  	s10 =	sshll.u32 s2, $0x1;
	s12 =	sshllo.u32 s2, $0x1;
	[sflag:s5] =	ssyncpa.u1 $0x0  }
0x10: {  	vm0 =	vmmov $0xffff;
	v2 =	vlaneseq.u32;
	vm1 =	vmxor vm1, vm1;
	s11 =	sor.u32 $0x81, s10;
	s13 =	sor.u32 $0x80, s10;
	[sflag:s7] =	ssyncpa.u1 $0x0  }
0x11: {  	vm2 =	vmmov $0x1;
	v3 =	vimm.f32 $0.0e+00;
	vm3 =	vcmask $0x3F3C;
	s9 =	sadd.s32 $0x1C00, s6;
	s28 =	smov.u32 s6;
	[sflag:s31] =	ssyncpa.u1 $0x0  }
.LBB2_3:
0x12: {  	s0 =	sshrl.u32 s28, $0x3;
	s2 =	rddreg [dreg:$0x1]  }
0x13: {  	s31 =	sand.u32 $0x7, s28;
	s0 =	sadd.s32 s2, s0  }
0x14: {  	[tilespmem:s15], [sflag:$0x7] =	stream.linear.gather [hbm4b:s0+s31], $0x1C00, $0x38;
	[tilespmem:$0xFD20] =	vst v63  }
.LBB2_4:
0x15: {  	s0 =	sadd.s32 $0x1C00, s28  }
0x16: {  	s2 =	smov.u32 s6;
	s29 =	sadd.s32 $0x1, s29;
	p0 =	slt.s32 s0, s9  }
0x17: {  	s2 =	smov.u32 @p0 s0;
	p0 =	sne.s32 s29, $0x4  }
.Ltmp1:
0x18: {  	_ = 	snop;
	(pc) =	sbr.rel @!p0 .LBB2_13-.Ltmp1, $2  }
0x19: {  	_ =	sdelay $0x2  }
0x1a: {  	s30 =	smov.u32 s28;
	s28 =	smov.u32 s2  }
.LBB2_1:
0x1b: {  	p0 =	sgt.s32 s29, $0x1  }
.Ltmp2:
0x1c: {  	_ = 	snop;
	(pc) =	sbr.rel @p0 .LBB2_11-.Ltmp2, $1  }
0x1d: {  	_ =	sdelay $0x3  }
0x1e: {  	p0 =	seq.s32 s29, $0x0  }
.Ltmp3:
0x1f: {  	_ = 	snop;
	(pc) =	sbr.rel @p0 .LBB2_3-.Ltmp3, $1  }
0x20: {  	_ =	sdelay $0x3  }
0x21: {  	_ =	swait.ge [sflag:s5], $0x1C00  }
0x22: {  	[sflag:s5] =	ssyncset.done $0x0  }
0x23: {  	[sflag:s5] =	ssyncadd.s32 $0xFFFFE400;
	(ifvalue) =	ssetifvalue $0xFFFFFFFF;
	v4 =	vld.msk [tilespmem:s15+$0x0 ss:$0x1], $0xffff;
	_ =	sdelay $0x4  }
0x24: {  	v5 =	vperm.xlane v4, v1  }
0x25: {  	vm4 =	vlt.u32 v4, $0x200000  }
0x26: {  	v4 =	vnsel vm4, $0xFFFFFFFE, v4;
	vm4 =	vlt.u32 v5, $0x200000  }
0x27: {  	[tilespmem:$0x70] =	vst v4;
	v4 =	vnsel vm4, $0xFFFFFFFE, v5  }
0x28: {  	s16 =	simm.s32 $0x1CF0;
	[tilespmem:$0x80] =	vst v4  }
0x29: {  	v4 =	vld.msk [tilespmem:s16+$0x0 ss:$0x1], $0xffff;
	_ =	sdelay $0x4  }
0x2a: {  	(xrf1) =	vunique.msk.u32 $0xffff, v4;
	_ =	sdelay $0xd  }
0x2b: {  	v5 =	vimm.s32 $0xFFFFFFFF;
	v6, _, _ =	vpop (xrf1)  }
0x2c: {  	vm5 =	vne.s32 v4, v5;
	vm4 =	veq.s32 v6, v2  }
0x2d: {  	vm6 =	vlt.u32 v4, $0x200000;
	vm4 =	vmand vm5, vm4  }
0x2e: {  	vm4 =	vmand vm6, vm4  }
0x2f: {  	v5 =	vnsel vm4, $0xFFFFFFFF, v4;
	_ =	sdelay $0x3  }
0x30: {  	s0 =	simm.s32 $0x70F0;
	(ifvalue) =	ssetifvalue $0xFFFFFFFF  }
0x31: {  	v4 =	vperm.xlane v4, v1;
	[tilespmem:s0], [sflag:$0x8] =	stream.indirect_vreg.gather [hbm4b:s1+s14], $0x1, v5, vm0, $0x4038;
	v5 =	vnsel vm6, $0xFFFFFFFE, v5;
	[tilespmem:$0xFD20] =	vst v63  }
0x32: {  	s2 =	simm.s32 $0x0;
	s3 =	simm.s32 $0x1CE0;
	[tilespmem:s16+$0x0] =	vst v5  }
.LBB2_6:
0x33: {  	v5 =	vld.msk [tilespmem:s3+$0x0 ss:$0x1], $0xffff;
	s2 =	sadd.s32 $0x10, s2;
	v6 =	vmov v4;
	s16 =	smov.u32 s3  }
0x34: {  	p0 =	slt.u32 s2, $0x1BF0;
	_ =	sdelay $0x4  }
0x35: {  	v4 =	vperm.xlane v5, v1;
	(xrf1) =	vunique.msk.u32 $0xffff, v5;
	_ =	sdelay $0xd  }
0x36: {  	v7, _, _ =	vpop (xrf1)  }
0x37: {  	vm5 =	vne.s32 v5, v6;
	vm4 =	veq.s32 v7, v2  }
0x38: {  	vm6 =	vlt.u32 v5, $0x200000;
	vm4 =	vmand vm5, vm4  }
0x39: {  	vm4 =	vmand vm6, vm4  }
0x3a: {  	v5 =	vnsel vm4, $0xFFFFFFFF, v5  }
.Ltmp4:
0x3b: {  	v6 =	vnsel vm6, $0xFFFFFFFE, v5;
	(pc) =	sbr.rel @p0 .LBB2_6-.Ltmp4, $3  }
0x3c: {  	_ =	sdelay $0x1  }
0x3d: {  	s3 =	sadd.s32 $0xFFFFFFF0, s3;
	s0 =	sadd.s32 $0xFFFFFFF0, s0;
	(ifvalue) =	ssetifvalue $0xFFFFFFFF  }
0x3e: {  	[tilespmem:s0], [sflag:$0x8] =	stream.indirect_vreg.gather [hbm4b:s1+s14], $0x1, v5, vm0, $0x4038;
	[tilespmem:s16+$0x0] =	vst v6  }
.Ltmp5:
0x3f: {  	(pc) =	sbr.rel .LBB2_4-.Ltmp5, $4  }
0x40: {  	_ = 	snop  }
0x41: {  	s0 =	sshrl.u32 s30, $0x3  }
0x42: {  	s2 =	simm.s32 $0x8D00;
	s0 =	sadd.s32 s8, s0  }
0x43: {  	[tilespmem:s2], [sflag:$0x8] =	stream.linear.gather [hbm:s0], $0x1C00, $0x38;
	[tilespmem:$0xFD20] =	vst v63  }
.LBB2_11:
0x44: {  	p0 =	seq.s32 s29, $0x2  }
.Ltmp6:
0x45: {  	_ = 	snop;
	(pc) =	sbr.rel @!p0 .LBB2_12-.Ltmp6, $1  }
0x46: {  	_ =	sdelay $0x3  }
0x47: {  	_ =	swait.ge [sflag:s7], $0x3800  }
0x48: {  	[sflag:s7] =	ssyncset.done $0x0  }
0x49: {  	s0 =	simm.s32 $0x1CFF;
	[sflag:s7] =	ssyncadd.s32 $0xFFFFC800  }
0x4a: {  	[spmem:s11] =	stream.linear.scatter [tilespmem:s0], [sflag:$0x1], $0x1, $0x38;
	[tilespmem:$0xFD20] =	vst v63  }
0x4b: {  	_ =	swait.ge [sflag:s4], $0x1  }
0x4c: {  	[sflag:s4] =	ssyncset.done $0x0  }
0x4d: {  	[sflag:s4] =	ssyncadd.s32 $0xFFFFFFFF  }
0x4e: {  	v5 =	vld [tilespmem:$0x10]  }
0x4f: {  	v6 =	vld [tilespmem:$0x70]  }
0x50: {  	v4 =	vld [tilespmem:$0x80];
	_ =	sdelay $0x2  }
0x51: {  	(v2sf) =	vpush v5, $0x0  }
0x52: {  	(v2sf) =	vpush v6, $0x0  }
0x53: {  	(v2sf) =	vpush v4, $0x0;
	_ =	sdelay $0xc  }
0x54: {  	s17 =	spop (v2sf)  }
0x55: {  	s2 =	spop (v2sf)  }
0x56: {  	s30 =	spop (v2sf)  }
0x57: {  	p0 =	seq.s32 s17, s2;
	p1 =	seq.s32 s30, s17  }
0x58: {  	p1 =	por p0, p1  }
0x59: {  	v5 =	vpsel p1, $0xFFFFFFFF, v5  }
0x5a: {  	[tilespmem:s18+$0x0] =	vst.msk $0x1, v5  }
0x5b: {  	v5 =	vld [tilespmem:$0x30]  }
0x5c: {  	v6 =	vld [tilespmem:$0x8D00]  }
0x5d: {  	v7 =	vld [tilespmem:$0x40];
	_ =	sdelay $0x2  }
0x5e: {  	vm4 =	vmmov vm1  }
0x5f: {  	vm5 =	vmmov vm2;
	s3 =	simm.s32 $0x8D00;
	vm4 =	vmmov @p0 vm2;
	v6 =	vmin.f32 v5, v6  }
0x60: {  	vm5 =	vmmov @p1 vm1;
	v5 =	vmin.f32 v5, v7;
	[tilespmem:s3+$0x0] =	vst.msk vm4, v6  }
0x61: {  	[tilespmem:s19+$0x0] =	vst.msk vm5, v5  }
0x62: {  	v5 =	vld [tilespmem:$0x70F0];
	_ =	sdelay $0x4  }
0x63: {  	v5 =	vshift.insert v5, v3, s20;
	_ =	sdelay $0x1  }
0x64: {  	v6 =	vimm.f32 $+Inf;
	[tilespmem:s21+$0x0] =	vst.msk $0x1, v5  }
0x65: {  	[tilespmem:s22+$0x0] =	vst.msk $0x1, v6  }
0x66: {  	v5 =	vld [tilespmem:$0x1CF0];
	_ =	sdelay $0x4  }
0x67: {  	v5 =	vshift.insert v5, v1, s20;
	_ =	sdelay $0x1  }
0x68: {  	s16 =	simm.s32 $0x100;
	[tilespmem:s23+$0x0] =	vst.msk $0x1, v5  }
0x69: {  	v7 =	vld [tilespmem:s16+$0x0]  }
0x6a: {  	v8 =	vld [tilespmem:s3+$0x0];
	_ =	sdelay $0x4  }
0x6b: {  	vm4 =	vne.s32 v7, $0xFFFFFFFF;
	v6 =	vmin.f32 v8, v6  }
0x6c: {  	(xrf0) =	vmin.seg.scan.f32 vm4, v6  }
0x6d: {  	s17 =	simm.s32 $0x5500;
	v8 =	vld [tilespmem:$0xA0]  }
0x6e: {  	v9 =	vld [tilespmem:s17+$0x0];
	_ =	sdelay $0x1  }
0x6f: {  	v6 =	vperm.xlane v5, v1;
	_ =	sdelay $0x1  }
0x70: {  	vm6 =	veq.s32 v7, v4;
	vm7 =	veq.s32 v7, v6;
	vm5 =	veq.s32 v8, $0x1;
	v8, _, _ =	vpop (xrf0)  }
0x71: {  	vm8 =	vgt.u32 v7, $0xFFFFFFFD;
	vm7 =	vmor vm7, vm6;
	v9 =	vmin.f32 v8, v9  }
0x72: {  	s31 =	simm.s32 $0xC500;
	v10 =	vld [tilespmem:$0x90];
	vm7 =	vmor vm7, vm8;
	v9 =	vsel vm6, v8, v9  }
0x73: {  	[tilespmem:s31+$0x0] =	vst v9;
	v9 =	vsel vm7, $0xFFFFFFFF, v7;
	_ =	sdelay $0x1  }
0x74: {  	vm9 =	vmand vm4, vm3  }
0x75: {  	s0 =	simm.s32 $0x0;
	s2 =	simm.s32 $0x8D10;
	s3 =	simm.s32 $0x110;
	v11 =	vsel vm9, $0x7F800000, v8  }
0x76: {  	s16 =	simm.s32 $0xC510;
	s17 =	simm.s32 $0x5510;
	vm4 =	vmor vm5, vm6;
	v7 =	vsel vm6, v8, v10;
	v8 =	vshift.insert v11, v0, s20;
	(ifvalue) =	ssetifvalue $0xFFFFFFFF  }
.LBB2_9:
0x77: {  	[hbm4b:s1+s14] =	stream.indirect_vreg.scatter [tilespmem:s31], [sflag:$0x2], $0x1, v9, vm0, $0x4038;
	[tilespmem:$0xFD20] =	vst v63  }
0x78: {  	s0 =	sadd.s32 $0x10, s0;
	s31 =	smov.u32 s16;
	v9 =	vld [tilespmem:s3+$0x0]  }
0x79: {  	p0 =	slt.u32 s0, $0x1BF0;
	v10 =	vld [tilespmem:s2+$0x0];
	_ =	sdelay $0x4  }
0x7a: {  	vm5 =	vne.s32 v9, $0xFFFFFFFF;
	v8 =	vmin.f32 v10, v8  }
0x7b: {  	(xrf0) =	vmin.seg.scan.f32 vm5, v8;
	_ =	sdelay $0x1  }
0x7c: {  	v8 =	vld [tilespmem:s17+$0x0]  }
0x7d: {  	vm6 =	veq.s32 v9, v4;
	vm7 =	veq.s32 v9, v6  }
0x7e: {  	vm8 =	vgt.u32 v9, $0xFFFFFFFD;
	vm4 =	vmor vm4, vm6;
	vm7 =	vmor vm7, vm6  }
0x7f: {  	vm7 =	vmor vm7, vm8  }
.Ltmp7:
0x80: {  	vm5 =	vmand vm5, vm3;
	v9 =	vsel vm7, $0xFFFFFFFF, v9;
	v10, _, _ =	vpop (xrf0);
	(pc) =	sbr.rel @p0 .LBB2_9-.Ltmp7, $4  }
0x81: {  	v7 =	vsel vm6, v10, v7;
	v8 =	vmin.f32 v10, v8;
	v11 =	vsel vm5, $0x7F800000, v10  }
0x82: {  	v10 =	vsel vm6, v10, v8;
	v8 =	vshift.insert v11, v0, s20  }
0x83: {  	s3 =	sadd.s32 $0x10, s3;
	s2 =	sadd.s32 $0x10, s2;
	[tilespmem:s16+$0x0] =	vst v10  }
0x84: {  	s17 =	sadd.s32 $0x10, s17;
	s16 =	sadd.s32 $0x10, s16;
	(ifvalue) =	ssetifvalue $0xFFFFFFFF  }
0x85: {  	_ =	sdelay $0x3  }
0x86: {  	[hbm4b:s1+s14] =	stream.indirect_vreg.scatter [tilespmem:s31], [sflag:$0x2], $0x1, v9, vm0, $0x4038;
	[tilespmem:$0xFD20] =	vst v63  }
0x87: {  	v4 =	vld [tilespmem:$0xE0F0];
	_ =	sdelay $0x4  }
0x88: {  	v4 =	vshift.insert v4, v3, s20;
	_ =	sdelay $0x1  }
0x89: {  	[tilespmem:s24+$0x0] =	vst.msk $0x1, v4  }
0x8a: {  	v4 =	vsel vm4, $0x1, v1;
	[tilespmem:$0x90] =	vst v7  }
0x8b: {  	[tilespmem:$0xA0] =	vst v4  }
0x8c: {  	[spmem:s12] =	stream.linear.scatter [tilespmem:s25], [sflag:$0x1], $0x1, $0x38;
	[tilespmem:$0xFD20] =	vst v63  }
0x8d: {  	v4 =	vmctz.xlane vm4;
	_ =	swait.ge [sflag:s4], $0x1  }
0x8e: {  	(v2sf) =	vpush v5, $0x0  }
0x8f: {  	(v2sf) =	vpush v4, $0x0;
	_ =	sdelay $0xd  }
0x90: {  	s0 =	spop (v2sf)  }
0x91: {  	s2 =	spop (v2sf)  }
0x92: {  	[sflag:s4] =	ssyncset.done $0x0;
	p0 =	sne.s32 s30, s0;
	p1 =	slt.s32 s2, $0xF  }
0x93: {  	[sflag:s4] =	ssyncadd.s32 $0xFFFFFFFF;
	v4 =	vimm.s32 @!p0 $0xFFFFFFFF;
	s2 =	simm.s32 @!p1 $0xF  }
0x94: {  	[tilespmem:$0x80] =	vst @!p0 v4;
	s31 =	sadd.s32 $0x90, s2  }
0x95: {  	[spmem:s10] =	stream.linear.scatter [tilespmem:s31], [sflag:$0x1], $0x1, $0x38;
	[tilespmem:$0xFD20] =	vst v63  }
0x96: {  	_ =	swait.ge [sflag:s4], $0x1  }
0x97: {  	[sflag:s4] =	ssyncset.done $0x0  }
0x98: {  	[sflag:s4] =	ssyncadd.s32 $0xFFFFFFFF  }
0x99: {  	[spmem:s13] =	stream.linear.scatter [tilespmem:s26], [sflag:$0x1], $0x1, $0x38;
	[tilespmem:$0xFD20] =	vst v63  }
0x9a: {  	_ =	swait.ge [sflag:s4], $0x1  }
0x9b: {  	[sflag:s4] =	ssyncset.done $0x0  }
0x9c: {  	[sflag:s4] =	ssyncadd.s32 $0xFFFFFFFF;
	(ifvalue) =	ssetifvalue $0xFFFFFFFF;
	v4 =	vld [tilespmem:$0x10];
	_ =	sdelay $0x3  }
.Ltmp8:
0x9d: {  	_ = 	snop;
	(pc) =	sbr.rel .LBB2_4-.Ltmp8, $3  }
0x9e: {  	_ =	sdelay $0x1  }
0x9f: {  	(ifvalue) =	ssetifvalue $0xFFFFFFFF  }
0xa0: {  	[hbm4b:s1+s14] =	stream.indirect_vreg.scatter [tilespmem:s19], [sflag:$0x9], $0x1, v4, vm0, $0x4038;
	[tilespmem:$0xFD20] =	vst v63  }
.LBB2_12:
0xa1: {  	s0 =	simm.s32 $0x2  }
0xa2: {  	_ =	swait.ge [sflag:s0], $0x1C00  }
0xa3: {  	[sflag:s0] =	ssyncset.done $0x0  }
0xa4: {  	s31 =	simm.s32 $0x9;
	[sflag:s0] =	ssyncadd.s32 $0xFFFFE400  }
0xa5: {  	_ =	swait.ge [sflag:s31], $0x10  }
0xa6: {  	[sflag:s31] =	ssyncset.done $0x0  }
0xa7: {  	[sflag:s31] =	ssyncadd.s32 $0xFFFFFFF0  }
.LBB2_13:
0xa8: {  	_ =	sfence.sel $0x180000  }
0xa9: {  	s0 =	simm.s32 $0x7;
	[bflag:$0x0] =	sbarrier.arrive $0xFFFF  }
0xaa: {  	s26 =	simm.s32 $0x8;
	[sflag:s0] =	ssyncpa.u1 $0x1  }
0xab: {  	s28 =	simm.s32 $0x9;
	[sflag:s26] =	ssyncpa.u1 $0x1  }
0xac: {  	[sflag:s28] =	ssyncpa.u1 $0x1  }
0xad: {  	_ =	sfence.stream.spmem  }
0xae: {  	s29 =	simm.s32 $0x3;
	[bflag:$0x0] =	sbarrier.arrive $0xFFFF  }
0xaf: {  	s30 =	simm.s32 $0x4;
	[sflag:s29] =	ssyncpa.u1 $0x1  }
0xb0: {  	s31 =	simm.s32 $0x3C;
	s2 =	stileid.u32;
	[sflag:s30] =	ssyncpa.u1 $0x1  }
0xb1: {  	p0 =	sne.s32 s2, $0x0;
	[sflag:s31] =	ssyncpa.u1 $0x1  }
0xb2: {  	s0 =	simm.s32 @p0 $0x1;
	_ =	sfence @p0  }
0xb3: {  	[sflag:s0] =	ssyncpa.u1 @p0 $0x1;
	s0 =	simm.s32 @p0 $0x2  }
0xb4: {  	[sflag:s0] =	ssyncpa.u1 @p0 $0x1  }
0xb5: {  	_ =	strace @p0 $0x9000004D  }
0xb6: {  	[bflag:$0x2] =	sbarrier.arrive @p0 $0xFFFF  }
0xb7: {  	_ =	shalt @p0  }
.LBB2_14:
0xb8: {  	_ =	sfence.stream.spmem;
	s0 =	simm.s32 $0x5  }
0xb9: {  	s2 =	simm.s32 $0x80;
	s3 =	simm.s32 $0xC0;
	[sflag:s0] =	ssyncpa.u1 $0x0  }
0xba: {  	[tilespmem:s3], [sflag:$0x5] =	stream.linear.gather [spmem:s2], $0x20, $0x38;
	[tilespmem:$0xFD20] =	vst v63  }
0xbb: {  	s30 =	simm.s32 $0xE0;
	s2 =	simm.s32 $0x0  }
0xbc: {  	[tilespmem:s30], [sflag:$0x5] =	stream.linear.gather [spmem:s2], $0x20, $0x38;
	[tilespmem:$0xFD20] =	vst v63  }
.Ltmp9:
0xbd: {  	_ = 	snop;
	(pc) =	sbr.rel .LBB2_15-.Ltmp9, $4  }
0xbe: {  	_ =	swait.ge [sflag:s0], $0x40  }
0xbf: {  	[sflag:s0] =	ssyncset.done $0x0  }
0xc0: {  	s31 =	simm.s32 $0x6;
	[sflag:s0] =	ssyncadd.s32 $0xFFFFFFC0  }
0xc1: {  	s3 =	simm.s32 $0x0;
	[sflag:s31] =	ssyncpa.u1 $0x0  }
.LBB2_20:
0xc2: {  	p0 =	sgt.u32 s4, $0x1FFFFF  }
0xc3: {  	s0 =	sshrl.u32 @!p0 s4, $0x3  }
0xc4: {  	s4 =	sand.u32 @!p0 $0x7, s4;
	s5 =	simm.s32 @!p0 $0xB0;
	s0 =	sadd.s32 @!p0 s1, s0  }
0xc5: {  	[tilespmem:s5], [sflag:$0x6] =	stream.linear.gather @!p0 [hbm4b:s0+s4], $0x1, $0x38;
	[tilespmem:$0xFD20] =	vst v63  }
0xc6: {  	s0 =	simm.s32 @!p0 $0x6  }
0xc7: {  	_ =	swait.ge @!p0 [sflag:s0], $0x1  }
0xc8: {  	[sflag:s0] =	ssyncset.done @!p0 $0x0  }
0xc9: {  	[sflag:s0] =	ssyncadd.s32 @!p0 $0xFFFFFFFF  }
0xca: {  	v1 =	vld.msk @!p0 [tilespmem:$0xB0], $0x1  }
0xcb: {  	v2 =	vld.msk @!p0 [tilespmem:s3+$0xE0], $0x1;
	_ =	sdelay $0x4  }
0xcc: {  	v1 =	vmin.f32 @!p0 v2, v1  }
0xcd: {  	[tilespmem:s3+$0xE0] =	vst.msk @!p0 $0x1, v1  }
0xce: {  	[tilespmem:s2+$0xC0] =	vst.msk $0x1, v0  }
0xcf: {  	v0 =	vld.msk [tilespmem:s3+$0xE0], $0x1;
	_ =	sdelay $0x4  }
0xd0: {  	[tilespmem:s2+$0xE0] =	vst.msk $0x1, v0;
	s2 =	sadd.s32 $0x1, s2  }
.LBB2_22:
0xd1: {  	s3 =	sadd.s32 $0x1, s3  }
0xd2: {  	p0 =	sne.s32 s3, $0x20  }
.Ltmp10:
0xd3: {  	_ = 	snop;
	(pc) =	sbr.rel @!p0 .LBB2_23-.Ltmp10, $1  }
0xd4: {  	_ =	sdelay $0x3  }
.LBB2_15:
0xd5: {  	v0 =	vld.msk [tilespmem:s3+$0xC0], $0x1;
	_ =	sdelay $0x4  }
0xd6: {  	(v2sf) =	vpush v0, $0x0;
	_ =	sdelay $0xe  }
0xd7: {  	s4 =	spop (v2sf)  }
0xd8: {  	p0 =	seq.s32 s4, $0xFFFFFFFF  }
.Ltmp11:
0xd9: {  	_ = 	snop;
	(pc) =	sbr.rel @p0 .LBB2_22-.Ltmp11, $1  }
0xda: {  	_ =	sdelay $0x3  }
0xdb: {  	p0 =	slt.s32 s2, $0x1  }
.Ltmp12:
0xdc: {  	_ = 	snop;
	(pc) =	sbr.rel @p0 .LBB2_20-.Ltmp12, $1  }
0xdd: {  	_ =	sdelay $0x3  }
0xde: {  	s0 =	simm.s32 $0xC0;
	p0 =	por $0x0, $0x0  }
0xdf: {  	v1 =	vld.msk @!p0 [tilespmem:s0+$0x0], $0x1;
	_ =	sdelay $0x4  }
0xe0: {  	(v2sf) =	vpush @!p0 v1, $0x0;
	_ =	sdelay $0xd  }
0xe1: {  	p2 =	sne.s32 s2, $0x1  }
.Ltmp13:
0xe2: {  	s5 =	spop @!p0 (v2sf);
	(pc) =	sbr.rel @!p2 .LBB2_19-.Ltmp13, $4  }
0xe3: {  	p1 =	seq.s32 @!p0 s4, s5  }
0xe4: {  	s5 =	simm.s32 $0x0;
	p1 =	por !p1, p0  }
0xe5: {  	s7 =	simm.s32 $0xFFFFFFFF;
	s5 =	simm.s32 @p1 $0xFFFFFFFF  }
0xe6: {  	s6 =	simm.s32 $0x1;
	s5 =	smov.u32 @p0 s7  }
.LBB2_18:
0xe7: {  	s7 =	smov.u32 s5;
	p0 =	sne.s32 s5, $0xFFFFFFFF  }
0xe8: {  	s0 =	sadd.s32 $0x1, s0;
	s5 =	smov.u32 s6;
	s6 =	sadd.s32 $0x1, s6  }
0xe9: {  	p1 =	sne.s32 s2, s6;
	v1 =	vld.msk @!p0 [tilespmem:s0+$0x0], $0x1;
	_ =	sdelay $0x4  }
0xea: {  	(v2sf) =	vpush @!p0 v1, $0x0;
	_ =	sdelay $0xe  }
.Ltmp14:
0xeb: {  	s8 =	spop @!p0 (v2sf);
	(pc) =	sbr.rel @p1 .LBB2_18-.Ltmp14, $4  }
0xec: {  	p2 =	seq.s32 @!p0 s4, s8  }
0xed: {  	p2 =	por !p2, p0  }
0xee: {  	s5 =	simm.s32 @p2 $0xFFFFFFFF  }
0xef: {  	s5 =	smov.u32 @p0 s7  }
.LBB2_19:
0xf0: {  	p0 =	sne.s32 s5, $0xFFFFFFFF  }
.Ltmp15:
0xf1: {  	_ = 	snop;
	(pc) =	sbr.rel @!p0 .LBB2_20-.Ltmp15, $1  }
0xf2: {  	_ =	sdelay $0x3  }
0xf3: {  	v0 =	vld.msk [tilespmem:s3+$0xE0], $0x1  }
0xf4: {  	v1 =	vld.msk [tilespmem:s5+$0xE0], $0x1;
	_ =	sdelay $0x1  }
.Ltmp16:
0xf5: {  	_ = 	snop;
	(pc) =	sbr.rel .LBB2_22-.Ltmp16, $3  }
0xf6: {  	_ =	sdelay $0x1  }
0xf7: {  	v0 =	vmin.f32 v1, v0  }
0xf8: {  	[tilespmem:s5+$0xE0] =	vst.msk $0x1, v0  }
.LBB2_23:
0xf9: {  	p0 =	slt.s32 s2, $0x1  }
.Ltmp17:
0xfa: {  	_ = 	snop;
	(pc) =	sbr.rel @p0 .LBB2_27-.Ltmp17, $3  }
0xfb: {  	_ =	sdelay $0x1  }
0xfc: {  	s0 =	simm.s32 $0x6  }
0xfd: {  	s3 =	simm.s32 $0x0;
	[sflag:s0] =	ssyncpa.u1 $0x1  }
0xfe: {  	s0 =	simm.s32 $0xC0  }
0xff: {  	v0 =	vld.msk [tilespmem:s0+$0x0], $0x1;
	_ =	sdelay $0x4  }
0x100: {  	(v2sf) =	vpush v0, $0x0;
	_ =	sdelay $0xe  }
0x101: {  	s2 =	sadd.s32 $0xFFFFFFFF, s2;
	s4 =	spop (v2sf)  }
0x102: {  	p1 =	sne.s32 s2, $0x0;
	p0 =	sgt.u32 s4, $0x1FFFFF  }
.Ltmp18:
0x103: {  	s5 =	sshrl.u32 @!p0 s4, $0x3;
	(pc) =	sbr.rel @!p1 .LBB2_26-.Ltmp18, $4  }
0x104: {  	s0 =	simm.s32 $0xE0;
	s4 =	sand.u32 @!p0 $0x7, s4;
	s5 =	sadd.s32 @!p0 s1, s5  }
0x105: {  	[hbm4b:s5+s4] =	stream.linear.scatter @!p0 [tilespmem:s0], [sflag:$0x5], $0x1, $0x38;
	[tilespmem:$0xFD20] =	vst v63  }
0x106: {  	s5 =	simm.s32 $0x0  }
0x107: {  	s4 =	simm.s32 $0xC1;
	s5 =	simm.s32 @!p0 $0x4  }
.LBB2_25:
0x108: {  	v0 =	vld.msk [tilespmem:s4+$0x0], $0x1;
	s2 =	sadd.s32 $0xFFFFFFFF, s2;
	s3 =	sadd.s32 s3, s5  }
0x109: {  	p0 =	sne.s32 s2, $0x0;
	_ =	sdelay $0x3  }
0x10a: {  	(v2sf) =	vpush v0, $0x0;
	_ =	sdelay $0xe  }
.Ltmp19:
0x10b: {  	s6 =	spop (v2sf);
	(pc) =	sbr.rel @p0 .LBB2_25-.Ltmp19, $4  }
0x10c: {  	s5 =	simm.s32 $0x0;
	p1 =	sgt.u32 s6, $0x1FFFFF  }
0x10d: {  	s0 =	sadd.s32 $0x1, s0;
	s5 =	simm.s32 @!p1 $0x4;
	s7 =	sshrl.u32 @!p1 s6, $0x3  }
0x10e: {  	s4 =	sadd.s32 $0x1, s4;
	s6 =	sand.u32 @!p1 $0x7, s6;
	s7 =	sadd.s32 @!p1 s1, s7  }
0x10f: {  	[hbm4b:s7+s6] =	stream.linear.scatter @!p1 [tilespmem:s0], [sflag:$0x5], $0x1, $0x38;
	[tilespmem:$0xFD20] =	vst v63  }
.LBB2_26:
0x110: {  	s0 =	sadd.s32 s3, s5  }
0x111: {  	s3 =	sshrl.u32 s0, $0x2  }
.LBB2_27:
0x112: {  	s0 =	simm.s32 $0x5  }
0x113: {  	_ =	swait.ge [sflag:s0], s3  }
0x114: {  	s1 =	ssub.s32 $0x0, s3;
	[sflag:s0] =	ssyncset.done $0x0  }
0x115: {  	[sflag:s0] =	ssyncadd.s32 s1  }
0x116: {  	[sflag:s0] =	ssyncpa.u1 $0x1  }
0x117: {  	s29 =	simm.s32 $0x1;
	_ =	sfence  }
0x118: {  	s30 =	simm.s32 $0x2;
	[sflag:s29] =	ssyncpa.u1 $0x1  }
0x119: {  	[sflag:s30] =	ssyncpa.u1 $0x1  }
0x11a: {  	_ =	strace $0x9000004D  }
0x11b: {  	[bflag:$0x2] =	sbarrier.arrive $0xFFFF  }
0x11c: {  	s31 =	rddreg [dreg:$0x2]  }
0x11d: {  	s0 =	sadd.s32 $0x100000, s31  }
0x11e: {  	[sflag:s0] =	ssyncadd.tile.s32 $0x1;
	_ =	shalt  }
.Lfunc_end2:
_tile_overlayer_lowered:
.L_overlay_start_2:
0x11f: {  	(tag) =	ssettag $0x2  }
0x120: {  	s0 =	rddreg [dreg:$0x0];
	s2 =	stileid.u32  }
0x121: {  	s1 =	rddreg [dreg:$0x1];
	p0 =	sne.s32 s2, $0x0  }
0x122: {  	s3 =	rddreg [dreg:$0x2];
	[bflag:$0x3] =	sbarrier.arrive $0xFFFF;
	s2 =	simm.s32 @!p0 $0x1C01  }
0x123: {  	[timem:s3], [sflag:s2] =	dma.local @!p0 [hbm:s0], s1  }
0x124: {  	s0 =	simm.s32 @!p0 $0x1  }
0x125: {  	_ =	swait.ge @!p0 [sflag:s0], s1  }
0x126: {  	s1 =	ssub.s32 @!p0 $0x0, s1;
	[sflag:s0] =	ssyncset.done @!p0 $0x0  }
0x127: {  	[sflag:s0] =	ssyncadd.s32 @!p0 s1  }
0x128: {  	[bflag:$0x3] =	sbarrier.arrive $0xFFFF  }
0x129: {  	_ =	shalt  }

// kernel: scatter_offload_async_start
scs
__scs_entry_jumppad:
0x0: {  	(pc) =	sbr.rel $0x88, $3  }
0x1: {  	(tag) =	ssettag $0x0;
	lr =	simm.s32 $0x1  }
0x2: {  	[smem:$0x3F9E] =	sst lr;
	_ =	strace $0xD0000000  }
0x3: {  	_ = 	snop  }
0x4: {  	_ = 	snop  }
0x5: {  	_ = 	snop  }
0x6: {  	_ = 	snop  }
0x7: {  	_ = 	snop  }
__scs_overlays_trampoline_lowered:
0x8: {  	[smem:$0x3FAD] =	sst s0  }
0x9: {  	[smem:$0x3FAE] =	sst s1  }
0xa: {  	[smem:$0x3FAF] =	sst s2  }
0xb: {  	[smem:$0x3FB0] =	sst s3  }
0xc: {  	[smem:$0x3FB1] =	sst s4  }
0xd: {  	[smem:$0x3FB2] =	sst s5  }
0xe: {  	[smem:$0x3FB3] =	sst s6  }
0xf: {  	[smem:$0x3FB4] =	sst s7  }
0x10: {  	[smem:$0x3FB5] =	sst s8  }
0x11: {  	[smem:$0x3FB6] =	sst s9;
	s0 =	simm.s32 @!p0 $0x0  }
0x12: {  	s1 =	sld [smem:$0x3F9C];
	s0 =	simm.s32 @p0 $0x1  }
0x13: {  	[smem:$0x3FB7] =	sst s0;
	s0 =	simm.s32 @!p1 $0x0  }
0x14: {  	s2 =	sld [smem:$0x3F9B];
	s0 =	simm.s32 @p1 $0x1  }
0x15: {  	[smem:$0x3FB8] =	sst s0;
	s0 =	simm.s32 @!p2 $0x0  }
0x16: {  	s3 =	sld [smem:$0x3FDB];
	s0 =	simm.s32 @p2 $0x1  }
0x17: {  	s4 =	simm.s32 $0x1BF5;
	[smem:$0x3FBA] =	sst s0  }
0x18: {  	s0 =	sld [smem:$0x3F9D];
	_ =	swait.ge [sflag:s4], $0x0  }
0x19: {  	s7 =	sld [smem:$0x3F9E]  }
0x1a: {  	s8 =	sadd.s32 $0xFFFFE003, lr  }
0x1b: {  	s9 =	sadd.s32 $0xFFFFFEF7, lr;
	s5 =	simm.s32 $0xFFFFFFFF;
	p2 =	slt.u32 s8, $0xFFFFF086  }
0x1c: {  	p1 =	slt.u32 s9, $0xF7A;
	s5 =	simm.s32 @!p2 $0x0  }
0x1d: {  	s5 =	simm.s32 @p1 $0x1;
	p0 =	seq.s32 s7, s2  }
0x1e: {  	s7 =	smul.u32 @!p0 $0xF7A, s2;
	p2 =	seq.s32 @!p0 s5, $0x0  }
0x1f: {  	s9 =	smul.u32 $0xF7A, s1;
	s8 =	simm.s32 @!p0 $0x1BF5;
	p2 =	por !p2, p0  }
0x20: {  	[sflag:s8] =	ssyncset.s32 @!p0 $0xFFFFF086;
	s6 =	sadd.s32 @!p0 s3, s7;
	s7 =	simm.s32 @!p0 $0x108  }
0x21: {  	s3 =	sadd.s32 s3, s9;
	s6 =	sadd.s32 @!p0 $0x88, s6;
	s7 =	simm.s32 @p2 $0x1082  }
0x22: {  	[simem:s7], [sflag:s8] =	dma.local @!p0 [hbm:s6], $0xF7A  }
0x23: {  	s9 =	sor.u32 $0xD0000000, s2;
	s6 =	simm.s32 $0x108;
	_ =	swait.ge @!p0 [sflag:s8], $0x0  }
0x24: {  	s3 =	sadd.s32 $0x88, s3;
	s6 =	simm.s32 @!p1 $0x1082;
	[sflag:s4] =	ssyncset.s32 $0xFFFFF086  }
0x25: {  	[simem:s6], [sflag:s4] =	dma.local [hbm:s3], $0xF7A  }
0x26: {  	[smem:$0x3F9E] =	sst s1;
	(tag) =	ssettag s2;
	_ =	strace s9  }
0x27: {  	s1 =	sld [smem:$0x3FAE]  }
0x28: {  	s2 =	sld [smem:$0x3FAF]  }
0x29: {  	s4 =	sld [smem:$0x3FB1]  }
0x2a: {  	p0 =	seq.s32 s5, $0x0;
	s5 =	sld [smem:$0x3FB2]  }
0x2b: {  	s6 =	sld [smem:$0x3FB3]  }
0x2c: {  	s7 =	sld [smem:$0x3FB4]  }
0x2d: {  	s3 =	simm.s32 $0x108;
	s8 =	sld [smem:$0x3FB5]  }
0x2e: {  	s3 =	simm.s32 @!p0 $0x1082;
	s9 =	sld [smem:$0x3FB6]  }
0x2f: {  	lr =	sadd.s32 s0, s3;
	s0 =	sld [smem:$0x3FAD]  }
0x30: {  	s3 =	sld [smem:$0x3FB0]  }
0x31: {  	[smem:$0x3FB9] =	sst s10  }
0x32: {  	s10 =	sld [smem:$0x3FB7];
	_ =	sdelay $0x3  }
0x33: {  	p0 =	seq.s32 s10, $0x1;
	s10 =	sld [smem:$0x3FB9];
	_ =	sdelay $0x3  }
0x34: {  	[smem:$0x3FB9] =	sst s10  }
0x35: {  	s10 =	sld [smem:$0x3FB8];
	_ =	sdelay $0x3  }
0x36: {  	p1 =	seq.s32 s10, $0x1;
	s10 =	sld [smem:$0x3FB9];
	_ =	sdelay $0x3  }
0x37: {  	[smem:$0x3FB9] =	sst s10  }
0x38: {  	s10 =	sld [smem:$0x3FBA]  }
0x39: {  	_ = 	snop;
	(pc) =	sbr.ind lr, $3  }
0x3a: {  	_ = 	snop  }
0x3b: {  	_ = 	snop  }
0x3c: {  	p2 =	seq.s32 s10, $0x1;
	s10 =	sld [smem:$0x3FB9]  }
0x3d: {  	_ =	shalt  }
0x3e: {  	_ =	shalt  }
0x3f: {  	_ =	shalt  }
0x40: {  	_ =	shalt  }
0x41: {  	_ =	shalt  }
0x42: {  	_ =	shalt  }
0x43: {  	_ =	shalt  }
0x44: {  	_ =	shalt  }
0x45: {  	_ =	shalt  }
0x46: {  	_ =	shalt  }
0x47: {  	_ =	shalt  }
0x48: {  	_ =	shalt  }
0x49: {  	_ =	shalt  }
0x4a: {  	_ =	shalt  }
0x4b: {  	_ =	shalt  }
0x4c: {  	_ =	shalt  }
0x4d: {  	_ =	shalt  }
0x4e: {  	_ =	shalt  }
0x4f: {  	_ =	shalt  }
0x50: {  	_ =	shalt  }
0x51: {  	_ =	shalt  }
0x52: {  	_ =	shalt  }
0x53: {  	_ =	shalt  }
0x54: {  	_ =	shalt  }
0x55: {  	_ =	shalt  }
0x56: {  	_ =	shalt  }
0x57: {  	_ =	shalt  }
0x58: {  	_ =	shalt  }
0x59: {  	_ =	shalt  }
0x5a: {  	_ =	shalt  }
0x5b: {  	_ =	shalt  }
0x5c: {  	_ =	shalt  }
0x5d: {  	_ =	shalt  }
0x5e: {  	_ =	shalt  }
0x5f: {  	_ =	shalt  }
0x60: {  	_ =	shalt  }
0x61: {  	_ =	shalt  }
0x62: {  	_ =	shalt  }
0x63: {  	_ =	shalt  }
0x64: {  	_ =	shalt  }
0x65: {  	_ =	shalt  }
0x66: {  	_ =	shalt  }
0x67: {  	_ =	shalt  }
0x68: {  	_ =	shalt  }
0x69: {  	_ =	shalt  }
0x6a: {  	_ =	shalt  }
0x6b: {  	_ =	shalt  }
0x6c: {  	_ =	shalt  }
0x6d: {  	_ =	shalt  }
0x6e: {  	_ =	shalt  }
0x6f: {  	_ =	shalt  }
0x70: {  	_ =	shalt  }
0x71: {  	_ =	shalt  }
0x72: {  	_ =	shalt  }
0x73: {  	_ =	shalt  }
0x74: {  	_ =	shalt  }
0x75: {  	_ =	shalt  }
0x76: {  	_ =	shalt  }
0x77: {  	_ =	shalt  }
0x78: {  	_ =	shalt  }
0x79: {  	_ =	shalt  }
0x7a: {  	_ =	shalt  }
0x7b: {  	_ =	shalt  }
0x7c: {  	_ =	shalt  }
0x7d: {  	_ =	shalt  }
0x7e: {  	_ =	shalt  }
0x7f: {  	_ =	shalt  }
0x80: {  	_ =	shalt  }
0x81: {  	_ =	shalt  }
0x82: {  	_ =	shalt  }
0x83: {  	_ =	shalt  }
0x84: {  	_ =	shalt  }
0x85: {  	_ =	shalt  }
0x86: {  	_ =	shalt  }
0x87: {  	_ =	shalt  }
.Lfunc_end0:
.L_simem_size_0:
called_computation_lowered:
.L_overlay_start_0:
0x88: {  	s0 =	sld [smem:$0x3FD9]  }
0x89: {  	s1 =	sld [smem:$0x3FFE];
	_ =	sdelay $0x3  }
0x8a: {  	s0 =	sadd.s32 s1, s0  }
0x8b: {  	[smem:$0x3FC5] =	sst s0  }
0x8c: {  	_ = 	snop  }
0x8d: {  	s0 =	sld [smem:$0x3FD0];
	(tm) =	ssettm $0x1  }
0x8e: {  	s16 =	sld [smem:$0x3FFB];
	_ =	sdelay $0x3  }
0x8f: {  	_ =	strace s16  }
0x90: {  	s1 =	sld [smem:$0x3FFC];
	_ =	sdelay $0x3  }
0x91: {  	_ =	strace s1  }
0x92: {  	s1 =	sld [smem:$0x3FFD];
	_ =	sdelay $0x3  }
0x93: {  	_ =	strace s1  }
0x94: {  	_ =	strace $0x8FFFFFFF  }
0x95: {  	s17 =	sld [smem:$0x3FDB];
	_ =	sdelay $0x1  }
0x96: {  	s2 =	simm.s32 $_scs_section_size  }
0x97: {  	s3 =	simm.s32 $_size__tile_overlayer_lowered;
	s4 =	simm.s32 $_tile_overlayer_lowered  }
0x98: {  	s20 =	simm.s32 $0x1BFF;
	s19 =	sshll.u32 s4, $0x1;
	s1 =	sadd.s32 s2, s17  }
0x99: {  	s5 =	simm.s32 $0x0;
	s18 =	sshll.u32 s3, $0x1;
	s3 =	sadd.s32 s19, s1  }
0x9a: {  	[timem:s5], [sflag:s20] =	dma.local [hbm:s3], s18  }
0x9b: {  	_ =	swait.ge [sflag:s20], s18  }
0x9c: {  	s2 =	ssub.s32 $0x0, s18;
	[sflag:s20] =	ssyncset.done $0x0  }
0x9d: {  	[sflag:s20] =	ssyncadd.s32 s2;
	_ =	sdelay $0x1  }
0x9e: {  	s21 =	simm.s32 $0x1B8B  }
0x9f: {  	_ =	swait.ge [sflag:s21], $0x1  }
0xa0: {  	[sflag:s21] =	ssyncset.done $0x0  }
0xa1: {  	s23 =	simm.s32 $0x1B8E;
	s22 =	sld [smem:$0x3FFE];
	[sflag:s21] =	ssyncadd.s32 $0xFFFFFFFF  }
0xa2: {  	s24 =	simm.s32 $execute0_lowered;
	[smem:$0x3FD2] =	sst s23  }
0xa3: {  	s3 =	sshll.u32 s24, $0x1;
	_ =	strace $0x80000046;
	[dreg:$0x1] =	wrdreg $0xFFFFFFFF  }
0xa4: {  	s25 =	simm.s32 $_size_execute0_lowered;
	s1 =	sadd.s32 s1, s3;
	[dreg:$0x0] =	wrdreg $0x0  }
0xa5: {  	s3 =	sshll.u32 s25, $0x1;
	[dreg:$0x2] =	wrdreg s1  }
0xa6: {  	[dreg:$0x3] =	wrdreg s3  }
0xa7: {  	[dreg:$0x4] =	wrdreg $0xC0  }
0xa8: {  	_ =	task [dreg:s5], $0x5FFFF  }
0xa9: {  	[dreg:$0x1] =	wrdreg $0xFFFFFFFF  }
0xaa: {  	[dreg:$0x0] =	wrdreg $0x60  }
0xab: {  	[dreg:$0x2] =	wrdreg s0  }
0xac: {  	[dreg:$0x3] =	wrdreg s22  }
0xad: {  	[dreg:$0x4] =	wrdreg $0x9  }
0xae: {  	_ =	task.clear_ibuf [dreg:s5], $0x5FFFF;
	_ =	strace $0x90000046  }
0xaf: {  	s26 =	simm.s32 $0x9;
	_ =	strace $0x80000048  }
0xb0: {  	_ =	swait.ge [sflag:s26], $0x1  }
0xb1: {  	[sflag:s26] =	ssyncadd.s32 $0xFFFFFFFF  }
0xb2: {  	_ =	strace $0x90000048  }
0xb3: {  	_ =	sfence  }
0xb4: {  	s28 =	sld [smem:$0x0];
	_ =	sdelay $0x1  }
0xb5: {  	s29 =	srdreg.scid  }
0xb6: {  	s30 =	sshll.u32 s29, $0xD;
	s31 =	sshrl.u32 s29, $0x2  }
0xb7: {  	s2 =	sand.u32 $0x4000, s30;
	s1 =	sand.u32 $0x1, s29;
	s0 =	sadd.s32 s31, s28  }
0xb8: {  	s1 =	sor.u32 s2, s1;
	s0 =	sshll.u32 s0, $0x11  }
0xb9: {  	s0 =	sor.u32 s0, s1  }
0xba: {  	s0 =	sadd.s32 $0x8F2B, s0  }
0xbb: {  	[sflag:s0] =	ssyncadd.remote.s32 $0x1  }
0xbc: {  	_ =	sfence.sel $0xFFFF  }
0xbd: {  	[dreg:$0x0] =	wrdreg $0xFFFFFFFF;
	(pc) =	sbr.abs _section_cstart, $3  }
0xbe: {  	[dreg:$0x1] =	wrdreg $0xFFFFFFFF  }
0xbf: {  	_ =	task.clear_ibuf [dreg:s5], $0x2FFFF;
	_ =	strace $0x9FFFFFFF  }
0xc0: {  	(tm) =	ssettm $0x7FFFFFFF  }
0xc1: {  	_ =	shalt  }
tec
execute0_lowered:
.L_overlay_start_1:
0x0: {  	(tag) =	ssettag $0x1  }
0x1: {  	s1 =	rddreg [dreg:$0x0]  }
0x2: {  	s0 =	rddreg [dreg:$0x1];
	_ =	strace $0x80000047;
	s3 =	simm.s32 $0x1  }
0x3: {  	v1 =	vimm.s32 $0xFFFFFFFF;
	[sflag:s3] =	ssyncpa.u1 $0x0  }
0x4: {  	[tilespmem:$0x10] =	vst v1  }
0x5: {  	v0 =	vimm.f32 $+Inf;
	[tilespmem:$0x20] =	vst v1  }
0x6: {  	[tilespmem:$0x30] =	vst v0  }
0x7: {  	s2 =	simm.s32 $0x2;
	[tilespmem:$0x40] =	vst v0  }
0x8: {  	s26 =	stileid.u32;
	s5 =	simm.s32 $0x7;
	s7 =	simm.s32 $0x8;
	[tilespmem:$0x50] =	vst v0  }
0x9: {  	s31 =	simm.s32 $0x9;
	s14 =	simm.s32 $0x0;
	s15 =	simm.s32 $0x100;
	[tilespmem:$0x60] =	vst v1  }
0xa: {  	s19 =	simm.s32 $0xFD00;
	s20 =	simm.s32 $0xF;
	s21 =	simm.s32 $0x50;
	[tilespmem:$0x70] =	vst v1  }
0xb: {  	s22 =	simm.s32 $0x70FF;
	s23 =	simm.s32 $0x20;
	s24 =	simm.s32 $0x30;
	[tilespmem:$0x80] =	vst v1  }
0xc: {  	s25 =	simm.s32 $0xE0FF;
	s30 =	simm.s32 $0x0;
	s6 =	smul.u32 $0x1C00, s26;
	v1 =	vimm.s32 $0x0;
	[tilespmem:$0xB0] =	vst v0  }
.Ltmp0:
0xd: {  	s29 =	simm.s32 $0x0;
	s4 =	sadd.s32 $0xE000, s0;
	[tilespmem:$0x90] =	vst v1;
	(pc) =	sbr.rel .LBB2_1-.Ltmp0, $4  }
0xe: {  	s8 =	sadd.s32 $0x11800, s0;
	s10 =	sshll.u32 s26, $0x1;
	[tilespmem:$0xA0] =	vst v1;
	[sflag:s2] =	ssyncpa.u1 $0x0  }
0xf: {  	s12 =	sshllo.u32 s26, $0x1;
	s26 =	simm.s32 $0x80;
	[sflag:s5] =	ssyncpa.u1 $0x0  }
0x10: {  	vm0 =	vmmov $0xffff;
	v2 =	vlaneseq.u32;
	vm1 =	vmxor vm1, vm1;
	s11 =	sor.u32 $0x81, s10;
	s13 =	sor.u32 $0x80, s10;
	[sflag:s7] =	ssyncpa.u1 $0x0  }
0x11: {  	vm2 =	vmmov $0x1;
	v3 =	vimm.f32 $0.0e+00;
	vm3 =	vcmask $0x3F3C;
	s9 =	sadd.s32 $0x1C00, s6;
	s28 =	smov.u32 s6;
	[sflag:s31] =	ssyncpa.u1 $0x0  }
.LBB2_3:
0x12: {  	s0 =	sshrl.u32 s28, $0x3  }
0x13: {  	s2 =	sand.u32 $0x7, s28;
	s0 =	sadd.s32 s4, s0  }
0x14: {  	[tilespmem:s15], [sflag:$0x7] =	stream.linear.gather [hbm4b:s0+s2], $0x1C00, $0x38;
	[tilespmem:$0xFD20] =	vst v63  }
.LBB2_4:
0x15: {  	s0 =	sadd.s32 $0x1C00, s28  }
0x16: {  	s2 =	smov.u32 s6;
	s29 =	sadd.s32 $0x1, s29;
	p0 =	slt.s32 s0, s9  }
0x17: {  	s2 =	smov.u32 @p0 s0;
	p0 =	sne.s32 s29, $0x4  }
.Ltmp1:
0x18: {  	_ = 	snop;
	(pc) =	sbr.rel @!p0 .LBB2_13-.Ltmp1, $2  }
0x19: {  	_ =	sdelay $0x2  }
0x1a: {  	s30 =	smov.u32 s28;
	s28 =	smov.u32 s2  }
.LBB2_1:
0x1b: {  	p0 =	sgt.s32 s29, $0x1  }
.Ltmp2:
0x1c: {  	_ = 	snop;
	(pc) =	sbr.rel @p0 .LBB2_11-.Ltmp2, $1  }
0x1d: {  	_ =	sdelay $0x3  }
0x1e: {  	p0 =	seq.s32 s29, $0x0  }
.Ltmp3:
0x1f: {  	_ = 	snop;
	(pc) =	sbr.rel @p0 .LBB2_3-.Ltmp3, $1  }
0x20: {  	_ =	sdelay $0x3  }
0x21: {  	_ =	swait.ge [sflag:s5], $0x1C00  }
0x22: {  	[sflag:s5] =	ssyncset.done $0x0  }
0x23: {  	[sflag:s5] =	ssyncadd.s32 $0xFFFFE400;
	(ifvalue) =	ssetifvalue $0xFFFFFFFF;
	v4 =	vld.msk [tilespmem:s15+$0x0 ss:$0x1], $0xffff;
	_ =	sdelay $0x4  }
0x24: {  	v5 =	vperm.xlane v4, v1  }
0x25: {  	vm4 =	vlt.u32 v4, $0x200000  }
0x26: {  	v4 =	vnsel vm4, $0xFFFFFFFE, v4;
	vm4 =	vlt.u32 v5, $0x200000  }
0x27: {  	[tilespmem:$0x70] =	vst v4;
	v4 =	vnsel vm4, $0xFFFFFFFE, v5  }
0x28: {  	s17 =	simm.s32 $0x1CF0;
	[tilespmem:$0x80] =	vst v4  }
0x29: {  	v4 =	vld.msk [tilespmem:s17+$0x0 ss:$0x1], $0xffff;
	_ =	sdelay $0x4  }
0x2a: {  	(xrf1) =	vunique.msk.u32 $0xffff, v4;
	_ =	sdelay $0xd  }
0x2b: {  	v5 =	vimm.s32 $0xFFFFFFFF;
	v6, _, _ =	vpop (xrf1)  }
0x2c: {  	vm5 =	vne.s32 v4, v5;
	vm4 =	veq.s32 v6, v2  }
0x2d: {  	vm6 =	vlt.u32 v4, $0x200000;
	vm4 =	vmand vm5, vm4  }
0x2e: {  	vm4 =	vmand vm6, vm4  }
0x2f: {  	v5 =	vnsel vm4, $0xFFFFFFFF, v4;
	_ =	sdelay $0x3  }
0x30: {  	s0 =	simm.s32 $0x70F0;
	(ifvalue) =	ssetifvalue $0xFFFFFFFF  }
0x31: {  	v4 =	vperm.xlane v4, v1;
	[tilespmem:s0], [sflag:$0x8] =	stream.indirect_vreg.gather [hbm4b:s1+s14], $0x1, v5, vm0, $0x4038;
	v5 =	vnsel vm6, $0xFFFFFFFE, v5;
	[tilespmem:$0xFD20] =	vst v63  }
0x32: {  	s2 =	simm.s32 $0x0;
	s16 =	simm.s32 $0x1CE0;
	[tilespmem:s17+$0x0] =	vst v5  }
.LBB2_6:
0x33: {  	v5 =	vld.msk [tilespmem:s16+$0x0 ss:$0x1], $0xffff;
	s2 =	sadd.s32 $0x10, s2;
	v6 =	vmov v4;
	s17 =	smov.u32 s16  }
0x34: {  	p0 =	slt.u32 s2, $0x1BF0;
	_ =	sdelay $0x4  }
0x35: {  	v4 =	vperm.xlane v5, v1;
	(xrf1) =	vunique.msk.u32 $0xffff, v5;
	_ =	sdelay $0xd  }
0x36: {  	v7, _, _ =	vpop (xrf1)  }
0x37: {  	vm5 =	vne.s32 v5, v6;
	vm4 =	veq.s32 v7, v2  }
0x38: {  	vm6 =	vlt.u32 v5, $0x200000;
	vm4 =	vmand vm5, vm4  }
0x39: {  	vm4 =	vmand vm6, vm4  }
0x3a: {  	v5 =	vnsel vm4, $0xFFFFFFFF, v5  }
.Ltmp4:
0x3b: {  	v6 =	vnsel vm6, $0xFFFFFFFE, v5;
	(pc) =	sbr.rel @p0 .LBB2_6-.Ltmp4, $3  }
0x3c: {  	_ =	sdelay $0x1  }
0x3d: {  	s16 =	sadd.s32 $0xFFFFFFF0, s16;
	s0 =	sadd.s32 $0xFFFFFFF0, s0;
	(ifvalue) =	ssetifvalue $0xFFFFFFFF  }
0x3e: {  	[tilespmem:s0], [sflag:$0x8] =	stream.indirect_vreg.gather [hbm4b:s1+s14], $0x1, v5, vm0, $0x4038;
	[tilespmem:s17+$0x0] =	vst v6  }
.Ltmp5:
0x3f: {  	(pc) =	sbr.rel .LBB2_4-.Ltmp5, $4  }
0x40: {  	_ = 	snop  }
0x41: {  	s0 =	sshrl.u32 s30, $0x3  }
0x42: {  	s2 =	simm.s32 $0x8D00;
	s0 =	sadd.s32 s8, s0  }
0x43: {  	[tilespmem:s2], [sflag:$0x8] =	stream.linear.gather [hbm:s0], $0x1C00, $0x38;
	[tilespmem:$0xFD20] =	vst v63  }
.LBB2_11:
0x44: {  	p0 =	seq.s32 s29, $0x2  }
.Ltmp6:
0x45: {  	_ = 	snop;
	(pc) =	sbr.rel @!p0 .LBB2_12-.Ltmp6, $1  }
0x46: {  	_ =	sdelay $0x3  }
0x47: {  	_ =	swait.ge [sflag:s7], $0x3800  }
0x48: {  	[sflag:s7] =	ssyncset.done $0x0  }
0x49: {  	s0 =	simm.s32 $0x1CFF;
	[sflag:s7] =	ssyncadd.s32 $0xFFFFC800  }
0x4a: {  	[spmem:s11] =	stream.linear.scatter [tilespmem:s0], [sflag:$0x1], $0x1, $0x38;
	[tilespmem:$0xFD20] =	vst v63  }
0x4b: {  	_ =	swait.ge [sflag:s3], $0x1  }
0x4c: {  	[sflag:s3] =	ssyncset.done $0x0  }
0x4d: {  	[sflag:s3] =	ssyncadd.s32 $0xFFFFFFFF  }
0x4e: {  	v5 =	vld [tilespmem:$0x10]  }
0x4f: {  	v6 =	vld [tilespmem:$0x70]  }
0x50: {  	v4 =	vld [tilespmem:$0x80];
	_ =	sdelay $0x2  }
0x51: {  	(v2sf) =	vpush v5, $0x0  }
0x52: {  	(v2sf) =	vpush v6, $0x0  }
0x53: {  	(v2sf) =	vpush v4, $0x0;
	_ =	sdelay $0xc  }
0x54: {  	s18 =	spop (v2sf)  }
0x55: {  	s2 =	spop (v2sf)  }
0x56: {  	s30 =	spop (v2sf)  }
0x57: {  	p0 =	seq.s32 s18, s2;
	p1 =	seq.s32 s30, s18  }
0x58: {  	p1 =	por p0, p1  }
0x59: {  	s2 =	simm.s32 $0x10;
	v5 =	vpsel p1, $0xFFFFFFFF, v5  }
0x5a: {  	[tilespmem:s2+$0x0] =	vst.msk $0x1, v5  }
0x5b: {  	v5 =	vld [tilespmem:$0x30]  }
0x5c: {  	v6 =	vld [tilespmem:$0x8D00]  }
0x5d: {  	v7 =	vld [tilespmem:$0x40];
	_ =	sdelay $0x2  }
0x5e: {  	vm4 =	vmmov vm1  }
0x5f: {  	vm5 =	vmmov vm2;
	s16 =	simm.s32 $0x8D00;
	vm4 =	vmmov @p0 vm2;
	v6 =	vmin.f32 v5, v6  }
0x60: {  	vm5 =	vmmov @p1 vm1;
	v5 =	vmin.f32 v5, v7;
	[tilespmem:s16+$0x0] =	vst.msk vm4, v6  }
0x61: {  	[tilespmem:s19+$0x0] =	vst.msk vm5, v5  }
0x62: {  	v5 =	vld [tilespmem:$0x70F0];
	_ =	sdelay $0x4  }
0x63: {  	v5 =	vshift.insert v5, v3, s20;
	_ =	sdelay $0x1  }
0x64: {  	v6 =	vimm.f32 $+Inf;
	[tilespmem:s21+$0x0] =	vst.msk $0x1, v5  }
0x65: {  	[tilespmem:s22+$0x0] =	vst.msk $0x1, v6  }
0x66: {  	v5 =	vld [tilespmem:$0x1CF0];
	_ =	sdelay $0x4  }
0x67: {  	v5 =	vshift.insert v5, v1, s20;
	_ =	sdelay $0x1  }
0x68: {  	s17 =	simm.s32 $0x100;
	[tilespmem:s23+$0x0] =	vst.msk $0x1, v5  }
0x69: {  	v7 =	vld [tilespmem:s17+$0x0]  }
0x6a: {  	v8 =	vld [tilespmem:s16+$0x0];
	_ =	sdelay $0x4  }
0x6b: {  	vm4 =	vne.s32 v7, $0xFFFFFFFF;
	v6 =	vmin.f32 v8, v6  }
0x6c: {  	(xrf0) =	vmin.seg.scan.f32 vm4, v6  }
0x6d: {  	s18 =	simm.s32 $0x5500;
	v8 =	vld [tilespmem:$0xA0]  }
0x6e: {  	v9 =	vld [tilespmem:s18+$0x0];
	_ =	sdelay $0x1  }
0x6f: {  	v6 =	vperm.xlane v5, v1;
	_ =	sdelay $0x1  }
0x70: {  	vm6 =	veq.s32 v7, v4;
	vm7 =	veq.s32 v7, v6;
	vm5 =	veq.s32 v8, $0x1;
	v8, _, _ =	vpop (xrf0)  }
0x71: {  	vm8 =	vgt.u32 v7, $0xFFFFFFFD;
	vm7 =	vmor vm7, vm6;
	v9 =	vmin.f32 v8, v9  }
0x72: {  	s31 =	simm.s32 $0xC500;
	v10 =	vld [tilespmem:$0x90];
	vm7 =	vmor vm7, vm8;
	v9 =	vsel vm6, v8, v9  }
0x73: {  	[tilespmem:s31+$0x0] =	vst v9;
	v9 =	vsel vm7, $0xFFFFFFFF, v7;
	_ =	sdelay $0x1  }
0x74: {  	vm9 =	vmand vm4, vm3  }
0x75: {  	s0 =	simm.s32 $0x0;
	s2 =	simm.s32 $0x8D10;
	s16 =	simm.s32 $0x110;
	v11 =	vsel vm9, $0x7F800000, v8  }
0x76: {  	s17 =	simm.s32 $0xC510;
	s18 =	simm.s32 $0x5510;
	vm4 =	vmor vm5, vm6;
	v7 =	vsel vm6, v8, v10;
	v8 =	vshift.insert v11, v0, s20;
	(ifvalue) =	ssetifvalue $0xFFFFFFFF  }
.LBB2_9:
0x77: {  	[hbm4b:s1+s14] =	stream.indirect_vreg.scatter [tilespmem:s31], [sflag:$0x2], $0x1, v9, vm0, $0x4038;
	[tilespmem:$0xFD20] =	vst v63  }
0x78: {  	s0 =	sadd.s32 $0x10, s0;
	s31 =	smov.u32 s17;
	v9 =	vld [tilespmem:s16+$0x0]  }
0x79: {  	p0 =	slt.u32 s0, $0x1BF0;
	v10 =	vld [tilespmem:s2+$0x0];
	_ =	sdelay $0x4  }
0x7a: {  	vm5 =	vne.s32 v9, $0xFFFFFFFF;
	v8 =	vmin.f32 v10, v8  }
0x7b: {  	(xrf0) =	vmin.seg.scan.f32 vm5, v8;
	_ =	sdelay $0x1  }
0x7c: {  	v8 =	vld [tilespmem:s18+$0x0]  }
0x7d: {  	vm6 =	veq.s32 v9, v4;
	vm7 =	veq.s32 v9, v6  }
0x7e: {  	vm8 =	vgt.u32 v9, $0xFFFFFFFD;
	vm4 =	vmor vm4, vm6;
	vm7 =	vmor vm7, vm6  }
0x7f: {  	vm7 =	vmor vm7, vm8  }
.Ltmp7:
0x80: {  	vm5 =	vmand vm5, vm3;
	v9 =	vsel vm7, $0xFFFFFFFF, v9;
	v10, _, _ =	vpop (xrf0);
	(pc) =	sbr.rel @p0 .LBB2_9-.Ltmp7, $4  }
0x81: {  	v7 =	vsel vm6, v10, v7;
	v8 =	vmin.f32 v10, v8;
	v11 =	vsel vm5, $0x7F800000, v10  }
0x82: {  	v10 =	vsel vm6, v10, v8;
	v8 =	vshift.insert v11, v0, s20  }
0x83: {  	s16 =	sadd.s32 $0x10, s16;
	s2 =	sadd.s32 $0x10, s2;
	[tilespmem:s17+$0x0] =	vst v10  }
0x84: {  	s18 =	sadd.s32 $0x10, s18;
	s17 =	sadd.s32 $0x10, s17;
	(ifvalue) =	ssetifvalue $0xFFFFFFFF  }
0x85: {  	_ =	sdelay $0x3  }
0x86: {  	[hbm4b:s1+s14] =	stream.indirect_vreg.scatter [tilespmem:s31], [sflag:$0x2], $0x1, v9, vm0, $0x4038;
	[tilespmem:$0xFD20] =	vst v63  }
0x87: {  	v4 =	vld [tilespmem:$0xE0F0];
	_ =	sdelay $0x4  }
0x88: {  	v4 =	vshift.insert v4, v3, s20;
	_ =	sdelay $0x1  }
0x89: {  	[tilespmem:s24+$0x0] =	vst.msk $0x1, v4  }
0x8a: {  	v4 =	vsel vm4, $0x1, v1;
	[tilespmem:$0x90] =	vst v7  }
0x8b: {  	[tilespmem:$0xA0] =	vst v4  }
0x8c: {  	[spmem:s12] =	stream.linear.scatter [tilespmem:s25], [sflag:$0x1], $0x1, $0x38;
	[tilespmem:$0xFD20] =	vst v63  }
0x8d: {  	v4 =	vmctz.xlane vm4;
	_ =	swait.ge [sflag:s3], $0x1  }
0x8e: {  	(v2sf) =	vpush v5, $0x0  }
0x8f: {  	(v2sf) =	vpush v4, $0x0;
	_ =	sdelay $0xd  }
0x90: {  	s0 =	spop (v2sf)  }
0x91: {  	s2 =	spop (v2sf)  }
0x92: {  	[sflag:s3] =	ssyncset.done $0x0;
	p0 =	sne.s32 s30, s0;
	p1 =	slt.s32 s2, $0xF  }
0x93: {  	[sflag:s3] =	ssyncadd.s32 $0xFFFFFFFF;
	v4 =	vimm.s32 @!p0 $0xFFFFFFFF;
	s2 =	simm.s32 @!p1 $0xF  }
0x94: {  	[tilespmem:$0x80] =	vst @!p0 v4;
	s31 =	sadd.s32 $0x90, s2  }
0x95: {  	[spmem:s10] =	stream.linear.scatter [tilespmem:s31], [sflag:$0x1], $0x1, $0x38;
	[tilespmem:$0xFD20] =	vst v63  }
0x96: {  	_ =	swait.ge [sflag:s3], $0x1  }
0x97: {  	[sflag:s3] =	ssyncset.done $0x0  }
0x98: {  	[sflag:s3] =	ssyncadd.s32 $0xFFFFFFFF  }
0x99: {  	[spmem:s13] =	stream.linear.scatter [tilespmem:s26], [sflag:$0x1], $0x1, $0x38;
	[tilespmem:$0xFD20] =	vst v63  }
0x9a: {  	_ =	swait.ge [sflag:s3], $0x1  }
0x9b: {  	[sflag:s3] =	ssyncset.done $0x0  }
0x9c: {  	[sflag:s3] =	ssyncadd.s32 $0xFFFFFFFF;
	(ifvalue) =	ssetifvalue $0xFFFFFFFF;
	v4 =	vld [tilespmem:$0x10];
	_ =	sdelay $0x3  }
.Ltmp8:
0x9d: {  	_ = 	snop;
	(pc) =	sbr.rel .LBB2_4-.Ltmp8, $3  }
0x9e: {  	_ =	sdelay $0x1  }
0x9f: {  	(ifvalue) =	ssetifvalue $0xFFFFFFFF  }
0xa0: {  	[hbm4b:s1+s14] =	stream.indirect_vreg.scatter [tilespmem:s19], [sflag:$0x9], $0x1, v4, vm0, $0x4038;
	[tilespmem:$0xFD20] =	vst v63  }
.LBB2_12:
0xa1: {  	s0 =	simm.s32 $0x2  }
0xa2: {  	_ =	swait.ge [sflag:s0], $0x1C00  }
0xa3: {  	[sflag:s0] =	ssyncset.done $0x0  }
0xa4: {  	s31 =	simm.s32 $0x9;
	[sflag:s0] =	ssyncadd.s32 $0xFFFFE400  }
0xa5: {  	_ =	swait.ge [sflag:s31], $0x10  }
0xa6: {  	[sflag:s31] =	ssyncset.done $0x0  }
0xa7: {  	[sflag:s31] =	ssyncadd.s32 $0xFFFFFFF0  }
.LBB2_13:
0xa8: {  	_ =	sfence.sel $0x180000  }
0xa9: {  	s0 =	simm.s32 $0x7;
	[bflag:$0x0] =	sbarrier.arrive $0xFFFF  }
0xaa: {  	s26 =	simm.s32 $0x8;
	[sflag:s0] =	ssyncpa.u1 $0x1  }
0xab: {  	s28 =	simm.s32 $0x9;
	[sflag:s26] =	ssyncpa.u1 $0x1  }
0xac: {  	[sflag:s28] =	ssyncpa.u1 $0x1  }
0xad: {  	_ =	sfence.stream.spmem  }
0xae: {  	s29 =	simm.s32 $0x3;
	[bflag:$0x0] =	sbarrier.arrive $0xFFFF  }
0xaf: {  	s30 =	simm.s32 $0x4;
	[sflag:s29] =	ssyncpa.u1 $0x1  }
0xb0: {  	s31 =	simm.s32 $0x3C;
	s2 =	stileid.u32;
	[sflag:s30] =	ssyncpa.u1 $0x1  }
0xb1: {  	p0 =	sne.s32 s2, $0x0;
	[sflag:s31] =	ssyncpa.u1 $0x1  }
0xb2: {  	s0 =	simm.s32 @p0 $0x1;
	_ =	sfence @p0  }
0xb3: {  	[sflag:s0] =	ssyncpa.u1 @p0 $0x1;
	s0 =	simm.s32 @p0 $0x2  }
0xb4: {  	[sflag:s0] =	ssyncpa.u1 @p0 $0x1  }
0xb5: {  	_ =	strace @p0 $0x90000047  }
0xb6: {  	[bflag:$0x2] =	sbarrier.arrive @p0 $0xFFFF  }
0xb7: {  	_ =	shalt @p0  }
.LBB2_14:
0xb8: {  	_ =	sfence.stream.spmem;
	s0 =	simm.s32 $0x5  }
0xb9: {  	s2 =	simm.s32 $0x80;
	s3 =	simm.s32 $0xC0;
	[sflag:s0] =	ssyncpa.u1 $0x0  }
0xba: {  	[tilespmem:s3], [sflag:$0x5] =	stream.linear.gather [spmem:s2], $0x20, $0x38;
	[tilespmem:$0xFD20] =	vst v63  }
0xbb: {  	s30 =	simm.s32 $0xE0;
	s2 =	simm.s32 $0x0  }
0xbc: {  	[tilespmem:s30], [sflag:$0x5] =	stream.linear.gather [spmem:s2], $0x20, $0x38;
	[tilespmem:$0xFD20] =	vst v63  }
.Ltmp9:
0xbd: {  	_ = 	snop;
	(pc) =	sbr.rel .LBB2_15-.Ltmp9, $4  }
0xbe: {  	_ =	swait.ge [sflag:s0], $0x40  }
0xbf: {  	[sflag:s0] =	ssyncset.done $0x0  }
0xc0: {  	s31 =	simm.s32 $0x6;
	[sflag:s0] =	ssyncadd.s32 $0xFFFFFFC0  }
0xc1: {  	s3 =	simm.s32 $0x0;
	[sflag:s31] =	ssyncpa.u1 $0x0  }
.LBB2_20:
0xc2: {  	p0 =	sgt.u32 s4, $0x1FFFFF  }
0xc3: {  	s0 =	sshrl.u32 @!p0 s4, $0x3  }
0xc4: {  	s4 =	sand.u32 @!p0 $0x7, s4;
	s5 =	simm.s32 @!p0 $0xB0;
	s0 =	sadd.s32 @!p0 s1, s0  }
0xc5: {  	[tilespmem:s5], [sflag:$0x6] =	stream.linear.gather @!p0 [hbm4b:s0+s4], $0x1, $0x38;
	[tilespmem:$0xFD20] =	vst v63  }
0xc6: {  	s0 =	simm.s32 @!p0 $0x6  }
0xc7: {  	_ =	swait.ge @!p0 [sflag:s0], $0x1  }
0xc8: {  	[sflag:s0] =	ssyncset.done @!p0 $0x0  }
0xc9: {  	[sflag:s0] =	ssyncadd.s32 @!p0 $0xFFFFFFFF  }
0xca: {  	v1 =	vld.msk @!p0 [tilespmem:$0xB0], $0x1  }
0xcb: {  	v2 =	vld.msk @!p0 [tilespmem:s3+$0xE0], $0x1;
	_ =	sdelay $0x4  }
0xcc: {  	v1 =	vmin.f32 @!p0 v2, v1  }
0xcd: {  	[tilespmem:s3+$0xE0] =	vst.msk @!p0 $0x1, v1  }
0xce: {  	[tilespmem:s2+$0xC0] =	vst.msk $0x1, v0  }
0xcf: {  	v0 =	vld.msk [tilespmem:s3+$0xE0], $0x1;
	_ =	sdelay $0x4  }
0xd0: {  	[tilespmem:s2+$0xE0] =	vst.msk $0x1, v0;
	s2 =	sadd.s32 $0x1, s2  }
.LBB2_22:
0xd1: {  	s3 =	sadd.s32 $0x1, s3  }
0xd2: {  	p0 =	sne.s32 s3, $0x20  }
.Ltmp10:
0xd3: {  	_ = 	snop;
	(pc) =	sbr.rel @!p0 .LBB2_23-.Ltmp10, $1  }
0xd4: {  	_ =	sdelay $0x3  }
.LBB2_15:
0xd5: {  	v0 =	vld.msk [tilespmem:s3+$0xC0], $0x1;
	_ =	sdelay $0x4  }
0xd6: {  	(v2sf) =	vpush v0, $0x0;
	_ =	sdelay $0xe  }
0xd7: {  	s4 =	spop (v2sf)  }
0xd8: {  	p0 =	seq.s32 s4, $0xFFFFFFFF  }
.Ltmp11:
0xd9: {  	_ = 	snop;
	(pc) =	sbr.rel @p0 .LBB2_22-.Ltmp11, $1  }
0xda: {  	_ =	sdelay $0x3  }
0xdb: {  	p0 =	slt.s32 s2, $0x1  }
.Ltmp12:
0xdc: {  	_ = 	snop;
	(pc) =	sbr.rel @p0 .LBB2_20-.Ltmp12, $1  }
0xdd: {  	_ =	sdelay $0x3  }
0xde: {  	s0 =	simm.s32 $0xC0;
	p0 =	por $0x0, $0x0  }
0xdf: {  	v1 =	vld.msk @!p0 [tilespmem:s0+$0x0], $0x1;
	_ =	sdelay $0x4  }
0xe0: {  	(v2sf) =	vpush @!p0 v1, $0x0;
	_ =	sdelay $0xd  }
0xe1: {  	p2 =	sne.s32 s2, $0x1  }
.Ltmp13:
0xe2: {  	s5 =	spop @!p0 (v2sf);
	(pc) =	sbr.rel @!p2 .LBB2_19-.Ltmp13, $4  }
0xe3: {  	p1 =	seq.s32 @!p0 s4, s5  }
0xe4: {  	s5 =	simm.s32 $0x0;
	p1 =	por !p1, p0  }
0xe5: {  	s7 =	simm.s32 $0xFFFFFFFF;
	s5 =	simm.s32 @p1 $0xFFFFFFFF  }
0xe6: {  	s6 =	simm.s32 $0x1;
	s5 =	smov.u32 @p0 s7  }
.LBB2_18:
0xe7: {  	s7 =	smov.u32 s5;
	p0 =	sne.s32 s5, $0xFFFFFFFF  }
0xe8: {  	s0 =	sadd.s32 $0x1, s0;
	s5 =	smov.u32 s6;
	s6 =	sadd.s32 $0x1, s6  }
0xe9: {  	p1 =	sne.s32 s2, s6;
	v1 =	vld.msk @!p0 [tilespmem:s0+$0x0], $0x1;
	_ =	sdelay $0x4  }
0xea: {  	(v2sf) =	vpush @!p0 v1, $0x0;
	_ =	sdelay $0xe  }
.Ltmp14:
0xeb: {  	s8 =	spop @!p0 (v2sf);
	(pc) =	sbr.rel @p1 .LBB2_18-.Ltmp14, $4  }
0xec: {  	p2 =	seq.s32 @!p0 s4, s8  }
0xed: {  	p2 =	por !p2, p0  }
0xee: {  	s5 =	simm.s32 @p2 $0xFFFFFFFF  }
0xef: {  	s5 =	smov.u32 @p0 s7  }
.LBB2_19:
0xf0: {  	p0 =	sne.s32 s5, $0xFFFFFFFF  }
.Ltmp15:
0xf1: {  	_ = 	snop;
	(pc) =	sbr.rel @!p0 .LBB2_20-.Ltmp15, $1  }
0xf2: {  	_ =	sdelay $0x3  }
0xf3: {  	v0 =	vld.msk [tilespmem:s3+$0xE0], $0x1  }
0xf4: {  	v1 =	vld.msk [tilespmem:s5+$0xE0], $0x1;
	_ =	sdelay $0x1  }
.Ltmp16:
0xf5: {  	_ = 	snop;
	(pc) =	sbr.rel .LBB2_22-.Ltmp16, $3  }
0xf6: {  	_ =	sdelay $0x1  }
0xf7: {  	v0 =	vmin.f32 v1, v0  }
0xf8: {  	[tilespmem:s5+$0xE0] =	vst.msk $0x1, v0  }
.LBB2_23:
0xf9: {  	p0 =	slt.s32 s2, $0x1  }
.Ltmp17:
0xfa: {  	_ = 	snop;
	(pc) =	sbr.rel @p0 .LBB2_27-.Ltmp17, $3  }
0xfb: {  	_ =	sdelay $0x1  }
0xfc: {  	s0 =	simm.s32 $0x6  }
0xfd: {  	s3 =	simm.s32 $0x0;
	[sflag:s0] =	ssyncpa.u1 $0x1  }
0xfe: {  	s0 =	simm.s32 $0xC0  }
0xff: {  	v0 =	vld.msk [tilespmem:s0+$0x0], $0x1;
	_ =	sdelay $0x4  }
0x100: {  	(v2sf) =	vpush v0, $0x0;
	_ =	sdelay $0xe  }
0x101: {  	s2 =	sadd.s32 $0xFFFFFFFF, s2;
	s4 =	spop (v2sf)  }
0x102: {  	p1 =	sne.s32 s2, $0x0;
	p0 =	sgt.u32 s4, $0x1FFFFF  }
.Ltmp18:
0x103: {  	s5 =	sshrl.u32 @!p0 s4, $0x3;
	(pc) =	sbr.rel @!p1 .LBB2_26-.Ltmp18, $4  }
0x104: {  	s0 =	simm.s32 $0xE0;
	s4 =	sand.u32 @!p0 $0x7, s4;
	s5 =	sadd.s32 @!p0 s1, s5  }
0x105: {  	[hbm4b:s5+s4] =	stream.linear.scatter @!p0 [tilespmem:s0], [sflag:$0x5], $0x1, $0x38;
	[tilespmem:$0xFD20] =	vst v63  }
0x106: {  	s5 =	simm.s32 $0x0  }
0x107: {  	s4 =	simm.s32 $0xC1;
	s5 =	simm.s32 @!p0 $0x4  }
.LBB2_25:
0x108: {  	v0 =	vld.msk [tilespmem:s4+$0x0], $0x1;
	s2 =	sadd.s32 $0xFFFFFFFF, s2;
	s3 =	sadd.s32 s3, s5  }
0x109: {  	p0 =	sne.s32 s2, $0x0;
	_ =	sdelay $0x3  }
0x10a: {  	(v2sf) =	vpush v0, $0x0;
	_ =	sdelay $0xe  }
.Ltmp19:
0x10b: {  	s6 =	spop (v2sf);
	(pc) =	sbr.rel @p0 .LBB2_25-.Ltmp19, $4  }
0x10c: {  	s5 =	simm.s32 $0x0;
	p1 =	sgt.u32 s6, $0x1FFFFF  }
0x10d: {  	s0 =	sadd.s32 $0x1, s0;
	s5 =	simm.s32 @!p1 $0x4;
	s7 =	sshrl.u32 @!p1 s6, $0x3  }
0x10e: {  	s4 =	sadd.s32 $0x1, s4;
	s6 =	sand.u32 @!p1 $0x7, s6;
	s7 =	sadd.s32 @!p1 s1, s7  }
0x10f: {  	[hbm4b:s7+s6] =	stream.linear.scatter @!p1 [tilespmem:s0], [sflag:$0x5], $0x1, $0x38;
	[tilespmem:$0xFD20] =	vst v63  }
.LBB2_26:
0x110: {  	s0 =	sadd.s32 s3, s5  }
0x111: {  	s3 =	sshrl.u32 s0, $0x2  }
.LBB2_27:
0x112: {  	s0 =	simm.s32 $0x5  }
0x113: {  	_ =	swait.ge [sflag:s0], s3  }
0x114: {  	s1 =	ssub.s32 $0x0, s3;
	[sflag:s0] =	ssyncset.done $0x0  }
0x115: {  	[sflag:s0] =	ssyncadd.s32 s1  }
0x116: {  	[sflag:s0] =	ssyncpa.u1 $0x1  }
0x117: {  	s29 =	simm.s32 $0x1;
	_ =	sfence  }
0x118: {  	s30 =	simm.s32 $0x2;
	[sflag:s29] =	ssyncpa.u1 $0x1  }
0x119: {  	[sflag:s30] =	ssyncpa.u1 $0x1  }
0x11a: {  	_ =	strace $0x90000047  }
0x11b: {  	[bflag:$0x2] =	sbarrier.arrive $0xFFFF  }
0x11c: {  	s31 =	rddreg [dreg:$0x2]  }
0x11d: {  	s0 =	sadd.s32 $0x100000, s31  }
0x11e: {  	[sflag:s0] =	ssyncadd.tile.s32 $0x1;
	_ =	shalt  }
.Lfunc_end2:
_tile_overlayer_lowered:
.L_overlay_start_2:
0x11f: {  	(tag) =	ssettag $0x2  }
0x120: {  	s0 =	rddreg [dreg:$0x0];
	s2 =	stileid.u32  }
0x121: {  	s1 =	rddreg [dreg:$0x1];
	p0 =	sne.s32 s2, $0x0  }
0x122: {  	s3 =	rddreg [dreg:$0x2];
	[bflag:$0x3] =	sbarrier.arrive $0xFFFF;
	s2 =	simm.s32 @!p0 $0x1C01  }
0x123: {  	[timem:s3], [sflag:s2] =	dma.local @!p0 [hbm:s0], s1  }
0x124: {  	s0 =	simm.s32 @!p0 $0x1  }
0x125: {  	_ =	swait.ge @!p0 [sflag:s0], s1  }
0x126: {  	s1 =	ssub.s32 @!p0 $0x0, s1;
	[sflag:s0] =	ssyncset.done @!p0 $0x0  }
0x127: {  	[sflag:s0] =	ssyncadd.s32 @!p0 s1  }
0x128: {  	[bflag:$0x3] =	sbarrier.arrive $0xFFFF  }
0x129: {  	_ =	shalt  }

</sc_bundles>
